<compile_context>
chip_gen: v7x
topology: tpu7x:2x2x1
jax: 0.10.2.dev20260603
libtpu: 0.0.44.dev20260713+nightly
codegen_flags: <defaults>
</compile_context>

<pallas_src>
import functools

import jax
import jax.numpy as jnp
from jax import lax
from jax.experimental import pallas as pl
from jax.experimental.pallas import tpu as pltpu
from jax.experimental.pallas import tpu_sc as plsc

N = 10000
E = 320000
D = 128
NP = 10240
NC = 2
NS = 16
NW = NC * NS
EPW = E // NW
B = 96
NCH = 105
EPWA = NCH * B
APAD = NW * EPWA - E
RPS = NP // NS
RB = 512
GRID = NP // RB

_mesh = plsc.VectorSubcoreMesh(
    core_axis_name="c", subcore_axis_name="s", num_cores=NC, num_subcores=NS
)


BD = 128
NCHD = 79
EPWD = NCHD * BD
EPAD = NW * EPWD - E


@functools.partial(
    pl.kernel,
    out_type=jax.ShapeDtypeStruct((NC, NP), jnp.float32),
    mesh=_mesh,
    scratch_types=[
        pltpu.VMEM((NCHD, BD), jnp.int32),
        pltpu.VMEM((BD,), jnp.float32),
        pltpu.VMEM((RPS,), jnp.float32),
        pltpu.VMEM_SHARED((NP,), jnp.float32),
        pltpu.SemaphoreType.DMA,
        pltpu.SemaphoreType.DMA,
    ],
)
def _sc_degree(dst_hbm, deg_hbm, didx, ones, zstrip, acc, sem0, sem1):
    cid = lax.axis_index("c")
    sid = lax.axis_index("s")
    w = cid * NS + sid

    pltpu.async_copy(dst_hbm.at[w], didx, sem0)

    def fill_ones(i, _):
        ones[pl.ds(i * 16, 16)] = jnp.ones((16,), jnp.float32)
        return 0

    lax.fori_loop(0, BD // 16, fill_ones, 0)

    def fill_zero(i, _):
        zstrip[pl.ds(i * 16, 16)] = jnp.zeros((16,), jnp.float32)
        return 0

    lax.fori_loop(0, RPS // 16, fill_zero, 0)

    pltpu.sync_copy(zstrip, acc.at[pl.ds(sid * RPS, RPS)])
    pltpu.make_async_copy(dst_hbm.at[w], didx, sem0).wait()
    plsc.subcore_barrier()

    pltpu.async_copy(ones, acc.at[didx.at[0]], sem0, add=True)

    def body(i, _):
        c0 = 2 * i
        c1 = 2 * i + 1
        c2 = 2 * i + 2
        pltpu.async_copy(ones, acc.at[didx.at[c1]], sem1, add=True)
        pltpu.make_async_copy(ones, acc.at[didx.at[c0]], sem0).wait()
        pltpu.async_copy(ones, acc.at[didx.at[c2]], sem0, add=True)
        pltpu.make_async_copy(ones, acc.at[didx.at[c1]], sem1).wait()
        return 0

    lax.fori_loop(0, (NCHD - 1) // 2, body, 0)
    pltpu.make_async_copy(ones, acc.at[didx.at[NCHD - 1]], sem0).wait()
    plsc.subcore_barrier()
    pltpu.sync_copy(
        acc.at[pl.ds(sid * RPS, RPS)], deg_hbm.at[cid, pl.ds(sid * RPS, RPS)]
    )


@functools.partial(
    pl.kernel,
    out_type=jax.ShapeDtypeStruct((NC, NP, D), jnp.float32),
    mesh=_mesh,
    scratch_types=[
        pltpu.VMEM((EPWA,), jnp.int32),
        pltpu.VMEM((NCH, B), jnp.int32),
        pltpu.VMEM((B, D), jnp.float32),
        pltpu.VMEM((B, D), jnp.float32),
        pltpu.VMEM_SHARED((NP, D), jnp.float32),
        pltpu.SemaphoreType.DMA,
        pltpu.SemaphoreType.DMA,
    ],
)
def _sc_aggregate(
    h_hbm, src_hbm, dst_hbm, out_hbm, sidx, didx, rows0, rows1, acc, sem0, sem1
):
    cid = lax.axis_index("c")
    sid = lax.axis_index("s")
    w = cid * NS + sid
    base = sid * RPS

    pltpu.async_copy(src_hbm.at[w], sidx, sem0)
    pltpu.async_copy(dst_hbm.at[w], didx, sem1)

    def fill_zero(r, _):
        for k in range(D // 16):
            rows0[r, pl.ds(k * 16, 16)] = jnp.zeros((16,), jnp.float32)
        return 0

    lax.fori_loop(0, B, fill_zero, 0)
    pltpu.make_async_copy(src_hbm.at[w], sidx, sem0).wait()
    pltpu.make_async_copy(dst_hbm.at[w], didx, sem1).wait()

    pltpu.async_copy(h_hbm.at[sidx.at[pl.ds(0, B)]], rows1, sem1)

    def zero_acc(j, _):
        pltpu.sync_copy(rows0, acc.at[pl.ds(base + j * B, B)])
        return 0

    lax.fori_loop(0, RPS // B, zero_acc, 0)
    if RPS % B:
        pltpu.sync_copy(
            rows0.at[pl.ds(0, RPS % B)],
            acc.at[pl.ds(base + (RPS // B) * B, RPS % B)],
        )
    plsc.subcore_barrier()

    def body(i, _):
        c0 = 2 * i
        c1 = 2 * i + 1
        c2 = 2 * i + 2
        pltpu.async_copy(h_hbm.at[sidx.at[pl.ds(c1 * B, B)]], rows0, sem0)
        pltpu.make_async_copy(h_hbm.at[sidx.at[pl.ds(c0 * B, B)]], rows1, sem1).wait()
        pltpu.sync_copy(rows1, acc.at[didx.at[c0]], add=True)
        pltpu.async_copy(h_hbm.at[sidx.at[pl.ds(c2 * B, B)]], rows1, sem1)
        pltpu.make_async_copy(h_hbm.at[sidx.at[pl.ds(c1 * B, B)]], rows0, sem0).wait()
        pltpu.sync_copy(rows0, acc.at[didx.at[c1]], add=True)
        return 0

    lax.fori_loop(0, (NCH - 1) // 2, body, 0)
    pltpu.make_async_copy(h_hbm.at[sidx.at[pl.ds((NCH - 1) * B, B)]], rows1, sem1).wait()
    pltpu.sync_copy(rows1, acc.at[didx.at[NCH - 1]], add=True)
    plsc.subcore_barrier()
    pltpu.sync_copy(
        acc.at[pl.ds(base, RPS)], out_hbm.at[cid, pl.ds(base, RPS)]
    )


def _dinv(degp_ref):
    deg = degp_ref[0, :] + degp_ref[1, :] + 1.0
    return lax.rsqrt(deg)


def _tc_pre_body(x_ref, w_ref, degp_ref, o_ref):
    dinv = _dinv(degp_ref)
    o_ref[...] = (
        jnp.dot(x_ref[...], w_ref[...], preferred_element_type=jnp.float32)
        * dinv[:, None]
    )


def _tc_mid_body(pp_ref, hh_ref, degp_ref, b_ref, w_ref, o_ref):
    dinv = _dinv(degp_ref)
    p = pp_ref[0] + pp_ref[1] + hh_ref[...]
    h = jnp.maximum(p * dinv[:, None] + b_ref[...][None, :], 0.0)
    o_ref[...] = (
        jnp.dot(h, w_ref[...], preferred_element_type=jnp.float32)
        * dinv[:, None]
    )


def _tc_post_body(pp_ref, hh_ref, degp_ref, b_ref, o_ref):
    dinv = _dinv(degp_ref)
    p = pp_ref[0] + pp_ref[1] + hh_ref[...]
    h = jnp.maximum(p * dinv[:, None] + b_ref[...][None, :], 0.0)
    m = jnp.max(h, axis=1, keepdims=True)
    e = jnp.exp(h - m)
    o_ref[...] = (h - m) - jnp.log(jnp.sum(e, axis=1, keepdims=True))


_row_spec = pl.BlockSpec((RB, D), lambda i: (i, 0))
_w_spec = pl.BlockSpec((D, D), lambda i: (0, 0))
_degp_spec = pl.BlockSpec((NC, RB), lambda i: (0, i))
_pp_spec = pl.BlockSpec((NC, RB, D), lambda i: (0, i, 0))
_b_spec = pl.BlockSpec((D,), lambda i: (0,))

_tc_pre = pl.pallas_call(
    _tc_pre_body,
    grid=(GRID,),
    in_specs=[_row_spec, _w_spec, _degp_spec],
    out_specs=_row_spec,
    out_shape=jax.ShapeDtypeStruct((NP, D), jnp.float32),
)

_tc_mid = pl.pallas_call(
    _tc_mid_body,
    grid=(GRID,),
    in_specs=[_pp_spec, _row_spec, _degp_spec, _b_spec, _w_spec],
    out_specs=_row_spec,
    out_shape=jax.ShapeDtypeStruct((NP, D), jnp.float32),
)

_tc_post = pl.pallas_call(
    _tc_post_body,
    grid=(GRID,),
    in_specs=[_pp_spec, _row_spec, _degp_spec, _b_spec],
    out_specs=_row_spec,
    out_shape=jax.ShapeDtypeStruct((NP, D), jnp.float32),
)


@jax.jit
def _gcn(x, edge_index, W0, b0, W1, b1, W2, b2):
    pad = N + jnp.arange(APAD, dtype=jnp.int32) % (NP - N)
    src = jnp.concatenate([edge_index[0], pad]).reshape(NW, EPWA)
    dst = jnp.concatenate([edge_index[1], pad]).reshape(NW, NCH, B)
    dst_deg = jnp.concatenate(
        [edge_index[1], N + jnp.arange(EPAD, dtype=jnp.int32) % (NP - N)]
    ).reshape(NW, NCHD, BD)
    x_p = jnp.pad(x, ((0, NP - N), (0, 0)))

    degp = _sc_degree(dst_deg)
    hh0 = _tc_pre(x_p, W0, degp)
    pp0 = _sc_aggregate(hh0, src, dst)
    hh1 = _tc_mid(pp0, hh0, degp, b0, W1)
    pp1 = _sc_aggregate(hh1, src, dst)
    hh2 = _tc_mid(pp1, hh1, degp, b1, W2)
    pp2 = _sc_aggregate(hh2, src, dst)
    out = _tc_post(pp2, hh2, degp, b2)
    return out[:N]


def kernel(x, edge_index, W0, b0, W1, b1, W2, b2):
    return _gcn(x, edge_index, W0, b0, W1, b1, W2, b2)

# --- scband reference (transcript-rebuilt; emitter-appended) ---
"""Pipeline reference for scband-pyg-gcn-10282151707718 (READ-ONLY COPY).

The authoritative reference and input builder live on the scoring server;
editing this copy changes nothing except your own understanding.
"""

import jax, jax.numpy as jnp
import numpy as np

N = 10000
E = 320000
D_IN = 128
HID = [128, 128]
D_OUT = 128


def _glorot(key, fan_in, fan_out):
    lim = np.sqrt(6.0 / (fan_in + fan_out))
    return jax.random.uniform(key, (fan_in, fan_out), dtype=jnp.float32, minval=-lim, maxval=lim)


def setup_inputs(seed: int = 0) -> dict:
    key = jax.random.key(seed)
    ks = jax.random.split(key, 8)
    x = jax.random.normal(ks[0], (N, D_IN), dtype=jnp.float32)
    edge_index = jax.random.randint(ks[1], (2, E), 0, N, dtype=jnp.int32)
    W0 = _glorot(ks[2], D_IN, HID[0])
    b0 = jnp.zeros((HID[0],), dtype=jnp.float32)
    W1 = _glorot(ks[3], HID[0], HID[1])
    b1 = jnp.zeros((HID[1],), dtype=jnp.float32)
    W2 = _glorot(ks[4], HID[1], D_OUT)
    b2 = jnp.zeros((D_OUT,), dtype=jnp.float32)
    return {"x": x, "edge_index": edge_index, "W0": W0, "b0": b0, "W1": W1, "b1": b1, "W2": W2, "b2": b2}


def _gcn_conv(x, edge_index, W, b):
    # PyG GCNConv: x' = D^{-1/2} (A + I) D^{-1/2} X W + b
    h = x @ W
    src = edge_index[0]
    dst = edge_index[1]
    loop = jnp.arange(N, dtype=src.dtype)
    src = jnp.concatenate([src, loop])
    dst = jnp.concatenate([dst, loop])
    deg = jax.ops.segment_sum(jnp.ones_like(dst, dtype=h.dtype), dst, num_segments=N)
    dinv = jnp.where(deg > 0, 1.0 / jnp.sqrt(deg), 0.0)
    norm = dinv[src] * dinv[dst]
    msg = h[src] * norm[:, None]
    out = jax.ops.segment_sum(msg, dst, num_segments=N)
    return out + b


def reference(x, edge_index, W0, b0, W1, b1, W2, b2):
    # Layer 0
    h = _gcn_conv(x, edge_index, W0, b0)
    h = jax.nn.relu(h)
    # dropout is identity in eval mode (self.training == False)
    # Layer 1
    h = _gcn_conv(h, edge_index, W1, b1)
    h = jax.nn.relu(h)
    # Layer 2
    h = _gcn_conv(h, edge_index, W2, b2)
    h = jax.nn.relu(h)
    return jax.nn.log_softmax(h, axis=1)

if __name__ == "__main__":
    import jax
    _d = setup_inputs()
    print(jax.jit(kernel)(*tuple(_d.values())))

</pallas_src>

<mosaic_0001>
#map = affine_map<(d0, d1) -> (0, 0)>
#map1 = affine_map<(d0, d1) -> (0, 0, 0)>
module attributes {stable_mosaic.version = 14 : i64} {
  func.func @_sc_aggregate(%arg0: i32, %arg1: i32, %arg2: memref<10240x128xf32, #tpu.memory_space<hbm>>, %arg3: memref<32x10080xi32, #tpu.memory_space<hbm>>, %arg4: memref<32x105x96xi32, #tpu.memory_space<hbm>>, %arg5: memref<2x10240x128xf32, #tpu.memory_space<hbm>>, %arg6: memref<10080xi32, #tpu.memory_space<vmem>>, %arg7: memref<105x96xi32, #tpu.memory_space<vmem>>, %arg8: memref<96x128xf32, #tpu.memory_space<vmem>>, %arg9: memref<96x128xf32, #tpu.memory_space<vmem>>, %arg10: memref<10240x128xf32, #tpu.memory_space<vmem_shared>>, %arg11: memref<!tpu.dma_semaphore, #tpu.memory_space<semaphore_mem>>, %arg12: memref<!tpu.dma_semaphore, #tpu.memory_space<semaphore_mem>>) attributes {dimension_semantics = [#tpu.dimension_semantics<core_parallel>, #tpu.dimension_semantics<subcore_parallel>], iteration_bounds = array<i64: 2, 16>, scalar_prefetch = 0 : i64, scratch_operands = 7 : i64, tpu.core_type = #tpu.core_type<sc_vector_subcore>, window_params = [{transform_indices = #map}, {transform_indices = #map}, {transform_indices = #map1}, {transform_indices = #map1}]} {
    %mul3A = arith.constant 16 : i32
    %mul3A_0 = arith.muli %arg0, %mul3A : i32
    %add3A = arith.addi %mul3A_0, %arg1 : i32
    %mul3A_1 = arith.constant 640 : i32
    %mul3A_2 = arith.muli %arg1, %mul3A_1 : i32
    %dma_start3A = arith.constant 0 : i32
    %dma_start3A_3 = tpu.memref_slice %arg3[%add3A, %dma_start3A] : memref<32x10080xi32, #tpu.memory_space<hbm>> -> memref<1x10080xi32, #tpu.memory_space<hbm>>
    %dma_start3A_4 = tpu.memref_squeeze %dma_start3A_3 : memref<1x10080xi32, #tpu.memory_space<hbm>> -> memref<10080xi32, #tpu.memory_space<hbm>>
    %dma_start3A_5 = arith.constant 0 : i32
    %dma_start3A_6 = tpu.memref_slice %arg3[%add3A, %dma_start3A_5] : memref<32x10080xi32, #tpu.memory_space<hbm>> -> memref<1x10080xi32, #tpu.memory_space<hbm>>
    %dma_start3A_7 = tpu.memref_squeeze %dma_start3A_6 : memref<1x10080xi32, #tpu.memory_space<hbm>> -> memref<10080xi32, #tpu.memory_space<hbm>>
    tpu.enqueue_dma source(%dma_start3A_7 : memref<10080xi32, #tpu.memory_space<hbm>>) target(%arg6 : memref<10080xi32, #tpu.memory_space<vmem>>) target_semaphore(%arg11 : memref<!tpu.dma_semaphore, #tpu.memory_space<semaphore_mem>>)
    %dma_start3A_8 = arith.constant 0 : i32
    %dma_start3A_9 = arith.constant 0 : i32
    %dma_start3A_10 = tpu.memref_slice %arg4[%add3A, %dma_start3A_8, %dma_start3A_9] : memref<32x105x96xi32, #tpu.memory_space<hbm>> -> memref<1x105x96xi32, #tpu.memory_space<hbm>>
    %dma_start3A_11 = tpu.memref_squeeze %dma_start3A_10 : memref<1x105x96xi32, #tpu.memory_space<hbm>> -> memref<105x96xi32, #tpu.memory_space<hbm>>
    %dma_start3A_12 = arith.constant 0 : i32
    %dma_start3A_13 = arith.constant 0 : i32
    %dma_start3A_14 = tpu.memref_slice %arg4[%add3A, %dma_start3A_12, %dma_start3A_13] : memref<32x105x96xi32, #tpu.memory_space<hbm>> -> memref<1x105x96xi32, #tpu.memory_space<hbm>>
    %dma_start3A_15 = tpu.memref_squeeze %dma_start3A_14 : memref<1x105x96xi32, #tpu.memory_space<hbm>> -> memref<105x96xi32, #tpu.memory_space<hbm>>
    tpu.enqueue_dma source(%dma_start3A_15 : memref<105x96xi32, #tpu.memory_space<hbm>>) target(%arg7 : memref<105x96xi32, #tpu.memory_space<vmem>>) target_semaphore(%arg12 : memref<!tpu.dma_semaphore, #tpu.memory_space<semaphore_mem>>)
    %scan3A = arith.constant 0 : i32
    %scan3A_16 = arith.constant 0 : i32
    %scan3A_17 = arith.constant 96 : i32
    %scan3A_18 = arith.addi %scan3A_16, %scan3A_17 : i32
    %scan3A_19 = arith.constant 1 : i32
    %scan3A_20 = scf.for %scan3A_62 = %scan3A_16 to %scan3A_18 step %scan3A_19 iter_args(%scan3A_63 = %scan3A) -> (i32)  : i32 {
      %broadcast_in_dim3A = arith.constant 0.000000e+00 : f32
      %broadcast_in_dim3A_64 = vector.broadcast %broadcast_in_dim3A : f32 to vector<16xf32>
      %swap3A = arith.index_cast %scan3A_62 : i32 to index
      %swap3A_65 = arith.constant 0 : index
      %swap3A_66 = tpu.vector_load %arg8[%swap3A, %swap3A_65] {strides = array<i32>} : memref<96x128xf32, #tpu.memory_space<vmem>>, vector<1x16xf32>,
      %swap3A_67 = vector.shape_cast %swap3A_66 : vector<1x16xf32> to vector<16xf32>
      %swap3A_68 = vector.shape_cast %broadcast_in_dim3A_64 : vector<16xf32> to vector<1x16xf32>
      tpu.vector_store %arg8[%swap3A, %swap3A_65], %swap3A_68 {strides = array<i32>} : memref<96x128xf32, #tpu.memory_space<vmem>>, vector<1x16xf32>,
      %broadcast_in_dim3A_69 = arith.constant 0.000000e+00 : f32
      %broadcast_in_dim3A_70 = vector.broadcast %broadcast_in_dim3A_69 : f32 to vector<16xf32>
      %swap3A_71 = arith.index_cast %scan3A_62 : i32 to index
      %swap3A_72 = arith.constant 16 : index
      %swap3A_73 = tpu.vector_load %arg8[%swap3A_71, %swap3A_72] {strides = array<i32>} : memref<96x128xf32, #tpu.memory_space<vmem>>, vector<1x16xf32>,
      %swap3A_74 = vector.shape_cast %swap3A_73 : vector<1x16xf32> to vector<16xf32>
      %swap3A_75 = vector.shape_cast %broadcast_in_dim3A_70 : vector<16xf32> to vector<1x16xf32>
      tpu.vector_store %arg8[%swap3A_71, %swap3A_72], %swap3A_75 {strides = array<i32>} : memref<96x128xf32, #tpu.memory_space<vmem>>, vector<1x16xf32>,
      %broadcast_in_dim3A_76 = arith.constant 0.000000e+00 : f32
      %broadcast_in_dim3A_77 = vector.broadcast %broadcast_in_dim3A_76 : f32 to vector<16xf32>
      %swap3A_78 = arith.index_cast %scan3A_62 : i32 to index
      %swap3A_79 = arith.constant 32 : index
      %swap3A_80 = tpu.vector_load %arg8[%swap3A_78, %swap3A_79] {strides = array<i32>} : memref<96x128xf32, #tpu.memory_space<vmem>>, vector<1x16xf32>,
      %swap3A_81 = vector.shape_cast %swap3A_80 : vector<1x16xf32> to vector<16xf32>
      %swap3A_82 = vector.shape_cast %broadcast_in_dim3A_77 : vector<16xf32> to vector<1x16xf32>
      tpu.vector_store %arg8[%swap3A_78, %swap3A_79], %swap3A_82 {strides = array<i32>} : memref<96x128xf32, #tpu.memory_space<vmem>>, vector<1x16xf32>,
      %broadcast_in_dim3A_83 = arith.constant 0.000000e+00 : f32
      %broadcast_in_dim3A_84 = vector.broadcast %broadcast_in_dim3A_83 : f32 to vector<16xf32>
      %swap3A_85 = arith.index_cast %scan3A_62 : i32 to index
      %swap3A_86 = arith.constant 48 : index
      %swap3A_87 = tpu.vector_load %arg8[%swap3A_85, %swap3A_86] {strides = array<i32>} : memref<96x128xf32, #tpu.memory_space<vmem>>, vector<1x16xf32>,
      %swap3A_88 = vector.shape_cast %swap3A_87 : vector<1x16xf32> to vector<16xf32>
      %swap3A_89 = vector.shape_cast %broadcast_in_dim3A_84 : vector<16xf32> to vector<1x16xf32>
      tpu.vector_store %arg8[%swap3A_85, %swap3A_86], %swap3A_89 {strides = array<i32>} : memref<96x128xf32, #tpu.memory_space<vmem>>, vector<1x16xf32>,
      %broadcast_in_dim3A_90 = arith.constant 0.000000e+00 : f32
      %broadcast_in_dim3A_91 = vector.broadcast %broadcast_in_dim3A_90 : f32 to vector<16xf32>
      %swap3A_92 = arith.index_cast %scan3A_62 : i32 to index
      %swap3A_93 = arith.constant 64 : index
      %swap3A_94 = tpu.vector_load %arg8[%swap3A_92, %swap3A_93] {strides = array<i32>} : memref<96x128xf32, #tpu.memory_space<vmem>>, vector<1x16xf32>,
      %swap3A_95 = vector.shape_cast %swap3A_94 : vector<1x16xf32> to vector<16xf32>
      %swap3A_96 = vector.shape_cast %broadcast_in_dim3A_91 : vector<16xf32> to vector<1x16xf32>
      tpu.vector_store %arg8[%swap3A_92, %swap3A_93], %swap3A_96 {strides = array<i32>} : memref<96x128xf32, #tpu.memory_space<vmem>>, vector<1x16xf32>,
      %broadcast_in_dim3A_97 = arith.constant 0.000000e+00 : f32
      %broadcast_in_dim3A_98 = vector.broadcast %broadcast_in_dim3A_97 : f32 to vector<16xf32>
      %swap3A_99 = arith.index_cast %scan3A_62 : i32 to index
      %swap3A_100 = arith.constant 80 : index
      %swap3A_101 = tpu.vector_load %arg8[%swap3A_99, %swap3A_100] {strides = array<i32>} : memref<96x128xf32, #tpu.memory_space<vmem>>, vector<1x16xf32>,
      %swap3A_102 = vector.shape_cast %swap3A_101 : vector<1x16xf32> to vector<16xf32>
      %swap3A_103 = vector.shape_cast %broadcast_in_dim3A_98 : vector<16xf32> to vector<1x16xf32>
      tpu.vector_store %arg8[%swap3A_99, %swap3A_100], %swap3A_103 {strides = array<i32>} : memref<96x128xf32, #tpu.memory_space<vmem>>, vector<1x16xf32>,
      %broadcast_in_dim3A_104 = arith.constant 0.000000e+00 : f32
      %broadcast_in_dim3A_105 = vector.broadcast %broadcast_in_dim3A_104 : f32 to vector<16xf32>
      %swap3A_106 = arith.index_cast %scan3A_62 : i32 to index
      %swap3A_107 = arith.constant 96 : index
      %swap3A_108 = tpu.vector_load %arg8[%swap3A_106, %swap3A_107] {strides = array<i32>} : memref<96x128xf32, #tpu.memory_space<vmem>>, vector<1x16xf32>,
      %swap3A_109 = vector.shape_cast %swap3A_108 : vector<1x16xf32> to vector<16xf32>
      %swap3A_110 = vector.shape_cast %broadcast_in_dim3A_105 : vector<16xf32> to vector<1x16xf32>
      tpu.vector_store %arg8[%swap3A_106, %swap3A_107], %swap3A_110 {strides = array<i32>} : memref<96x128xf32, #tpu.memory_space<vmem>>, vector<1x16xf32>,
      %broadcast_in_dim3A_111 = arith.constant 0.000000e+00 : f32
      %broadcast_in_dim3A_112 = vector.broadcast %broadcast_in_dim3A_111 : f32 to vector<16xf32>
      %swap3A_113 = arith.index_cast %scan3A_62 : i32 to index
      %swap3A_114 = arith.constant 112 : index
      %swap3A_115 = tpu.vector_load %arg8[%swap3A_113, %swap3A_114] {strides = array<i32>} : memref<96x128xf32, #tpu.memory_space<vmem>>, vector<1x16xf32>,
      %swap3A_116 = vector.shape_cast %swap3A_115 : vector<1x16xf32> to vector<16xf32>
      %swap3A_117 = vector.shape_cast %broadcast_in_dim3A_112 : vector<16xf32> to vector<1x16xf32>
      tpu.vector_store %arg8[%swap3A_113, %swap3A_114], %swap3A_117 {strides = array<i32>} : memref<96x128xf32, #tpu.memory_space<vmem>>, vector<1x16xf32>,
      %scan3A_118 = arith.constant 0 : i32
      scf.yield %scan3A_118 : i32
    }
    %scan3A_21 = arith.constant 96 : i32
    %dma_wait3A = arith.constant 0 : i32
    %dma_wait3A_22 = tpu.memref_slice %arg3[%add3A, %dma_wait3A] : memref<32x10080xi32, #tpu.memory_space<hbm>> -> memref<1x10080xi32, #tpu.memory_space<hbm>>
    %dma_wait3A_23 = tpu.memref_squeeze %dma_wait3A_22 : memref<1x10080xi32, #tpu.memory_space<hbm>> -> memref<10080xi32, #tpu.memory_space<hbm>>
    %dma_wait3A_24 = arith.constant 0 : i32
    %dma_wait3A_25 = tpu.memref_slice %arg3[%add3A, %dma_wait3A_24] : memref<32x10080xi32, #tpu.memory_space<hbm>> -> memref<1x10080xi32, #tpu.memory_space<hbm>>
    %dma_wait3A_26 = tpu.memref_squeeze %dma_wait3A_25 : memref<1x10080xi32, #tpu.memory_space<hbm>> -> memref<10080xi32, #tpu.memory_space<hbm>>
    tpu.wait_dma2 semaphore(%arg11 : memref<!tpu.dma_semaphore, #tpu.memory_space<semaphore_mem>>) src(%dma_wait3A_26 : memref<10080xi32, #tpu.memory_space<hbm>>) dst(%arg6 : memref<10080xi32, #tpu.memory_space<vmem>>)
    %dma_wait3A_27 = arith.constant 0 : i32
    %dma_wait3A_28 = arith.constant 0 : i32
    %dma_wait3A_29 = tpu.memref_slice %arg4[%add3A, %dma_wait3A_27, %dma_wait3A_28] : memref<32x105x96xi32, #tpu.memory_space<hbm>> -> memref<1x105x96xi32, #tpu.memory_space<hbm>>
    %dma_wait3A_30 = tpu.memref_squeeze %dma_wait3A_29 : memref<1x105x96xi32, #tpu.memory_space<hbm>> -> memref<105x96xi32, #tpu.memory_space<hbm>>
    %dma_wait3A_31 = arith.constant 0 : i32
    %dma_wait3A_32 = arith.constant 0 : i32
    %dma_wait3A_33 = tpu.memref_slice %arg4[%add3A, %dma_wait3A_31, %dma_wait3A_32] : memref<32x105x96xi32, #tpu.memory_space<hbm>> -> memref<1x105x96xi32, #tpu.memory_space<hbm>>
    %dma_wait3A_34 = tpu.memref_squeeze %dma_wait3A_33 : memref<1x105x96xi32, #tpu.memory_space<hbm>> -> memref<105x96xi32, #tpu.memory_space<hbm>>
    tpu.wait_dma2 semaphore(%arg12 : memref<!tpu.dma_semaphore, #tpu.memory_space<semaphore_mem>>) src(%dma_wait3A_34 : memref<105x96xi32, #tpu.memory_space<hbm>>) dst(%arg7 : memref<105x96xi32, #tpu.memory_space<vmem>>)
    %dma_start3A_35 = arith.constant 0 : i32
    %dma_start3A_36 = tpu.memref_slice %arg6[%dma_start3A_35] : memref<10080xi32, #tpu.memory_space<vmem>> -> memref<96xi32, #tpu.memory_space<vmem>>
    %dma_start3A_37 = arith.constant 0 : i32
    %dma_start3A_38 = arith.constant 0 : i32
    %dma_start3A_39 = tpu.memref_slice %arg2[%dma_start3A_37, %dma_start3A_38] : memref<10240x128xf32, #tpu.memory_space<hbm>> -> memref<10240x128xf32, #tpu.memory_space<hbm>>
    tpu.enqueue_indirect_dma source(%dma_start3A_39 : memref<10240x128xf32, #tpu.memory_space<hbm>>) target(%arg9 : memref<96x128xf32, #tpu.memory_space<vmem>>) offsets(%dma_start3A_36 : memref<96xi32, #tpu.memory_space<vmem>>) semaphore(%arg12 : memref<!tpu.dma_semaphore, #tpu.memory_space<semaphore_mem>>)
    %scan3A_40 = arith.constant 0 : i32
    %scan3A_41 = arith.constant 0 : i32
    %scan3A_42 = arith.constant 6 : i32
    %scan3A_43 = arith.addi %scan3A_41, %scan3A_42 : i32
    %scan3A_44 = arith.constant 1 : i32
    %scan3A_45 = scf.for %scan3A_62 = %scan3A_41 to %scan3A_43 step %scan3A_44 iter_args(%scan3A_63 = %scan3A_40) -> (i32)  : i32 {
      %mul3A_64 = arith.constant 96 : i32
      %mul3A_65 = arith.muli %scan3A_62, %mul3A_64 : i32
      %add3A_66 = arith.addi %mul3A_2, %mul3A_65 : i32
      "tpu.region"() ({
        %run_scoped3A_68 = tpu.sem_alloc : memref<!tpu.dma_semaphore, #tpu.memory_space<semaphore_mem>>
        %dma_start3A_69 = arith.constant 0 : i32
        %dma_start3A_70 = tpu.memref_slice %arg10[%add3A_66, %dma_start3A_69] : memref<10240x128xf32, #tpu.memory_space<vmem_shared>> -> memref<96x128xf32, #tpu.memory_space<vmem_shared>>
        %dma_start3A_71 = arith.constant 0 : i32
        %dma_start3A_72 = tpu.memref_slice %arg10[%add3A_66, %dma_start3A_71] : memref<10240x128xf32, #tpu.memory_space<vmem_shared>> -> memref<96x128xf32, #tpu.memory_space<vmem_shared>>
        tpu.enqueue_dma source(%arg8 : memref<96x128xf32, #tpu.memory_space<vmem>>) target(%dma_start3A_72 : memref<96x128xf32, #tpu.memory_space<vmem_shared>>) target_semaphore(%run_scoped3A_68 : memref<!tpu.dma_semaphore, #tpu.memory_space<semaphore_mem>>)
        %dma_wait3A_73 = arith.constant 0 : i32
        %dma_wait3A_74 = tpu.memref_slice %arg10[%add3A_66, %dma_wait3A_73] : memref<10240x128xf32, #tpu.memory_space<vmem_shared>> -> memref<96x128xf32, #tpu.memory_space<vmem_shared>>
        %dma_wait3A_75 = arith.constant 0 : i32
        %dma_wait3A_76 = tpu.memref_slice %arg10[%add3A_66, %dma_wait3A_75] : memref<10240x128xf32, #tpu.memory_space<vmem_shared>> -> memref<96x128xf32, #tpu.memory_space<vmem_shared>>
        tpu.wait_dma2 semaphore(%run_scoped3A_68 : memref<!tpu.dma_semaphore, #tpu.memory_space<semaphore_mem>>) src(%arg8 : memref<96x128xf32, #tpu.memory_space<vmem>>) dst(%dma_wait3A_76 : memref<96x128xf32, #tpu.memory_space<vmem_shared>>)
        tpu.yield
      }) : () -> ()
      %scan3A_67 = arith.constant 0 : i32
      scf.yield %scan3A_67 : i32
    }
    %scan3A_46 = arith.constant 6 : i32
    %add3A_47 = arith.constant 576 : i32
    %add3A_48 = arith.addi %mul3A_2, %add3A_47 : i32
    "tpu.region"() ({
      %run_scoped3A_62 = tpu.sem_alloc : memref<!tpu.dma_semaphore, #tpu.memory_space<semaphore_mem>>
      %dma_start3A_63 = arith.constant 0 : i32
      %dma_start3A_64 = arith.constant 0 : i32
      %dma_start3A_65 = tpu.memref_slice %arg8[%dma_start3A_63, %dma_start3A_64] : memref<96x128xf32, #tpu.memory_space<vmem>> -> memref<64x128xf32, #tpu.memory_space<vmem>>
      %dma_start3A_66 = arith.constant 0 : i32
      %dma_start3A_67 = tpu.memref_slice %arg10[%add3A_48, %dma_start3A_66] : memref<10240x128xf32, #tpu.memory_space<vmem_shared>> -> memref<64x128xf32, #tpu.memory_space<vmem_shared>>
      %dma_start3A_68 = arith.constant 0 : i32
      %dma_start3A_69 = tpu.memref_slice %arg10[%add3A_48, %dma_start3A_68] : memref<10240x128xf32, #tpu.memory_space<vmem_shared>> -> memref<64x128xf32, #tpu.memory_space<vmem_shared>>
      %dma_start3A_70 = arith.constant 0 : i32
      %dma_start3A_71 = arith.constant 0 : i32
      %dma_start3A_72 = tpu.memref_slice %arg8[%dma_start3A_70, %dma_start3A_71] : memref<96x128xf32, #tpu.memory_space<vmem>> -> memref<64x128xf32, #tpu.memory_space<vmem>>
      tpu.enqueue_dma source(%dma_start3A_72 : memref<64x128xf32, #tpu.memory_space<vmem>>) target(%dma_start3A_69 : memref<64x128xf32, #tpu.memory_space<vmem_shared>>) target_semaphore(%run_scoped3A_62 : memref<!tpu.dma_semaphore, #tpu.memory_space<semaphore_mem>>)
      %dma_wait3A_73 = arith.constant 0 : i32
      %dma_wait3A_74 = arith.constant 0 : i32
      %dma_wait3A_75 = tpu.memref_slice %arg8[%dma_wait3A_73, %dma_wait3A_74] : memref<96x128xf32, #tpu.memory_space<vmem>> -> memref<64x128xf32, #tpu.memory_space<vmem>>
      %dma_wait3A_76 = arith.constant 0 : i32
      %dma_wait3A_77 = tpu.memref_slice %arg10[%add3A_48, %dma_wait3A_76] : memref<10240x128xf32, #tpu.memory_space<vmem_shared>> -> memref<64x128xf32, #tpu.memory_space<vmem_shared>>
      %dma_wait3A_78 = arith.constant 0 : i32
      %dma_wait3A_79 = tpu.memref_slice %arg10[%add3A_48, %dma_wait3A_78] : memref<10240x128xf32, #tpu.memory_space<vmem_shared>> -> memref<64x128xf32, #tpu.memory_space<vmem_shared>>
      %dma_wait3A_80 = arith.constant 0 : i32
      %dma_wait3A_81 = arith.constant 0 : i32
      %dma_wait3A_82 = tpu.memref_slice %arg8[%dma_wait3A_80, %dma_wait3A_81] : memref<96x128xf32, #tpu.memory_space<vmem>> -> memref<64x128xf32, #tpu.memory_space<vmem>>
      tpu.wait_dma2 semaphore(%run_scoped3A_62 : memref<!tpu.dma_semaphore, #tpu.memory_space<semaphore_mem>>) src(%dma_wait3A_82 : memref<64x128xf32, #tpu.memory_space<vmem>>) dst(%dma_wait3A_79 : memref<64x128xf32, #tpu.memory_space<vmem_shared>>)
      tpu.yield
    }) : () -> ()
    %barrier3A = arith.constant 0 : index
    tpu.barrier barrier_id(%barrier3A)
    %scan3A_49 = arith.constant 0 : i32
    %scan3A_50 = arith.constant 0 : i32
    %scan3A_51 = arith.constant 52 : i32
    %scan3A_52 = arith.addi %scan3A_50, %scan3A_51 : i32
    %scan3A_53 = arith.constant 1 : i32
    %scan3A_54 = scf.for %scan3A_62 = %scan3A_50 to %scan3A_52 step %scan3A_53 iter_args(%scan3A_63 = %scan3A_49) -> (i32)  : i32 {
      %mul3A_64 = arith.constant 2 : i32
      %mul3A_65 = arith.muli %mul3A_64, %scan3A_62 : i32
      %mul3A_66 = arith.constant 2 : i32
      %mul3A_67 = arith.muli %mul3A_66, %scan3A_62 : i32
      %add3A_68 = arith.constant 1 : i32
      %add3A_69 = arith.addi %mul3A_67, %add3A_68 : i32
      %mul3A_70 = arith.constant 2 : i32
      %mul3A_71 = arith.muli %mul3A_70, %scan3A_62 : i32
      %add3A_72 = arith.constant 2 : i32
      %add3A_73 = arith.addi %mul3A_71, %add3A_72 : i32
      %mul3A_74 = arith.constant 96 : i32
      %mul3A_75 = arith.muli %add3A_69, %mul3A_74 : i32
      %dma_start3A_76 = tpu.memref_slice %arg6[%mul3A_75] : memref<10080xi32, #tpu.memory_space<vmem>> -> memref<96xi32, #tpu.memory_space<vmem>>
      %dma_start3A_77 = arith.constant 0 : i32
      %dma_start3A_78 = arith.constant 0 : i32
      %dma_start3A_79 = tpu.memref_slice %arg2[%dma_start3A_77, %dma_start3A_78] : memref<10240x128xf32, #tpu.memory_space<hbm>> -> memref<10240x128xf32, #tpu.memory_space<hbm>>
      tpu.enqueue_indirect_dma source(%dma_start3A_79 : memref<10240x128xf32, #tpu.memory_space<hbm>>) target(%arg8 : memref<96x128xf32, #tpu.memory_space<vmem>>) offsets(%dma_start3A_76 : memref<96xi32, #tpu.memory_space<vmem>>) semaphore(%arg11 : memref<!tpu.dma_semaphore, #tpu.memory_space<semaphore_mem>>)
      %mul3A_80 = arith.constant 96 : i32
      %mul3A_81 = arith.muli %mul3A_65, %mul3A_80 : i32
      %dma_wait3A_82 = tpu.memref_slice %arg6[%mul3A_81] : memref<10080xi32, #tpu.memory_space<vmem>> -> memref<96xi32, #tpu.memory_space<vmem>>
      %dma_wait3A_83 = arith.constant 0 : i32
      %dma_wait3A_84 = arith.constant 0 : i32
      %dma_wait3A_85 = tpu.memref_slice %arg2[%dma_wait3A_83, %dma_wait3A_84] : memref<10240x128xf32, #tpu.memory_space<hbm>> -> memref<10240x128xf32, #tpu.memory_space<hbm>>
      tpu.wait_indirect_dma semaphore(%arg12 : memref<!tpu.dma_semaphore, #tpu.memory_space<semaphore_mem>>) src(%dma_wait3A_85 : memref<10240x128xf32, #tpu.memory_space<hbm>>) dst(%arg9 : memref<96x128xf32, #tpu.memory_space<vmem>>)
      "tpu.region"() ({
        %run_scoped3A_99 = tpu.sem_alloc : memref<!tpu.dma_semaphore, #tpu.memory_space<semaphore_mem>>
        %dma_start3A_100 = arith.constant 0 : i32
        %dma_start3A_101 = tpu.memref_slice %arg7[%mul3A_65, %dma_start3A_100] : memref<105x96xi32, #tpu.memory_space<vmem>> -> memref<1x96xi32, #tpu.memory_space<vmem>>
        %dma_start3A_102 = tpu.memref_squeeze %dma_start3A_101 : memref<1x96xi32, #tpu.memory_space<vmem>> -> memref<96xi32, #tpu.memory_space<vmem>>
        %dma_start3A_103 = arith.constant 0 : i32
        %dma_start3A_104 = arith.constant 0 : i32
        %dma_start3A_105 = tpu.memref_slice %arg10[%dma_start3A_103, %dma_start3A_104] : memref<10240x128xf32, #tpu.memory_space<vmem_shared>> -> memref<10240x128xf32, #tpu.memory_space<vmem_shared>>
        tpu.enqueue_indirect_dma source(%arg9 : memref<96x128xf32, #tpu.memory_space<vmem>>) target(%dma_start3A_105 : memref<10240x128xf32, #tpu.memory_space<vmem_shared>>) offsets(%dma_start3A_102 : memref<96xi32, #tpu.memory_space<vmem>>) semaphore(%run_scoped3A_99 : memref<!tpu.dma_semaphore, #tpu.memory_space<semaphore_mem>>) {add = true}
        %dma_wait3A_106 = arith.constant 0 : i32
        %dma_wait3A_107 = tpu.memref_slice %arg7[%mul3A_65, %dma_wait3A_106] : memref<105x96xi32, #tpu.memory_space<vmem>> -> memref<1x96xi32, #tpu.memory_space<vmem>>
        %dma_wait3A_108 = tpu.memref_squeeze %dma_wait3A_107 : memref<1x96xi32, #tpu.memory_space<vmem>> -> memref<96xi32, #tpu.memory_space<vmem>>
        %dma_wait3A_109 = arith.constant 0 : i32
        %dma_wait3A_110 = arith.constant 0 : i32
        %dma_wait3A_111 = tpu.memref_slice %arg10[%dma_wait3A_109, %dma_wait3A_110] : memref<10240x128xf32, #tpu.memory_space<vmem_shared>> -> memref<10240x128xf32, #tpu.memory_space<vmem_shared>>
        tpu.wait_indirect_dma semaphore(%run_scoped3A_99 : memref<!tpu.dma_semaphore, #tpu.memory_space<semaphore_mem>>) src(%arg9 : memref<96x128xf32, #tpu.memory_space<vmem>>) dst(%dma_wait3A_111 : memref<10240x128xf32, #tpu.memory_space<vmem_shared>>)
        tpu.yield
      }) : () -> ()
      %mul3A_86 = arith.constant 96 : i32
      %mul3A_87 = arith.muli %add3A_73, %mul3A_86 : i32
      %dma_start3A_88 = tpu.memref_slice %arg6[%mul3A_87] : memref<10080xi32, #tpu.memory_space<vmem>> -> memref<96xi32, #tpu.memory_space<vmem>>
      %dma_start3A_89 = arith.constant 0 : i32
      %dma_start3A_90 = arith.constant 0 : i32
      %dma_start3A_91 = tpu.memref_slice %arg2[%dma_start3A_89, %dma_start3A_90] : memref<10240x128xf32, #tpu.memory_space<hbm>> -> memref<10240x128xf32, #tpu.memory_space<hbm>>
      tpu.enqueue_indirect_dma source(%dma_start3A_91 : memref<10240x128xf32, #tpu.memory_space<hbm>>) target(%arg9 : memref<96x128xf32, #tpu.memory_space<vmem>>) offsets(%dma_start3A_88 : memref<96xi32, #tpu.memory_space<vmem>>) semaphore(%arg12 : memref<!tpu.dma_semaphore, #tpu.memory_space<semaphore_mem>>)
      %mul3A_92 = arith.constant 96 : i32
      %mul3A_93 = arith.muli %add3A_69, %mul3A_92 : i32
      %dma_wait3A_94 = tpu.memref_slice %arg6[%mul3A_93] : memref<10080xi32, #tpu.memory_space<vmem>> -> memref<96xi32, #tpu.memory_space<vmem>>
      %dma_wait3A_95 = arith.constant 0 : i32
      %dma_wait3A_96 = arith.constant 0 : i32
      %dma_wait3A_97 = tpu.memref_slice %arg2[%dma_wait3A_95, %dma_wait3A_96] : memref<10240x128xf32, #tpu.memory_space<hbm>> -> memref<10240x128xf32, #tpu.memory_space<hbm>>
      tpu.wait_indirect_dma semaphore(%arg11 : memref<!tpu.dma_semaphore, #tpu.memory_space<semaphore_mem>>) src(%dma_wait3A_97 : memref<10240x128xf32, #tpu.memory_space<hbm>>) dst(%arg8 : memref<96x128xf32, #tpu.memory_space<vmem>>)
      "tpu.region"() ({
        %run_scoped3A_99 = tpu.sem_alloc : memref<!tpu.dma_semaphore, #tpu.memory_space<semaphore_mem>>
        %dma_start3A_100 = arith.constant 0 : i32
        %dma_start3A_101 = tpu.memref_slice %arg7[%add3A_69, %dma_start3A_100] : memref<105x96xi32, #tpu.memory_space<vmem>> -> memref<1x96xi32, #tpu.memory_space<vmem>>
        %dma_start3A_102 = tpu.memref_squeeze %dma_start3A_101 : memref<1x96xi32, #tpu.memory_space<vmem>> -> memref<96xi32, #tpu.memory_space<vmem>>
        %dma_start3A_103 = arith.constant 0 : i32
        %dma_start3A_104 = arith.constant 0 : i32
        %dma_start3A_105 = tpu.memref_slice %arg10[%dma_start3A_103, %dma_start3A_104] : memref<10240x128xf32, #tpu.memory_space<vmem_shared>> -> memref<10240x128xf32, #tpu.memory_space<vmem_shared>>
        tpu.enqueue_indirect_dma source(%arg8 : memref<96x128xf32, #tpu.memory_space<vmem>>) target(%dma_start3A_105 : memref<10240x128xf32, #tpu.memory_space<vmem_shared>>) offsets(%dma_start3A_102 : memref<96xi32, #tpu.memory_space<vmem>>) semaphore(%run_scoped3A_99 : memref<!tpu.dma_semaphore, #tpu.memory_space<semaphore_mem>>) {add = true}
        %dma_wait3A_106 = arith.constant 0 : i32
        %dma_wait3A_107 = tpu.memref_slice %arg7[%add3A_69, %dma_wait3A_106] : memref<105x96xi32, #tpu.memory_space<vmem>> -> memref<1x96xi32, #tpu.memory_space<vmem>>
        %dma_wait3A_108 = tpu.memref_squeeze %dma_wait3A_107 : memref<1x96xi32, #tpu.memory_space<vmem>> -> memref<96xi32, #tpu.memory_space<vmem>>
        %dma_wait3A_109 = arith.constant 0 : i32
        %dma_wait3A_110 = arith.constant 0 : i32
        %dma_wait3A_111 = tpu.memref_slice %arg10[%dma_wait3A_109, %dma_wait3A_110] : memref<10240x128xf32, #tpu.memory_space<vmem_shared>> -> memref<10240x128xf32, #tpu.memory_space<vmem_shared>>
        tpu.wait_indirect_dma semaphore(%run_scoped3A_99 : memref<!tpu.dma_semaphore, #tpu.memory_space<semaphore_mem>>) src(%arg8 : memref<96x128xf32, #tpu.memory_space<vmem>>) dst(%dma_wait3A_111 : memref<10240x128xf32, #tpu.memory_space<vmem_shared>>)
        tpu.yield
      }) : () -> ()
      %scan3A_98 = arith.constant 0 : i32
      scf.yield %scan3A_98 : i32
    }
    %scan3A_55 = arith.constant 52 : i32
    %dma_wait3A_56 = arith.constant 9984 : i32
    %dma_wait3A_57 = tpu.memref_slice %arg6[%dma_wait3A_56] : memref<10080xi32, #tpu.memory_space<vmem>> -> memref<96xi32, #tpu.memory_space<vmem>>
    %dma_wait3A_58 = arith.constant 0 : i32
    %dma_wait3A_59 = arith.constant 0 : i32
    %dma_wait3A_60 = tpu.memref_slice %arg2[%dma_wait3A_58, %dma_wait3A_59] : memref<10240x128xf32, #tpu.memory_space<hbm>> -> memref<10240x128xf32, #tpu.memory_space<hbm>>
    tpu.wait_indirect_dma semaphore(%arg12 : memref<!tpu.dma_semaphore, #tpu.memory_space<semaphore_mem>>) src(%dma_wait3A_60 : memref<10240x128xf32, #tpu.memory_space<hbm>>) dst(%arg9 : memref<96x128xf32, #tpu.memory_space<vmem>>)
    %run_scoped3A = arith.constant 104 : i32
    "tpu.region"() ({
      %run_scoped3A_62 = tpu.sem_alloc : memref<!tpu.dma_semaphore, #tpu.memory_space<semaphore_mem>>
      %dma_start3A_63 = arith.constant 0 : i32
      %dma_start3A_64 = tpu.memref_slice %arg7[%run_scoped3A, %dma_start3A_63] : memref<105x96xi32, #tpu.memory_space<vmem>> -> memref<1x96xi32, #tpu.memory_space<vmem>>
      %dma_start3A_65 = tpu.memref_squeeze %dma_start3A_64 : memref<1x96xi32, #tpu.memory_space<vmem>> -> memref<96xi32, #tpu.memory_space<vmem>>
      %dma_start3A_66 = arith.constant 0 : i32
      %dma_start3A_67 = arith.constant 0 : i32
      %dma_start3A_68 = tpu.memref_slice %arg10[%dma_start3A_66, %dma_start3A_67] : memref<10240x128xf32, #tpu.memory_space<vmem_shared>> -> memref<10240x128xf32, #tpu.memory_space<vmem_shared>>
      tpu.enqueue_indirect_dma source(%arg9 : memref<96x128xf32, #tpu.memory_space<vmem>>) target(%dma_start3A_68 : memref<10240x128xf32, #tpu.memory_space<vmem_shared>>) offsets(%dma_start3A_65 : memref<96xi32, #tpu.memory_space<vmem>>) semaphore(%run_scoped3A_62 : memref<!tpu.dma_semaphore, #tpu.memory_space<semaphore_mem>>) {add = true}
      %dma_wait3A_69 = arith.constant 0 : i32
      %dma_wait3A_70 = tpu.memref_slice %arg7[%run_scoped3A, %dma_wait3A_69] : memref<105x96xi32, #tpu.memory_space<vmem>> -> memref<1x96xi32, #tpu.memory_space<vmem>>
      %dma_wait3A_71 = tpu.memref_squeeze %dma_wait3A_70 : memref<1x96xi32, #tpu.memory_space<vmem>> -> memref<96xi32, #tpu.memory_space<vmem>>
      %dma_wait3A_72 = arith.constant 0 : i32
      %dma_wait3A_73 = arith.constant 0 : i32
      %dma_wait3A_74 = tpu.memref_slice %arg10[%dma_wait3A_72, %dma_wait3A_73] : memref<10240x128xf32, #tpu.memory_space<vmem_shared>> -> memref<10240x128xf32, #tpu.memory_space<vmem_shared>>
      tpu.wait_indirect_dma semaphore(%run_scoped3A_62 : memref<!tpu.dma_semaphore, #tpu.memory_space<semaphore_mem>>) src(%arg9 : memref<96x128xf32, #tpu.memory_space<vmem>>) dst(%dma_wait3A_74 : memref<10240x128xf32, #tpu.memory_space<vmem_shared>>)
      tpu.yield
    }) : () -> ()
    %barrier3A_61 = arith.constant 0 : index
    tpu.barrier barrier_id(%barrier3A_61)
    "tpu.region"() ({
      %run_scoped3A_62 = tpu.sem_alloc : memref<!tpu.dma_semaphore, #tpu.memory_space<semaphore_mem>>
      %dma_start3A_63 = arith.constant 0 : i32
      %dma_start3A_64 = tpu.memref_slice %arg5[%arg0, %mul3A_2, %dma_start3A_63] : memref<2x10240x128xf32, #tpu.memory_space<hbm>> -> memref<1x640x128xf32, #tpu.memory_space<hbm>>
      %dma_start3A_65 = tpu.memref_squeeze %dma_start3A_64 : memref<1x640x128xf32, #tpu.memory_space<hbm>> -> memref<640x128xf32, #tpu.memory_space<hbm>>
      %dma_start3A_66 = arith.constant 0 : i32
      %dma_start3A_67 = tpu.memref_slice %arg10[%mul3A_2, %dma_start3A_66] : memref<10240x128xf32, #tpu.memory_space<vmem_shared>> -> memref<640x128xf32, #tpu.memory_space<vmem_shared>>
      tpu.enqueue_dma source(%dma_start3A_67 : memref<640x128xf32, #tpu.memory_space<vmem_shared>>) target(%dma_start3A_65 : memref<640x128xf32, #tpu.memory_space<hbm>>) target_semaphore(%run_scoped3A_62 : memref<!tpu.dma_semaphore, #tpu.memory_space<semaphore_mem>>)
      %dma_wait3A_68 = arith.constant 0 : i32
      %dma_wait3A_69 = tpu.memref_slice %arg5[%arg0, %mul3A_2, %dma_wait3A_68] : memref<2x10240x128xf32, #tpu.memory_space<hbm>> -> memref<1x640x128xf32, #tpu.memory_space<hbm>>
      %dma_wait3A_70 = tpu.memref_squeeze %dma_wait3A_69 : memref<1x640x128xf32, #tpu.memory_space<hbm>> -> memref<640x128xf32, #tpu.memory_space<hbm>>
      %dma_wait3A_71 = arith.constant 0 : i32
      %dma_wait3A_72 = tpu.memref_slice %arg10[%mul3A_2, %dma_wait3A_71] : memref<10240x128xf32, #tpu.memory_space<vmem_shared>> -> memref<640x128xf32, #tpu.memory_space<vmem_shared>>
      tpu.wait_dma2 semaphore(%run_scoped3A_62 : memref<!tpu.dma_semaphore, #tpu.memory_space<semaphore_mem>>) src(%dma_wait3A_72 : memref<640x128xf32, #tpu.memory_space<vmem_shared>>) dst(%dma_wait3A_70 : memref<640x128xf32, #tpu.memory_space<hbm>>)
      tpu.yield
    }) : () -> ()
    return
  }
}

#map = affine_map<(d0, d1) -> (0, 0, 0)>
#map1 = affine_map<(d0, d1) -> (0, 0)>
module attributes {stable_mosaic.version = 14 : i64} {
  func.func @_sc_degree(%arg0: i32, %arg1: i32, %arg2: memref<32x79x128xi32, #tpu.memory_space<hbm>>, %arg3: memref<2x10240xf32, #tpu.memory_space<hbm>>, %arg4: memref<79x128xi32, #tpu.memory_space<vmem>>, %arg5: memref<128xf32, #tpu.memory_space<vmem>>, %arg6: memref<640xf32, #tpu.memory_space<vmem>>, %arg7: memref<10240xf32, #tpu.memory_space<vmem_shared>>, %arg8: memref<!tpu.dma_semaphore, #tpu.memory_space<semaphore_mem>>, %arg9: memref<!tpu.dma_semaphore, #tpu.memory_space<semaphore_mem>>) attributes {dimension_semantics = [#tpu.dimension_semantics<core_parallel>, #tpu.dimension_semantics<subcore_parallel>], iteration_bounds = array<i64: 2, 16>, scalar_prefetch = 0 : i64, scratch_operands = 6 : i64, tpu.core_type = #tpu.core_type<sc_vector_subcore>, window_params = [{transform_indices = #map}, {transform_indices = #map1}]} {
    %mul3A = arith.constant 16 : i32
    %mul3A_0 = arith.muli %arg0, %mul3A : i32
    %add3A = arith.addi %mul3A_0, %arg1 : i32
    %dma_start3A = arith.constant 0 : i32
    %dma_start3A_1 = arith.constant 0 : i32
    %dma_start3A_2 = tpu.memref_slice %arg2[%add3A, %dma_start3A, %dma_start3A_1] : memref<32x79x128xi32, #tpu.memory_space<hbm>> -> memref<1x79x128xi32, #tpu.memory_space<hbm>>
    %dma_start3A_3 = tpu.memref_squeeze %dma_start3A_2 : memref<1x79x128xi32, #tpu.memory_space<hbm>> -> memref<79x128xi32, #tpu.memory_space<hbm>>
    %dma_start3A_4 = arith.constant 0 : i32
    %dma_start3A_5 = arith.constant 0 : i32
    %dma_start3A_6 = tpu.memref_slice %arg2[%add3A, %dma_start3A_4, %dma_start3A_5] : memref<32x79x128xi32, #tpu.memory_space<hbm>> -> memref<1x79x128xi32, #tpu.memory_space<hbm>>
    %dma_start3A_7 = tpu.memref_squeeze %dma_start3A_6 : memref<1x79x128xi32, #tpu.memory_space<hbm>> -> memref<79x128xi32, #tpu.memory_space<hbm>>
    tpu.enqueue_dma source(%dma_start3A_7 : memref<79x128xi32, #tpu.memory_space<hbm>>) target(%arg4 : memref<79x128xi32, #tpu.memory_space<vmem>>) target_semaphore(%arg8 : memref<!tpu.dma_semaphore, #tpu.memory_space<semaphore_mem>>)
    %scan3A = arith.constant 0 : i32
    %scan3A_8 = arith.constant 0 : i32
    %scan3A_9 = arith.constant 8 : i32
    %scan3A_10 = arith.addi %scan3A_8, %scan3A_9 : i32
    %scan3A_11 = arith.constant 1 : i32
    %scan3A_12 = scf.for %scan3A_54 = %scan3A_8 to %scan3A_10 step %scan3A_11 iter_args(%scan3A_55 = %scan3A) -> (i32)  : i32 {
      %broadcast_in_dim3A = arith.constant 1.000000e+00 : f32
      %broadcast_in_dim3A_56 = vector.broadcast %broadcast_in_dim3A : f32 to vector<16xf32>
      %mul3A_57 = arith.constant 16 : i32
      %mul3A_58 = arith.muli %scan3A_54, %mul3A_57 : i32
      %swap3A = arith.index_cast %mul3A_58 : i32 to index
      %swap3A_59 = tpu.vector_load %arg5[%swap3A] {strides = array<i32>} : memref<128xf32, #tpu.memory_space<vmem>>, vector<16xf32>,
      %swap3A_60 = vector.shape_cast %swap3A_59 : vector<16xf32> to vector<16xf32>
      %swap3A_61 = vector.shape_cast %broadcast_in_dim3A_56 : vector<16xf32> to vector<16xf32>
      tpu.vector_store %arg5[%swap3A], %swap3A_61 {strides = array<i32>} : memref<128xf32, #tpu.memory_space<vmem>>, vector<16xf32>,
      %scan3A_62 = arith.constant 0 : i32
      scf.yield %scan3A_62 : i32
    }
    %scan3A_13 = arith.constant 8 : i32
    %scan3A_14 = arith.constant 0 : i32
    %scan3A_15 = arith.constant 0 : i32
    %scan3A_16 = arith.constant 40 : i32
    %scan3A_17 = arith.addi %scan3A_15, %scan3A_16 : i32
    %scan3A_18 = arith.constant 1 : i32
    %scan3A_19 = scf.for %scan3A_54 = %scan3A_15 to %scan3A_17 step %scan3A_18 iter_args(%scan3A_55 = %scan3A_14) -> (i32)  : i32 {
      %broadcast_in_dim3A = arith.constant 0.000000e+00 : f32
      %broadcast_in_dim3A_56 = vector.broadcast %broadcast_in_dim3A : f32 to vector<16xf32>
      %mul3A_57 = arith.constant 16 : i32
      %mul3A_58 = arith.muli %scan3A_54, %mul3A_57 : i32
      %swap3A = arith.index_cast %mul3A_58 : i32 to index
      %swap3A_59 = tpu.vector_load %arg6[%swap3A] {strides = array<i32>} : memref<640xf32, #tpu.memory_space<vmem>>, vector<16xf32>,
      %swap3A_60 = vector.shape_cast %swap3A_59 : vector<16xf32> to vector<16xf32>
      %swap3A_61 = vector.shape_cast %broadcast_in_dim3A_56 : vector<16xf32> to vector<16xf32>
      tpu.vector_store %arg6[%swap3A], %swap3A_61 {strides = array<i32>} : memref<640xf32, #tpu.memory_space<vmem>>, vector<16xf32>,
      %scan3A_62 = arith.constant 0 : i32
      scf.yield %scan3A_62 : i32
    }
    %scan3A_20 = arith.constant 40 : i32
    %mul3A_21 = arith.constant 640 : i32
    %mul3A_22 = arith.muli %arg1, %mul3A_21 : i32
    "tpu.region"() ({
      %run_scoped3A = tpu.sem_alloc : memref<!tpu.dma_semaphore, #tpu.memory_space<semaphore_mem>>
      %dma_start3A_54 = tpu.memref_slice %arg7[%mul3A_22] : memref<10240xf32, #tpu.memory_space<vmem_shared>> -> memref<640xf32, #tpu.memory_space<vmem_shared>>
      %dma_start3A_55 = tpu.memref_slice %arg7[%mul3A_22] : memref<10240xf32, #tpu.memory_space<vmem_shared>> -> memref<640xf32, #tpu.memory_space<vmem_shared>>
      tpu.enqueue_dma source(%arg6 : memref<640xf32, #tpu.memory_space<vmem>>) target(%dma_start3A_55 : memref<640xf32, #tpu.memory_space<vmem_shared>>) target_semaphore(%run_scoped3A : memref<!tpu.dma_semaphore, #tpu.memory_space<semaphore_mem>>)
      %dma_wait3A_56 = tpu.memref_slice %arg7[%mul3A_22] : memref<10240xf32, #tpu.memory_space<vmem_shared>> -> memref<640xf32, #tpu.memory_space<vmem_shared>>
      %dma_wait3A_57 = tpu.memref_slice %arg7[%mul3A_22] : memref<10240xf32, #tpu.memory_space<vmem_shared>> -> memref<640xf32, #tpu.memory_space<vmem_shared>>
      tpu.wait_dma2 semaphore(%run_scoped3A : memref<!tpu.dma_semaphore, #tpu.memory_space<semaphore_mem>>) src(%arg6 : memref<640xf32, #tpu.memory_space<vmem>>) dst(%dma_wait3A_57 : memref<640xf32, #tpu.memory_space<vmem_shared>>)
      tpu.yield
    }) : () -> ()
    %dma_wait3A = arith.constant 0 : i32
    %dma_wait3A_23 = arith.constant 0 : i32
    %dma_wait3A_24 = tpu.memref_slice %arg2[%add3A, %dma_wait3A, %dma_wait3A_23] : memref<32x79x128xi32, #tpu.memory_space<hbm>> -> memref<1x79x128xi32, #tpu.memory_space<hbm>>
    %dma_wait3A_25 = tpu.memref_squeeze %dma_wait3A_24 : memref<1x79x128xi32, #tpu.memory_space<hbm>> -> memref<79x128xi32, #tpu.memory_space<hbm>>
    %dma_wait3A_26 = arith.constant 0 : i32
    %dma_wait3A_27 = arith.constant 0 : i32
    %dma_wait3A_28 = tpu.memref_slice %arg2[%add3A, %dma_wait3A_26, %dma_wait3A_27] : memref<32x79x128xi32, #tpu.memory_space<hbm>> -> memref<1x79x128xi32, #tpu.memory_space<hbm>>
    %dma_wait3A_29 = tpu.memref_squeeze %dma_wait3A_28 : memref<1x79x128xi32, #tpu.memory_space<hbm>> -> memref<79x128xi32, #tpu.memory_space<hbm>>
    tpu.wait_dma2 semaphore(%arg8 : memref<!tpu.dma_semaphore, #tpu.memory_space<semaphore_mem>>) src(%dma_wait3A_29 : memref<79x128xi32, #tpu.memory_space<hbm>>) dst(%arg4 : memref<79x128xi32, #tpu.memory_space<vmem>>)
    %barrier3A = arith.constant 0 : index
    tpu.barrier barrier_id(%barrier3A)
    %dma_start3A_30 = arith.constant 0 : i32
    %dma_start3A_31 = arith.constant 0 : i32
    %dma_start3A_32 = tpu.memref_slice %arg4[%dma_start3A_30, %dma_start3A_31] : memref<79x128xi32, #tpu.memory_space<vmem>> -> memref<1x128xi32, #tpu.memory_space<vmem>>
    %dma_start3A_33 = tpu.memref_squeeze %dma_start3A_32 : memref<1x128xi32, #tpu.memory_space<vmem>> -> memref<128xi32, #tpu.memory_space<vmem>>
    %dma_start3A_34 = arith.constant 0 : i32
    %dma_start3A_35 = tpu.memref_slice %arg7[%dma_start3A_34] : memref<10240xf32, #tpu.memory_space<vmem_shared>> -> memref<10240xf32, #tpu.memory_space<vmem_shared>>
    tpu.enqueue_indirect_dma source(%arg5 : memref<128xf32, #tpu.memory_space<vmem>>) target(%dma_start3A_35 : memref<10240xf32, #tpu.memory_space<vmem_shared>>) offsets(%dma_start3A_33 : memref<128xi32, #tpu.memory_space<vmem>>) semaphore(%arg8 : memref<!tpu.dma_semaphore, #tpu.memory_space<semaphore_mem>>) {add = true}
    %scan3A_36 = arith.constant 0 : i32
    %scan3A_37 = arith.constant 0 : i32
    %scan3A_38 = arith.constant 39 : i32
    %scan3A_39 = arith.addi %scan3A_37, %scan3A_38 : i32
    %scan3A_40 = arith.constant 1 : i32
    %scan3A_41 = scf.for %scan3A_54 = %scan3A_37 to %scan3A_39 step %scan3A_40 iter_args(%scan3A_55 = %scan3A_36) -> (i32)  : i32 {
      %mul3A_56 = arith.constant 2 : i32
      %mul3A_57 = arith.muli %mul3A_56, %scan3A_54 : i32
      %mul3A_58 = arith.constant 2 : i32
      %mul3A_59 = arith.muli %mul3A_58, %scan3A_54 : i32
      %add3A_60 = arith.constant 1 : i32
      %add3A_61 = arith.addi %mul3A_59, %add3A_60 : i32
      %mul3A_62 = arith.constant 2 : i32
      %mul3A_63 = arith.muli %mul3A_62, %scan3A_54 : i32
      %add3A_64 = arith.constant 2 : i32
      %add3A_65 = arith.addi %mul3A_63, %add3A_64 : i32
      %dma_start3A_66 = arith.constant 0 : i32
      %dma_start3A_67 = tpu.memref_slice %arg4[%add3A_61, %dma_start3A_66] : memref<79x128xi32, #tpu.memory_space<vmem>> -> memref<1x128xi32, #tpu.memory_space<vmem>>
      %dma_start3A_68 = tpu.memref_squeeze %dma_start3A_67 : memref<1x128xi32, #tpu.memory_space<vmem>> -> memref<128xi32, #tpu.memory_space<vmem>>
      %dma_start3A_69 = arith.constant 0 : i32
      %dma_start3A_70 = tpu.memref_slice %arg7[%dma_start3A_69] : memref<10240xf32, #tpu.memory_space<vmem_shared>> -> memref<10240xf32, #tpu.memory_space<vmem_shared>>
      tpu.enqueue_indirect_dma source(%arg5 : memref<128xf32, #tpu.memory_space<vmem>>) target(%dma_start3A_70 : memref<10240xf32, #tpu.memory_space<vmem_shared>>) offsets(%dma_start3A_68 : memref<128xi32, #tpu.memory_space<vmem>>) semaphore(%arg9 : memref<!tpu.dma_semaphore, #tpu.memory_space<semaphore_mem>>) {add = true}
      %dma_wait3A_71 = arith.constant 0 : i32
      %dma_wait3A_72 = tpu.memref_slice %arg4[%mul3A_57, %dma_wait3A_71] : memref<79x128xi32, #tpu.memory_space<vmem>> -> memref<1x128xi32, #tpu.memory_space<vmem>>
      %dma_wait3A_73 = tpu.memref_squeeze %dma_wait3A_72 : memref<1x128xi32, #tpu.memory_space<vmem>> -> memref<128xi32, #tpu.memory_space<vmem>>
      %dma_wait3A_74 = arith.constant 0 : i32
      %dma_wait3A_75 = tpu.memref_slice %arg7[%dma_wait3A_74] : memref<10240xf32, #tpu.memory_space<vmem_shared>> -> memref<10240xf32, #tpu.memory_space<vmem_shared>>
      tpu.wait_indirect_dma semaphore(%arg8 : memref<!tpu.dma_semaphore, #tpu.memory_space<semaphore_mem>>) src(%arg5 : memref<128xf32, #tpu.memory_space<vmem>>) dst(%dma_wait3A_75 : memref<10240xf32, #tpu.memory_space<vmem_shared>>)
      %dma_start3A_76 = arith.constant 0 : i32
      %dma_start3A_77 = tpu.memref_slice %arg4[%add3A_65, %dma_start3A_76] : memref<79x128xi32, #tpu.memory_space<vmem>> -> memref<1x128xi32, #tpu.memory_space<vmem>>
      %dma_start3A_78 = tpu.memref_squeeze %dma_start3A_77 : memref<1x128xi32, #tpu.memory_space<vmem>> -> memref<128xi32, #tpu.memory_space<vmem>>
      %dma_start3A_79 = arith.constant 0 : i32
      %dma_start3A_80 = tpu.memref_slice %arg7[%dma_start3A_79] : memref<10240xf32, #tpu.memory_space<vmem_shared>> -> memref<10240xf32, #tpu.memory_space<vmem_shared>>
      tpu.enqueue_indirect_dma source(%arg5 : memref<128xf32, #tpu.memory_space<vmem>>) target(%dma_start3A_80 : memref<10240xf32, #tpu.memory_space<vmem_shared>>) offsets(%dma_start3A_78 : memref<128xi32, #tpu.memory_space<vmem>>) semaphore(%arg8 : memref<!tpu.dma_semaphore, #tpu.memory_space<semaphore_mem>>) {add = true}
      %dma_wait3A_81 = arith.constant 0 : i32
      %dma_wait3A_82 = tpu.memref_slice %arg4[%add3A_61, %dma_wait3A_81] : memref<79x128xi32, #tpu.memory_space<vmem>> -> memref<1x128xi32, #tpu.memory_space<vmem>>
      %dma_wait3A_83 = tpu.memref_squeeze %dma_wait3A_82 : memref<1x128xi32, #tpu.memory_space<vmem>> -> memref<128xi32, #tpu.memory_space<vmem>>
      %dma_wait3A_84 = arith.constant 0 : i32
      %dma_wait3A_85 = tpu.memref_slice %arg7[%dma_wait3A_84] : memref<10240xf32, #tpu.memory_space<vmem_shared>> -> memref<10240xf32, #tpu.memory_space<vmem_shared>>
      tpu.wait_indirect_dma semaphore(%arg9 : memref<!tpu.dma_semaphore, #tpu.memory_space<semaphore_mem>>) src(%arg5 : memref<128xf32, #tpu.memory_space<vmem>>) dst(%dma_wait3A_85 : memref<10240xf32, #tpu.memory_space<vmem_shared>>)
      %scan3A_86 = arith.constant 0 : i32
      scf.yield %scan3A_86 : i32
    }
    %scan3A_42 = arith.constant 39 : i32
    %dma_wait3A_43 = arith.constant 78 : i32
    %dma_wait3A_44 = arith.constant 0 : i32
    %dma_wait3A_45 = tpu.memref_slice %arg4[%dma_wait3A_43, %dma_wait3A_44] : memref<79x128xi32, #tpu.memory_space<vmem>> -> memref<1x128xi32, #tpu.memory_space<vmem>>
    %dma_wait3A_46 = tpu.memref_squeeze %dma_wait3A_45 : memref<1x128xi32, #tpu.memory_space<vmem>> -> memref<128xi32, #tpu.memory_space<vmem>>
    %dma_wait3A_47 = arith.constant 0 : i32
    %dma_wait3A_48 = tpu.memref_slice %arg7[%dma_wait3A_47] : memref<10240xf32, #tpu.memory_space<vmem_shared>> -> memref<10240xf32, #tpu.memory_space<vmem_shared>>
    tpu.wait_indirect_dma semaphore(%arg8 : memref<!tpu.dma_semaphore, #tpu.memory_space<semaphore_mem>>) src(%arg5 : memref<128xf32, #tpu.memory_space<vmem>>) dst(%dma_wait3A_48 : memref<10240xf32, #tpu.memory_space<vmem_shared>>)
    %barrier3A_49 = arith.constant 0 : index
    tpu.barrier barrier_id(%barrier3A_49)
    %mul3A_50 = arith.constant 640 : i32
    %mul3A_51 = arith.muli %arg1, %mul3A_50 : i32
    %mul3A_52 = arith.constant 640 : i32
    %mul3A_53 = arith.muli %arg1, %mul3A_52 : i32
    "tpu.region"() ({
      %run_scoped3A = tpu.sem_alloc : memref<!tpu.dma_semaphore, #tpu.memory_space<semaphore_mem>>
      %dma_start3A_54 = tpu.memref_slice %arg3[%arg0, %mul3A_53] : memref<2x10240xf32, #tpu.memory_space<hbm>> -> memref<1x640xf32, #tpu.memory_space<hbm>>
      %dma_start3A_55 = tpu.memref_squeeze %dma_start3A_54 : memref<1x640xf32, #tpu.memory_space<hbm>> -> memref<640xf32, #tpu.memory_space<hbm>>
      %dma_start3A_56 = tpu.memref_slice %arg7[%mul3A_51] : memref<10240xf32, #tpu.memory_space<vmem_shared>> -> memref<640xf32, #tpu.memory_space<vmem_shared>>
      tpu.enqueue_dma source(%dma_start3A_56 : memref<640xf32, #tpu.memory_space<vmem_shared>>) target(%dma_start3A_55 : memref<640xf32, #tpu.memory_space<hbm>>) target_semaphore(%run_scoped3A : memref<!tpu.dma_semaphore, #tpu.memory_space<semaphore_mem>>)
      %dma_wait3A_57 = tpu.memref_slice %arg3[%arg0, %mul3A_53] : memref<2x10240xf32, #tpu.memory_space<hbm>> -> memref<1x640xf32, #tpu.memory_space<hbm>>
      %dma_wait3A_58 = tpu.memref_squeeze %dma_wait3A_57 : memref<1x640xf32, #tpu.memory_space<hbm>> -> memref<640xf32, #tpu.memory_space<hbm>>
      %dma_wait3A_59 = tpu.memref_slice %arg7[%mul3A_51] : memref<10240xf32, #tpu.memory_space<vmem_shared>> -> memref<640xf32, #tpu.memory_space<vmem_shared>>
      tpu.wait_dma2 semaphore(%run_scoped3A : memref<!tpu.dma_semaphore, #tpu.memory_space<semaphore_mem>>) src(%dma_wait3A_59 : memref<640xf32, #tpu.memory_space<vmem_shared>>) dst(%dma_wait3A_58 : memref<640xf32, #tpu.memory_space<hbm>>)
      tpu.yield
    }) : () -> ()
    return
  }
}

#map = affine_map<(d0, d1) -> (0, 0)>
#map1 = affine_map<(d0, d1) -> (0, 0, 0)>
module attributes {stable_mosaic.version = 14 : i64} {
  func.func @_sc_aggregate(%arg0: i32, %arg1: i32, %arg2: memref<10240x128xf32, #tpu.memory_space<hbm>>, %arg3: memref<32x10080xi32, #tpu.memory_space<hbm>>, %arg4: memref<32x105x96xi32, #tpu.memory_space<hbm>>, %arg5: memref<2x10240x128xf32, #tpu.memory_space<hbm>>, %arg6: memref<10080xi32, #tpu.memory_space<vmem>>, %arg7: memref<105x96xi32, #tpu.memory_space<vmem>>, %arg8: memref<96x128xf32, #tpu.memory_space<vmem>>, %arg9: memref<96x128xf32, #tpu.memory_space<vmem>>, %arg10: memref<10240x128xf32, #tpu.memory_space<vmem_shared>>, %arg11: memref<!tpu.dma_semaphore, #tpu.memory_space<semaphore_mem>>, %arg12: memref<!tpu.dma_semaphore, #tpu.memory_space<semaphore_mem>>) attributes {dimension_semantics = [#tpu.dimension_semantics<core_parallel>, #tpu.dimension_semantics<subcore_parallel>], iteration_bounds = array<i64: 2, 16>, scalar_prefetch = 0 : i64, scratch_operands = 7 : i64, tpu.core_type = #tpu.core_type<sc_vector_subcore>, window_params = [{transform_indices = #map}, {transform_indices = #map}, {transform_indices = #map1}, {transform_indices = #map1}]} {
    %mul3A = arith.constant 16 : i32
    %mul3A_0 = arith.muli %arg0, %mul3A : i32
    %add3A = arith.addi %mul3A_0, %arg1 : i32
    %mul3A_1 = arith.constant 640 : i32
    %mul3A_2 = arith.muli %arg1, %mul3A_1 : i32
    %dma_start3A = arith.constant 0 : i32
    %dma_start3A_3 = tpu.memref_slice %arg3[%add3A, %dma_start3A] : memref<32x10080xi32, #tpu.memory_space<hbm>> -> memref<1x10080xi32, #tpu.memory_space<hbm>>
    %dma_start3A_4 = tpu.memref_squeeze %dma_start3A_3 : memref<1x10080xi32, #tpu.memory_space<hbm>> -> memref<10080xi32, #tpu.memory_space<hbm>>
    %dma_start3A_5 = arith.constant 0 : i32
    %dma_start3A_6 = tpu.memref_slice %arg3[%add3A, %dma_start3A_5] : memref<32x10080xi32, #tpu.memory_space<hbm>> -> memref<1x10080xi32, #tpu.memory_space<hbm>>
    %dma_start3A_7 = tpu.memref_squeeze %dma_start3A_6 : memref<1x10080xi32, #tpu.memory_space<hbm>> -> memref<10080xi32, #tpu.memory_space<hbm>>
    tpu.enqueue_dma source(%dma_start3A_7 : memref<10080xi32, #tpu.memory_space<hbm>>) target(%arg6 : memref<10080xi32, #tpu.memory_space<vmem>>) target_semaphore(%arg11 : memref<!tpu.dma_semaphore, #tpu.memory_space<semaphore_mem>>)
    %dma_start3A_8 = arith.constant 0 : i32
    %dma_start3A_9 = arith.constant 0 : i32
    %dma_start3A_10 = tpu.memref_slice %arg4[%add3A, %dma_start3A_8, %dma_start3A_9] : memref<32x105x96xi32, #tpu.memory_space<hbm>> -> memref<1x105x96xi32, #tpu.memory_space<hbm>>
    %dma_start3A_11 = tpu.memref_squeeze %dma_start3A_10 : memref<1x105x96xi32, #tpu.memory_space<hbm>> -> memref<105x96xi32, #tpu.memory_space<hbm>>
    %dma_start3A_12 = arith.constant 0 : i32
    %dma_start3A_13 = arith.constant 0 : i32
    %dma_start3A_14 = tpu.memref_slice %arg4[%add3A, %dma_start3A_12, %dma_start3A_13] : memref<32x105x96xi32, #tpu.memory_space<hbm>> -> memref<1x105x96xi32, #tpu.memory_space<hbm>>
    %dma_start3A_15 = tpu.memref_squeeze %dma_start3A_14 : memref<1x105x96xi32, #tpu.memory_space<hbm>> -> memref<105x96xi32, #tpu.memory_space<hbm>>
    tpu.enqueue_dma source(%dma_start3A_15 : memref<105x96xi32, #tpu.memory_space<hbm>>) target(%arg7 : memref<105x96xi32, #tpu.memory_space<vmem>>) target_semaphore(%arg12 : memref<!tpu.dma_semaphore, #tpu.memory_space<semaphore_mem>>)
    %scan3A = arith.constant 0 : i32
    %scan3A_16 = arith.constant 0 : i32
    %scan3A_17 = arith.constant 96 : i32
    %scan3A_18 = arith.addi %scan3A_16, %scan3A_17 : i32
    %scan3A_19 = arith.constant 1 : i32
    %scan3A_20 = scf.for %scan3A_62 = %scan3A_16 to %scan3A_18 step %scan3A_19 iter_args(%scan3A_63 = %scan3A) -> (i32)  : i32 {
      %broadcast_in_dim3A = arith.constant 0.000000e+00 : f32
      %broadcast_in_dim3A_64 = vector.broadcast %broadcast_in_dim3A : f32 to vector<16xf32>
      %swap3A = arith.index_cast %scan3A_62 : i32 to index
      %swap3A_65 = arith.constant 0 : index
      %swap3A_66 = tpu.vector_load %arg8[%swap3A, %swap3A_65] {strides = array<i32>} : memref<96x128xf32, #tpu.memory_space<vmem>>, vector<1x16xf32>,
      %swap3A_67 = vector.shape_cast %swap3A_66 : vector<1x16xf32> to vector<16xf32>
      %swap3A_68 = vector.shape_cast %broadcast_in_dim3A_64 : vector<16xf32> to vector<1x16xf32>
      tpu.vector_store %arg8[%swap3A, %swap3A_65], %swap3A_68 {strides = array<i32>} : memref<96x128xf32, #tpu.memory_space<vmem>>, vector<1x16xf32>,
      %broadcast_in_dim3A_69 = arith.constant 0.000000e+00 : f32
      %broadcast_in_dim3A_70 = vector.broadcast %broadcast_in_dim3A_69 : f32 to vector<16xf32>
      %swap3A_71 = arith.index_cast %scan3A_62 : i32 to index
      %swap3A_72 = arith.constant 16 : index
      %swap3A_73 = tpu.vector_load %arg8[%swap3A_71, %swap3A_72] {strides = array<i32>} : memref<96x128xf32, #tpu.memory_space<vmem>>, vector<1x16xf32>,
      %swap3A_74 = vector.shape_cast %swap3A_73 : vector<1x16xf32> to vector<16xf32>
      %swap3A_75 = vector.shape_cast %broadcast_in_dim3A_70 : vector<16xf32> to vector<1x16xf32>
      tpu.vector_store %arg8[%swap3A_71, %swap3A_72], %swap3A_75 {strides = array<i32>} : memref<96x128xf32, #tpu.memory_space<vmem>>, vector<1x16xf32>,
      %broadcast_in_dim3A_76 = arith.constant 0.000000e+00 : f32
      %broadcast_in_dim3A_77 = vector.broadcast %broadcast_in_dim3A_76 : f32 to vector<16xf32>
      %swap3A_78 = arith.index_cast %scan3A_62 : i32 to index
      %swap3A_79 = arith.constant 32 : index
      %swap3A_80 = tpu.vector_load %arg8[%swap3A_78, %swap3A_79] {strides = array<i32>} : memref<96x128xf32, #tpu.memory_space<vmem>>, vector<1x16xf32>,
      %swap3A_81 = vector.shape_cast %swap3A_80 : vector<1x16xf32> to vector<16xf32>
      %swap3A_82 = vector.shape_cast %broadcast_in_dim3A_77 : vector<16xf32> to vector<1x16xf32>
      tpu.vector_store %arg8[%swap3A_78, %swap3A_79], %swap3A_82 {strides = array<i32>} : memref<96x128xf32, #tpu.memory_space<vmem>>, vector<1x16xf32>,
      %broadcast_in_dim3A_83 = arith.constant 0.000000e+00 : f32
      %broadcast_in_dim3A_84 = vector.broadcast %broadcast_in_dim3A_83 : f32 to vector<16xf32>
      %swap3A_85 = arith.index_cast %scan3A_62 : i32 to index
      %swap3A_86 = arith.constant 48 : index
      %swap3A_87 = tpu.vector_load %arg8[%swap3A_85, %swap3A_86] {strides = array<i32>} : memref<96x128xf32, #tpu.memory_space<vmem>>, vector<1x16xf32>,
      %swap3A_88 = vector.shape_cast %swap3A_87 : vector<1x16xf32> to vector<16xf32>
      %swap3A_89 = vector.shape_cast %broadcast_in_dim3A_84 : vector<16xf32> to vector<1x16xf32>
      tpu.vector_store %arg8[%swap3A_85, %swap3A_86], %swap3A_89 {strides = array<i32>} : memref<96x128xf32, #tpu.memory_space<vmem>>, vector<1x16xf32>,
      %broadcast_in_dim3A_90 = arith.constant 0.000000e+00 : f32
      %broadcast_in_dim3A_91 = vector.broadcast %broadcast_in_dim3A_90 : f32 to vector<16xf32>
      %swap3A_92 = arith.index_cast %scan3A_62 : i32 to index
      %swap3A_93 = arith.constant 64 : index
      %swap3A_94 = tpu.vector_load %arg8[%swap3A_92, %swap3A_93] {strides = array<i32>} : memref<96x128xf32, #tpu.memory_space<vmem>>, vector<1x16xf32>,
      %swap3A_95 = vector.shape_cast %swap3A_94 : vector<1x16xf32> to vector<16xf32>
      %swap3A_96 = vector.shape_cast %broadcast_in_dim3A_91 : vector<16xf32> to vector<1x16xf32>
      tpu.vector_store %arg8[%swap3A_92, %swap3A_93], %swap3A_96 {strides = array<i32>} : memref<96x128xf32, #tpu.memory_space<vmem>>, vector<1x16xf32>,
      %broadcast_in_dim3A_97 = arith.constant 0.000000e+00 : f32
      %broadcast_in_dim3A_98 = vector.broadcast %broadcast_in_dim3A_97 : f32 to vector<16xf32>
      %swap3A_99 = arith.index_cast %scan3A_62 : i32 to index
      %swap3A_100 = arith.constant 80 : index
      %swap3A_101 = tpu.vector_load %arg8[%swap3A_99, %swap3A_100] {strides = array<i32>} : memref<96x128xf32, #tpu.memory_space<vmem>>, vector<1x16xf32>,
      %swap3A_102 = vector.shape_cast %swap3A_101 : vector<1x16xf32> to vector<16xf32>
      %swap3A_103 = vector.shape_cast %broadcast_in_dim3A_98 : vector<16xf32> to vector<1x16xf32>
      tpu.vector_store %arg8[%swap3A_99, %swap3A_100], %swap3A_103 {strides = array<i32>} : memref<96x128xf32, #tpu.memory_space<vmem>>, vector<1x16xf32>,
      %broadcast_in_dim3A_104 = arith.constant 0.000000e+00 : f32
      %broadcast_in_dim3A_105 = vector.broadcast %broadcast_in_dim3A_104 : f32 to vector<16xf32>
      %swap3A_106 = arith.index_cast %scan3A_62 : i32 to index
      %swap3A_107 = arith.constant 96 : index
      %swap3A_108 = tpu.vector_load %arg8[%swap3A_106, %swap3A_107] {strides = array<i32>} : memref<96x128xf32, #tpu.memory_space<vmem>>, vector<1x16xf32>,
      %swap3A_109 = vector.shape_cast %swap3A_108 : vector<1x16xf32> to vector<16xf32>
      %swap3A_110 = vector.shape_cast %broadcast_in_dim3A_105 : vector<16xf32> to vector<1x16xf32>
      tpu.vector_store %arg8[%swap3A_106, %swap3A_107], %swap3A_110 {strides = array<i32>} : memref<96x128xf32, #tpu.memory_space<vmem>>, vector<1x16xf32>,
      %broadcast_in_dim3A_111 = arith.constant 0.000000e+00 : f32
      %broadcast_in_dim3A_112 = vector.broadcast %broadcast_in_dim3A_111 : f32 to vector<16xf32>
      %swap3A_113 = arith.index_cast %scan3A_62 : i32 to index
      %swap3A_114 = arith.constant 112 : index
      %swap3A_115 = tpu.vector_load %arg8[%swap3A_113, %swap3A_114] {strides = array<i32>} : memref<96x128xf32, #tpu.memory_space<vmem>>, vector<1x16xf32>,
      %swap3A_116 = vector.shape_cast %swap3A_115 : vector<1x16xf32> to vector<16xf32>
      %swap3A_117 = vector.shape_cast %broadcast_in_dim3A_112 : vector<16xf32> to vector<1x16xf32>
      tpu.vector_store %arg8[%swap3A_113, %swap3A_114], %swap3A_117 {strides = array<i32>} : memref<96x128xf32, #tpu.memory_space<vmem>>, vector<1x16xf32>,
      %scan3A_118 = arith.constant 0 : i32
      scf.yield %scan3A_118 : i32
    }
    %scan3A_21 = arith.constant 96 : i32
    %dma_wait3A = arith.constant 0 : i32
    %dma_wait3A_22 = tpu.memref_slice %arg3[%add3A, %dma_wait3A] : memref<32x10080xi32, #tpu.memory_space<hbm>> -> memref<1x10080xi32, #tpu.memory_space<hbm>>
    %dma_wait3A_23 = tpu.memref_squeeze %dma_wait3A_22 : memref<1x10080xi32, #tpu.memory_space<hbm>> -> memref<10080xi32, #tpu.memory_space<hbm>>
    %dma_wait3A_24 = arith.constant 0 : i32
    %dma_wait3A_25 = tpu.memref_slice %arg3[%add3A, %dma_wait3A_24] : memref<32x10080xi32, #tpu.memory_space<hbm>> -> memref<1x10080xi32, #tpu.memory_space<hbm>>
    %dma_wait3A_26 = tpu.memref_squeeze %dma_wait3A_25 : memref<1x10080xi32, #tpu.memory_space<hbm>> -> memref<10080xi32, #tpu.memory_space<hbm>>
    tpu.wait_dma2 semaphore(%arg11 : memref<!tpu.dma_semaphore, #tpu.memory_space<semaphore_mem>>) src(%dma_wait3A_26 : memref<10080xi32, #tpu.memory_space<hbm>>) dst(%arg6 : memref<10080xi32, #tpu.memory_space<vmem>>)
    %dma_wait3A_27 = arith.constant 0 : i32
    %dma_wait3A_28 = arith.constant 0 : i32
    %dma_wait3A_29 = tpu.memref_slice %arg4[%add3A, %dma_wait3A_27, %dma_wait3A_28] : memref<32x105x96xi32, #tpu.memory_space<hbm>> -> memref<1x105x96xi32, #tpu.memory_space<hbm>>
    %dma_wait3A_30 = tpu.memref_squeeze %dma_wait3A_29 : memref<1x105x96xi32, #tpu.memory_space<hbm>> -> memref<105x96xi32, #tpu.memory_space<hbm>>
    %dma_wait3A_31 = arith.constant 0 : i32
    %dma_wait3A_32 = arith.constant 0 : i32
    %dma_wait3A_33 = tpu.memref_slice %arg4[%add3A, %dma_wait3A_31, %dma_wait3A_32] : memref<32x105x96xi32, #tpu.memory_space<hbm>> -> memref<1x105x96xi32, #tpu.memory_space<hbm>>
    %dma_wait3A_34 = tpu.memref_squeeze %dma_wait3A_33 : memref<1x105x96xi32, #tpu.memory_space<hbm>> -> memref<105x96xi32, #tpu.memory_space<hbm>>
    tpu.wait_dma2 semaphore(%arg12 : memref<!tpu.dma_semaphore, #tpu.memory_space<semaphore_mem>>) src(%dma_wait3A_34 : memref<105x96xi32, #tpu.memory_space<hbm>>) dst(%arg7 : memref<105x96xi32, #tpu.memory_space<vmem>>)
    %dma_start3A_35 = arith.constant 0 : i32
    %dma_start3A_36 = tpu.memref_slice %arg6[%dma_start3A_35] : memref<10080xi32, #tpu.memory_space<vmem>> -> memref<96xi32, #tpu.memory_space<vmem>>
    %dma_start3A_37 = arith.constant 0 : i32
    %dma_start3A_38 = arith.constant 0 : i32
    %dma_start3A_39 = tpu.memref_slice %arg2[%dma_start3A_37, %dma_start3A_38] : memref<10240x128xf32, #tpu.memory_space<hbm>> -> memref<10240x128xf32, #tpu.memory_space<hbm>>
    tpu.enqueue_indirect_dma source(%dma_start3A_39 : memref<10240x128xf32, #tpu.memory_space<hbm>>) target(%arg9 : memref<96x128xf32, #tpu.memory_space<vmem>>) offsets(%dma_start3A_36 : memref<96xi32, #tpu.memory_space<vmem>>) semaphore(%arg12 : memref<!tpu.dma_semaphore, #tpu.memory_space<semaphore_mem>>)
    %scan3A_40 = arith.constant 0 : i32
    %scan3A_41 = arith.constant 0 : i32
    %scan3A_42 = arith.constant 6 : i32
    %scan3A_43 = arith.addi %scan3A_41, %scan3A_42 : i32
    %scan3A_44 = arith.constant 1 : i32
    %scan3A_45 = scf.for %scan3A_62 = %scan3A_41 to %scan3A_43 step %scan3A_44 iter_args(%scan3A_63 = %scan3A_40) -> (i32)  : i32 {
      %mul3A_64 = arith.constant 96 : i32
      %mul3A_65 = arith.muli %scan3A_62, %mul3A_64 : i32
      %add3A_66 = arith.addi %mul3A_2, %mul3A_65 : i32
      "tpu.region"() ({
        %run_scoped3A_68 = tpu.sem_alloc : memref<!tpu.dma_semaphore, #tpu.memory_space<semaphore_mem>>
        %dma_start3A_69 = arith.constant 0 : i32
        %dma_start3A_70 = tpu.memref_slice %arg10[%add3A_66, %dma_start3A_69] : memref<10240x128xf32, #tpu.memory_space<vmem_shared>> -> memref<96x128xf32, #tpu.memory_space<vmem_shared>>
        %dma_start3A_71 = arith.constant 0 : i32
        %dma_start3A_72 = tpu.memref_slice %arg10[%add3A_66, %dma_start3A_71] : memref<10240x128xf32, #tpu.memory_space<vmem_shared>> -> memref<96x128xf32, #tpu.memory_space<vmem_shared>>
        tpu.enqueue_dma source(%arg8 : memref<96x128xf32, #tpu.memory_space<vmem>>) target(%dma_start3A_72 : memref<96x128xf32, #tpu.memory_space<vmem_shared>>) target_semaphore(%run_scoped3A_68 : memref<!tpu.dma_semaphore, #tpu.memory_space<semaphore_mem>>)
        %dma_wait3A_73 = arith.constant 0 : i32
        %dma_wait3A_74 = tpu.memref_slice %arg10[%add3A_66, %dma_wait3A_73] : memref<10240x128xf32, #tpu.memory_space<vmem_shared>> -> memref<96x128xf32, #tpu.memory_space<vmem_shared>>
        %dma_wait3A_75 = arith.constant 0 : i32
        %dma_wait3A_76 = tpu.memref_slice %arg10[%add3A_66, %dma_wait3A_75] : memref<10240x128xf32, #tpu.memory_space<vmem_shared>> -> memref<96x128xf32, #tpu.memory_space<vmem_shared>>
        tpu.wait_dma2 semaphore(%run_scoped3A_68 : memref<!tpu.dma_semaphore, #tpu.memory_space<semaphore_mem>>) src(%arg8 : memref<96x128xf32, #tpu.memory_space<vmem>>) dst(%dma_wait3A_76 : memref<96x128xf32, #tpu.memory_space<vmem_shared>>)
        tpu.yield
      }) : () -> ()
      %scan3A_67 = arith.constant 0 : i32
      scf.yield %scan3A_67 : i32
    }
    %scan3A_46 = arith.constant 6 : i32
    %add3A_47 = arith.constant 576 : i32
    %add3A_48 = arith.addi %mul3A_2, %add3A_47 : i32
    "tpu.region"() ({
      %run_scoped3A_62 = tpu.sem_alloc : memref<!tpu.dma_semaphore, #tpu.memory_space<semaphore_mem>>
      %dma_start3A_63 = arith.constant 0 : i32
      %dma_start3A_64 = arith.constant 0 : i32
      %dma_start3A_65 = tpu.memref_slice %arg8[%dma_start3A_63, %dma_start3A_64] : memref<96x128xf32, #tpu.memory_space<vmem>> -> memref<64x128xf32, #tpu.memory_space<vmem>>
      %dma_start3A_66 = arith.constant 0 : i32
      %dma_start3A_67 = tpu.memref_slice %arg10[%add3A_48, %dma_start3A_66] : memref<10240x128xf32, #tpu.memory_space<vmem_shared>> -> memref<64x128xf32, #tpu.memory_space<vmem_shared>>
      %dma_start3A_68 = arith.constant 0 : i32
      %dma_start3A_69 = tpu.memref_slice %arg10[%add3A_48, %dma_start3A_68] : memref<10240x128xf32, #tpu.memory_space<vmem_shared>> -> memref<64x128xf32, #tpu.memory_space<vmem_shared>>
      %dma_start3A_70 = arith.constant 0 : i32
      %dma_start3A_71 = arith.constant 0 : i32
      %dma_start3A_72 = tpu.memref_slice %arg8[%dma_start3A_70, %dma_start3A_71] : memref<96x128xf32, #tpu.memory_space<vmem>> -> memref<64x128xf32, #tpu.memory_space<vmem>>
      tpu.enqueue_dma source(%dma_start3A_72 : memref<64x128xf32, #tpu.memory_space<vmem>>) target(%dma_start3A_69 : memref<64x128xf32, #tpu.memory_space<vmem_shared>>) target_semaphore(%run_scoped3A_62 : memref<!tpu.dma_semaphore, #tpu.memory_space<semaphore_mem>>)
      %dma_wait3A_73 = arith.constant 0 : i32
      %dma_wait3A_74 = arith.constant 0 : i32
      %dma_wait3A_75 = tpu.memref_slice %arg8[%dma_wait3A_73, %dma_wait3A_74] : memref<96x128xf32, #tpu.memory_space<vmem>> -> memref<64x128xf32, #tpu.memory_space<vmem>>
      %dma_wait3A_76 = arith.constant 0 : i32
      %dma_wait3A_77 = tpu.memref_slice %arg10[%add3A_48, %dma_wait3A_76] : memref<10240x128xf32, #tpu.memory_space<vmem_shared>> -> memref<64x128xf32, #tpu.memory_space<vmem_shared>>
      %dma_wait3A_78 = arith.constant 0 : i32
      %dma_wait3A_79 = tpu.memref_slice %arg10[%add3A_48, %dma_wait3A_78] : memref<10240x128xf32, #tpu.memory_space<vmem_shared>> -> memref<64x128xf32, #tpu.memory_space<vmem_shared>>
      %dma_wait3A_80 = arith.constant 0 : i32
      %dma_wait3A_81 = arith.constant 0 : i32
      %dma_wait3A_82 = tpu.memref_slice %arg8[%dma_wait3A_80, %dma_wait3A_81] : memref<96x128xf32, #tpu.memory_space<vmem>> -> memref<64x128xf32, #tpu.memory_space<vmem>>
      tpu.wait_dma2 semaphore(%run_scoped3A_62 : memref<!tpu.dma_semaphore, #tpu.memory_space<semaphore_mem>>) src(%dma_wait3A_82 : memref<64x128xf32, #tpu.memory_space<vmem>>) dst(%dma_wait3A_79 : memref<64x128xf32, #tpu.memory_space<vmem_shared>>)
      tpu.yield
    }) : () -> ()
    %barrier3A = arith.constant 0 : index
    tpu.barrier barrier_id(%barrier3A)
    %scan3A_49 = arith.constant 0 : i32
    %scan3A_50 = arith.constant 0 : i32
    %scan3A_51 = arith.constant 52 : i32
    %scan3A_52 = arith.addi %scan3A_50, %scan3A_51 : i32
    %scan3A_53 = arith.constant 1 : i32
    %scan3A_54 = scf.for %scan3A_62 = %scan3A_50 to %scan3A_52 step %scan3A_53 iter_args(%scan3A_63 = %scan3A_49) -> (i32)  : i32 {
      %mul3A_64 = arith.constant 2 : i32
      %mul3A_65 = arith.muli %mul3A_64, %scan3A_62 : i32
      %mul3A_66 = arith.constant 2 : i32
      %mul3A_67 = arith.muli %mul3A_66, %scan3A_62 : i32
      %add3A_68 = arith.constant 1 : i32
      %add3A_69 = arith.addi %mul3A_67, %add3A_68 : i32
      %mul3A_70 = arith.constant 2 : i32
      %mul3A_71 = arith.muli %mul3A_70, %scan3A_62 : i32
      %add3A_72 = arith.constant 2 : i32
      %add3A_73 = arith.addi %mul3A_71, %add3A_72 : i32
      %mul3A_74 = arith.constant 96 : i32
      %mul3A_75 = arith.muli %add3A_69, %mul3A_74 : i32
      %dma_start3A_76 = tpu.memref_slice %arg6[%mul3A_75] : memref<10080xi32, #tpu.memory_space<vmem>> -> memref<96xi32, #tpu.memory_space<vmem>>
      %dma_start3A_77 = arith.constant 0 : i32
      %dma_start3A_78 = arith.constant 0 : i32
      %dma_start3A_79 = tpu.memref_slice %arg2[%dma_start3A_77, %dma_start3A_78] : memref<10240x128xf32, #tpu.memory_space<hbm>> -> memref<10240x128xf32, #tpu.memory_space<hbm>>
      tpu.enqueue_indirect_dma source(%dma_start3A_79 : memref<10240x128xf32, #tpu.memory_space<hbm>>) target(%arg8 : memref<96x128xf32, #tpu.memory_space<vmem>>) offsets(%dma_start3A_76 : memref<96xi32, #tpu.memory_space<vmem>>) semaphore(%arg11 : memref<!tpu.dma_semaphore, #tpu.memory_space<semaphore_mem>>)
      %mul3A_80 = arith.constant 96 : i32
      %mul3A_81 = arith.muli %mul3A_65, %mul3A_80 : i32
      %dma_wait3A_82 = tpu.memref_slice %arg6[%mul3A_81] : memref<10080xi32, #tpu.memory_space<vmem>> -> memref<96xi32, #tpu.memory_space<vmem>>
      %dma_wait3A_83 = arith.constant 0 : i32
      %dma_wait3A_84 = arith.constant 0 : i32
      %dma_wait3A_85 = tpu.memref_slice %arg2[%dma_wait3A_83, %dma_wait3A_84] : memref<10240x128xf32, #tpu.memory_space<hbm>> -> memref<10240x128xf32, #tpu.memory_space<hbm>>
      tpu.wait_indirect_dma semaphore(%arg12 : memref<!tpu.dma_semaphore, #tpu.memory_space<semaphore_mem>>) src(%dma_wait3A_85 : memref<10240x128xf32, #tpu.memory_space<hbm>>) dst(%arg9 : memref<96x128xf32, #tpu.memory_space<vmem>>)
      "tpu.region"() ({
        %run_scoped3A_99 = tpu.sem_alloc : memref<!tpu.dma_semaphore, #tpu.memory_space<semaphore_mem>>
        %dma_start3A_100 = arith.constant 0 : i32
        %dma_start3A_101 = tpu.memref_slice %arg7[%mul3A_65, %dma_start3A_100] : memref<105x96xi32, #tpu.memory_space<vmem>> -> memref<1x96xi32, #tpu.memory_space<vmem>>
        %dma_start3A_102 = tpu.memref_squeeze %dma_start3A_101 : memref<1x96xi32, #tpu.memory_space<vmem>> -> memref<96xi32, #tpu.memory_space<vmem>>
        %dma_start3A_103 = arith.constant 0 : i32
        %dma_start3A_104 = arith.constant 0 : i32
        %dma_start3A_105 = tpu.memref_slice %arg10[%dma_start3A_103, %dma_start3A_104] : memref<10240x128xf32, #tpu.memory_space<vmem_shared>> -> memref<10240x128xf32, #tpu.memory_space<vmem_shared>>
        tpu.enqueue_indirect_dma source(%arg9 : memref<96x128xf32, #tpu.memory_space<vmem>>) target(%dma_start3A_105 : memref<10240x128xf32, #tpu.memory_space<vmem_shared>>) offsets(%dma_start3A_102 : memref<96xi32, #tpu.memory_space<vmem>>) semaphore(%run_scoped3A_99 : memref<!tpu.dma_semaphore, #tpu.memory_space<semaphore_mem>>) {add = true}
        %dma_wait3A_106 = arith.constant 0 : i32
        %dma_wait3A_107 = tpu.memref_slice %arg7[%mul3A_65, %dma_wait3A_106] : memref<105x96xi32, #tpu.memory_space<vmem>> -> memref<1x96xi32, #tpu.memory_space<vmem>>
        %dma_wait3A_108 = tpu.memref_squeeze %dma_wait3A_107 : memref<1x96xi32, #tpu.memory_space<vmem>> -> memref<96xi32, #tpu.memory_space<vmem>>
        %dma_wait3A_109 = arith.constant 0 : i32
        %dma_wait3A_110 = arith.constant 0 : i32
        %dma_wait3A_111 = tpu.memref_slice %arg10[%dma_wait3A_109, %dma_wait3A_110] : memref<10240x128xf32, #tpu.memory_space<vmem_shared>> -> memref<10240x128xf32, #tpu.memory_space<vmem_shared>>
        tpu.wait_indirect_dma semaphore(%run_scoped3A_99 : memref<!tpu.dma_semaphore, #tpu.memory_space<semaphore_mem>>) src(%arg9 : memref<96x128xf32, #tpu.memory_space<vmem>>) dst(%dma_wait3A_111 : memref<10240x128xf32, #tpu.memory_space<vmem_shared>>)
        tpu.yield
      }) : () -> ()
      %mul3A_86 = arith.constant 96 : i32
      %mul3A_87 = arith.muli %add3A_73, %mul3A_86 : i32
      %dma_start3A_88 = tpu.memref_slice %arg6[%mul3A_87] : memref<10080xi32, #tpu.memory_space<vmem>> -> memref<96xi32, #tpu.memory_space<vmem>>
      %dma_start3A_89 = arith.constant 0 : i32
      %dma_start3A_90 = arith.constant 0 : i32
      %dma_start3A_91 = tpu.memref_slice %arg2[%dma_start3A_89, %dma_start3A_90] : memref<10240x128xf32, #tpu.memory_space<hbm>> -> memref<10240x128xf32, #tpu.memory_space<hbm>>
      tpu.enqueue_indirect_dma source(%dma_start3A_91 : memref<10240x128xf32, #tpu.memory_space<hbm>>) target(%arg9 : memref<96x128xf32, #tpu.memory_space<vmem>>) offsets(%dma_start3A_88 : memref<96xi32, #tpu.memory_space<vmem>>) semaphore(%arg12 : memref<!tpu.dma_semaphore, #tpu.memory_space<semaphore_mem>>)
      %mul3A_92 = arith.constant 96 : i32
      %mul3A_93 = arith.muli %add3A_69, %mul3A_92 : i32
      %dma_wait3A_94 = tpu.memref_slice %arg6[%mul3A_93] : memref<10080xi32, #tpu.memory_space<vmem>> -> memref<96xi32, #tpu.memory_space<vmem>>
      %dma_wait3A_95 = arith.constant 0 : i32
      %dma_wait3A_96 = arith.constant 0 : i32
      %dma_wait3A_97 = tpu.memref_slice %arg2[%dma_wait3A_95, %dma_wait3A_96] : memref<10240x128xf32, #tpu.memory_space<hbm>> -> memref<10240x128xf32, #tpu.memory_space<hbm>>
      tpu.wait_indirect_dma semaphore(%arg11 : memref<!tpu.dma_semaphore, #tpu.memory_space<semaphore_mem>>) src(%dma_wait3A_97 : memref<10240x128xf32, #tpu.memory_space<hbm>>) dst(%arg8 : memref<96x128xf32, #tpu.memory_space<vmem>>)
      "tpu.region"() ({
        %run_scoped3A_99 = tpu.sem_alloc : memref<!tpu.dma_semaphore, #tpu.memory_space<semaphore_mem>>
        %dma_start3A_100 = arith.constant 0 : i32
        %dma_start3A_101 = tpu.memref_slice %arg7[%add3A_69, %dma_start3A_100] : memref<105x96xi32, #tpu.memory_space<vmem>> -> memref<1x96xi32, #tpu.memory_space<vmem>>
        %dma_start3A_102 = tpu.memref_squeeze %dma_start3A_101 : memref<1x96xi32, #tpu.memory_space<vmem>> -> memref<96xi32, #tpu.memory_space<vmem>>
        %dma_start3A_103 = arith.constant 0 : i32
        %dma_start3A_104 = arith.constant 0 : i32
        %dma_start3A_105 = tpu.memref_slice %arg10[%dma_start3A_103, %dma_start3A_104] : memref<10240x128xf32, #tpu.memory_space<vmem_shared>> -> memref<10240x128xf32, #tpu.memory_space<vmem_shared>>
        tpu.enqueue_indirect_dma source(%arg8 : memref<96x128xf32, #tpu.memory_space<vmem>>) target(%dma_start3A_105 : memref<10240x128xf32, #tpu.memory_space<vmem_shared>>) offsets(%dma_start3A_102 : memref<96xi32, #tpu.memory_space<vmem>>) semaphore(%run_scoped3A_99 : memref<!tpu.dma_semaphore, #tpu.memory_space<semaphore_mem>>) {add = true}
        %dma_wait3A_106 = arith.constant 0 : i32
        %dma_wait3A_107 = tpu.memref_slice %arg7[%add3A_69, %dma_wait3A_106] : memref<105x96xi32, #tpu.memory_space<vmem>> -> memref<1x96xi32, #tpu.memory_space<vmem>>
        %dma_wait3A_108 = tpu.memref_squeeze %dma_wait3A_107 : memref<1x96xi32, #tpu.memory_space<vmem>> -> memref<96xi32, #tpu.memory_space<vmem>>
        %dma_wait3A_109 = arith.constant 0 : i32
        %dma_wait3A_110 = arith.constant 0 : i32
        %dma_wait3A_111 = tpu.memref_slice %arg10[%dma_wait3A_109, %dma_wait3A_110] : memref<10240x128xf32, #tpu.memory_space<vmem_shared>> -> memref<10240x128xf32, #tpu.memory_space<vmem_shared>>
        tpu.wait_indirect_dma semaphore(%run_scoped3A_99 : memref<!tpu.dma_semaphore, #tpu.memory_space<semaphore_mem>>) src(%arg8 : memref<96x128xf32, #tpu.memory_space<vmem>>) dst(%dma_wait3A_111 : memref<10240x128xf32, #tpu.memory_space<vmem_shared>>)
        tpu.yield
      }) : () -> ()
      %scan3A_98 = arith.constant 0 : i32
      scf.yield %scan3A_98 : i32
    }
    %scan3A_55 = arith.constant 52 : i32
    %dma_wait3A_56 = arith.constant 9984 : i32
    %dma_wait3A_57 = tpu.memref_slice %arg6[%dma_wait3A_56] : memref<10080xi32, #tpu.memory_space<vmem>> -> memref<96xi32, #tpu.memory_space<vmem>>
    %dma_wait3A_58 = arith.constant 0 : i32
    %dma_wait3A_59 = arith.constant 0 : i32
    %dma_wait3A_60 = tpu.memref_slice %arg2[%dma_wait3A_58, %dma_wait3A_59] : memref<10240x128xf32, #tpu.memory_space<hbm>> -> memref<10240x128xf32, #tpu.memory_space<hbm>>
    tpu.wait_indirect_dma semaphore(%arg12 : memref<!tpu.dma_semaphore, #tpu.memory_space<semaphore_mem>>) src(%dma_wait3A_60 : memref<10240x128xf32, #tpu.memory_space<hbm>>) dst(%arg9 : memref<96x128xf32, #tpu.memory_space<vmem>>)
    %run_scoped3A = arith.constant 104 : i32
    "tpu.region"() ({
      %run_scoped3A_62 = tpu.sem_alloc : memref<!tpu.dma_semaphore, #tpu.memory_space<semaphore_mem>>
      %dma_start3A_63 = arith.constant 0 : i32
      %dma_start3A_64 = tpu.memref_slice %arg7[%run_scoped3A, %dma_start3A_63] : memref<105x96xi32, #tpu.memory_space<vmem>> -> memref<1x96xi32, #tpu.memory_space<vmem>>
      %dma_start3A_65 = tpu.memref_squeeze %dma_start3A_64 : memref<1x96xi32, #tpu.memory_space<vmem>> -> memref<96xi32, #tpu.memory_space<vmem>>
      %dma_start3A_66 = arith.constant 0 : i32
      %dma_start3A_67 = arith.constant 0 : i32
      %dma_start3A_68 = tpu.memref_slice %arg10[%dma_start3A_66, %dma_start3A_67] : memref<10240x128xf32, #tpu.memory_space<vmem_shared>> -> memref<10240x128xf32, #tpu.memory_space<vmem_shared>>
      tpu.enqueue_indirect_dma source(%arg9 : memref<96x128xf32, #tpu.memory_space<vmem>>) target(%dma_start3A_68 : memref<10240x128xf32, #tpu.memory_space<vmem_shared>>) offsets(%dma_start3A_65 : memref<96xi32, #tpu.memory_space<vmem>>) semaphore(%run_scoped3A_62 : memref<!tpu.dma_semaphore, #tpu.memory_space<semaphore_mem>>) {add = true}
      %dma_wait3A_69 = arith.constant 0 : i32
      %dma_wait3A_70 = tpu.memref_slice %arg7[%run_scoped3A, %dma_wait3A_69] : memref<105x96xi32, #tpu.memory_space<vmem>> -> memref<1x96xi32, #tpu.memory_space<vmem>>
      %dma_wait3A_71 = tpu.memref_squeeze %dma_wait3A_70 : memref<1x96xi32, #tpu.memory_space<vmem>> -> memref<96xi32, #tpu.memory_space<vmem>>
      %dma_wait3A_72 = arith.constant 0 : i32
      %dma_wait3A_73 = arith.constant 0 : i32
      %dma_wait3A_74 = tpu.memref_slice %arg10[%dma_wait3A_72, %dma_wait3A_73] : memref<10240x128xf32, #tpu.memory_space<vmem_shared>> -> memref<10240x128xf32, #tpu.memory_space<vmem_shared>>
      tpu.wait_indirect_dma semaphore(%run_scoped3A_62 : memref<!tpu.dma_semaphore, #tpu.memory_space<semaphore_mem>>) src(%arg9 : memref<96x128xf32, #tpu.memory_space<vmem>>) dst(%dma_wait3A_74 : memref<10240x128xf32, #tpu.memory_space<vmem_shared>>)
      tpu.yield
    }) : () -> ()
    %barrier3A_61 = arith.constant 0 : index
    tpu.barrier barrier_id(%barrier3A_61)
    "tpu.region"() ({
      %run_scoped3A_62 = tpu.sem_alloc : memref<!tpu.dma_semaphore, #tpu.memory_space<semaphore_mem>>
      %dma_start3A_63 = arith.constant 0 : i32
      %dma_start3A_64 = tpu.memref_slice %arg5[%arg0, %mul3A_2, %dma_start3A_63] : memref<2x10240x128xf32, #tpu.memory_space<hbm>> -> memref<1x640x128xf32, #tpu.memory_space<hbm>>
      %dma_start3A_65 = tpu.memref_squeeze %dma_start3A_64 : memref<1x640x128xf32, #tpu.memory_space<hbm>> -> memref<640x128xf32, #tpu.memory_space<hbm>>
      %dma_start3A_66 = arith.constant 0 : i32
      %dma_start3A_67 = tpu.memref_slice %arg10[%mul3A_2, %dma_start3A_66] : memref<10240x128xf32, #tpu.memory_space<vmem_shared>> -> memref<640x128xf32, #tpu.memory_space<vmem_shared>>
      tpu.enqueue_dma source(%dma_start3A_67 : memref<640x128xf32, #tpu.memory_space<vmem_shared>>) target(%dma_start3A_65 : memref<640x128xf32, #tpu.memory_space<hbm>>) target_semaphore(%run_scoped3A_62 : memref<!tpu.dma_semaphore, #tpu.memory_space<semaphore_mem>>)
      %dma_wait3A_68 = arith.constant 0 : i32
      %dma_wait3A_69 = tpu.memref_slice %arg5[%arg0, %mul3A_2, %dma_wait3A_68] : memref<2x10240x128xf32, #tpu.memory_space<hbm>> -> memref<1x640x128xf32, #tpu.memory_space<hbm>>
      %dma_wait3A_70 = tpu.memref_squeeze %dma_wait3A_69 : memref<1x640x128xf32, #tpu.memory_space<hbm>> -> memref<640x128xf32, #tpu.memory_space<hbm>>
      %dma_wait3A_71 = arith.constant 0 : i32
      %dma_wait3A_72 = tpu.memref_slice %arg10[%mul3A_2, %dma_wait3A_71] : memref<10240x128xf32, #tpu.memory_space<vmem_shared>> -> memref<640x128xf32, #tpu.memory_space<vmem_shared>>
      tpu.wait_dma2 semaphore(%run_scoped3A_62 : memref<!tpu.dma_semaphore, #tpu.memory_space<semaphore_mem>>) src(%dma_wait3A_72 : memref<640x128xf32, #tpu.memory_space<vmem_shared>>) dst(%dma_wait3A_70 : memref<640x128xf32, #tpu.memory_space<hbm>>)
      tpu.yield
    }) : () -> ()
    return
  }
}

#map = affine_map<(d0, d1) -> (0, 0)>
#map1 = affine_map<(d0, d1) -> (0, 0, 0)>
module attributes {stable_mosaic.version = 14 : i64} {
  func.func @_sc_aggregate(%arg0: i32, %arg1: i32, %arg2: memref<10240x128xf32, #tpu.memory_space<hbm>>, %arg3: memref<32x10080xi32, #tpu.memory_space<hbm>>, %arg4: memref<32x105x96xi32, #tpu.memory_space<hbm>>, %arg5: memref<2x10240x128xf32, #tpu.memory_space<hbm>>, %arg6: memref<10080xi32, #tpu.memory_space<vmem>>, %arg7: memref<105x96xi32, #tpu.memory_space<vmem>>, %arg8: memref<96x128xf32, #tpu.memory_space<vmem>>, %arg9: memref<96x128xf32, #tpu.memory_space<vmem>>, %arg10: memref<10240x128xf32, #tpu.memory_space<vmem_shared>>, %arg11: memref<!tpu.dma_semaphore, #tpu.memory_space<semaphore_mem>>, %arg12: memref<!tpu.dma_semaphore, #tpu.memory_space<semaphore_mem>>) attributes {dimension_semantics = [#tpu.dimension_semantics<core_parallel>, #tpu.dimension_semantics<subcore_parallel>], iteration_bounds = array<i64: 2, 16>, scalar_prefetch = 0 : i64, scratch_operands = 7 : i64, tpu.core_type = #tpu.core_type<sc_vector_subcore>, window_params = [{transform_indices = #map}, {transform_indices = #map}, {transform_indices = #map1}, {transform_indices = #map1}]} {
    %mul3A = arith.constant 16 : i32
    %mul3A_0 = arith.muli %arg0, %mul3A : i32
    %add3A = arith.addi %mul3A_0, %arg1 : i32
    %mul3A_1 = arith.constant 640 : i32
    %mul3A_2 = arith.muli %arg1, %mul3A_1 : i32
    %dma_start3A = arith.constant 0 : i32
    %dma_start3A_3 = tpu.memref_slice %arg3[%add3A, %dma_start3A] : memref<32x10080xi32, #tpu.memory_space<hbm>> -> memref<1x10080xi32, #tpu.memory_space<hbm>>
    %dma_start3A_4 = tpu.memref_squeeze %dma_start3A_3 : memref<1x10080xi32, #tpu.memory_space<hbm>> -> memref<10080xi32, #tpu.memory_space<hbm>>
    %dma_start3A_5 = arith.constant 0 : i32
    %dma_start3A_6 = tpu.memref_slice %arg3[%add3A, %dma_start3A_5] : memref<32x10080xi32, #tpu.memory_space<hbm>> -> memref<1x10080xi32, #tpu.memory_space<hbm>>
    %dma_start3A_7 = tpu.memref_squeeze %dma_start3A_6 : memref<1x10080xi32, #tpu.memory_space<hbm>> -> memref<10080xi32, #tpu.memory_space<hbm>>
    tpu.enqueue_dma source(%dma_start3A_7 : memref<10080xi32, #tpu.memory_space<hbm>>) target(%arg6 : memref<10080xi32, #tpu.memory_space<vmem>>) target_semaphore(%arg11 : memref<!tpu.dma_semaphore, #tpu.memory_space<semaphore_mem>>)
    %dma_start3A_8 = arith.constant 0 : i32
    %dma_start3A_9 = arith.constant 0 : i32
    %dma_start3A_10 = tpu.memref_slice %arg4[%add3A, %dma_start3A_8, %dma_start3A_9] : memref<32x105x96xi32, #tpu.memory_space<hbm>> -> memref<1x105x96xi32, #tpu.memory_space<hbm>>
    %dma_start3A_11 = tpu.memref_squeeze %dma_start3A_10 : memref<1x105x96xi32, #tpu.memory_space<hbm>> -> memref<105x96xi32, #tpu.memory_space<hbm>>
    %dma_start3A_12 = arith.constant 0 : i32
    %dma_start3A_13 = arith.constant 0 : i32
    %dma_start3A_14 = tpu.memref_slice %arg4[%add3A, %dma_start3A_12, %dma_start3A_13] : memref<32x105x96xi32, #tpu.memory_space<hbm>> -> memref<1x105x96xi32, #tpu.memory_space<hbm>>
    %dma_start3A_15 = tpu.memref_squeeze %dma_start3A_14 : memref<1x105x96xi32, #tpu.memory_space<hbm>> -> memref<105x96xi32, #tpu.memory_space<hbm>>
    tpu.enqueue_dma source(%dma_start3A_15 : memref<105x96xi32, #tpu.memory_space<hbm>>) target(%arg7 : memref<105x96xi32, #tpu.memory_space<vmem>>) target_semaphore(%arg12 : memref<!tpu.dma_semaphore, #tpu.memory_space<semaphore_mem>>)
    %scan3A = arith.constant 0 : i32
    %scan3A_16 = arith.constant 0 : i32
    %scan3A_17 = arith.constant 96 : i32
    %scan3A_18 = arith.addi %scan3A_16, %scan3A_17 : i32
    %scan3A_19 = arith.constant 1 : i32
    %scan3A_20 = scf.for %scan3A_62 = %scan3A_16 to %scan3A_18 step %scan3A_19 iter_args(%scan3A_63 = %scan3A) -> (i32)  : i32 {
      %broadcast_in_dim3A = arith.constant 0.000000e+00 : f32
      %broadcast_in_dim3A_64 = vector.broadcast %broadcast_in_dim3A : f32 to vector<16xf32>
      %swap3A = arith.index_cast %scan3A_62 : i32 to index
      %swap3A_65 = arith.constant 0 : index
      %swap3A_66 = tpu.vector_load %arg8[%swap3A, %swap3A_65] {strides = array<i32>} : memref<96x128xf32, #tpu.memory_space<vmem>>, vector<1x16xf32>,
      %swap3A_67 = vector.shape_cast %swap3A_66 : vector<1x16xf32> to vector<16xf32>
      %swap3A_68 = vector.shape_cast %broadcast_in_dim3A_64 : vector<16xf32> to vector<1x16xf32>
      tpu.vector_store %arg8[%swap3A, %swap3A_65], %swap3A_68 {strides = array<i32>} : memref<96x128xf32, #tpu.memory_space<vmem>>, vector<1x16xf32>,
      %broadcast_in_dim3A_69 = arith.constant 0.000000e+00 : f32
      %broadcast_in_dim3A_70 = vector.broadcast %broadcast_in_dim3A_69 : f32 to vector<16xf32>
      %swap3A_71 = arith.index_cast %scan3A_62 : i32 to index
      %swap3A_72 = arith.constant 16 : index
      %swap3A_73 = tpu.vector_load %arg8[%swap3A_71, %swap3A_72] {strides = array<i32>} : memref<96x128xf32, #tpu.memory_space<vmem>>, vector<1x16xf32>,
      %swap3A_74 = vector.shape_cast %swap3A_73 : vector<1x16xf32> to vector<16xf32>
      %swap3A_75 = vector.shape_cast %broadcast_in_dim3A_70 : vector<16xf32> to vector<1x16xf32>
      tpu.vector_store %arg8[%swap3A_71, %swap3A_72], %swap3A_75 {strides = array<i32>} : memref<96x128xf32, #tpu.memory_space<vmem>>, vector<1x16xf32>,
      %broadcast_in_dim3A_76 = arith.constant 0.000000e+00 : f32
      %broadcast_in_dim3A_77 = vector.broadcast %broadcast_in_dim3A_76 : f32 to vector<16xf32>
      %swap3A_78 = arith.index_cast %scan3A_62 : i32 to index
      %swap3A_79 = arith.constant 32 : index
      %swap3A_80 = tpu.vector_load %arg8[%swap3A_78, %swap3A_79] {strides = array<i32>} : memref<96x128xf32, #tpu.memory_space<vmem>>, vector<1x16xf32>,
      %swap3A_81 = vector.shape_cast %swap3A_80 : vector<1x16xf32> to vector<16xf32>
      %swap3A_82 = vector.shape_cast %broadcast_in_dim3A_77 : vector<16xf32> to vector<1x16xf32>
      tpu.vector_store %arg8[%swap3A_78, %swap3A_79], %swap3A_82 {strides = array<i32>} : memref<96x128xf32, #tpu.memory_space<vmem>>, vector<1x16xf32>,
      %broadcast_in_dim3A_83 = arith.constant 0.000000e+00 : f32
      %broadcast_in_dim3A_84 = vector.broadcast %broadcast_in_dim3A_83 : f32 to vector<16xf32>
      %swap3A_85 = arith.index_cast %scan3A_62 : i32 to index
      %swap3A_86 = arith.constant 48 : index
      %swap3A_87 = tpu.vector_load %arg8[%swap3A_85, %swap3A_86] {strides = array<i32>} : memref<96x128xf32, #tpu.memory_space<vmem>>, vector<1x16xf32>,
      %swap3A_88 = vector.shape_cast %swap3A_87 : vector<1x16xf32> to vector<16xf32>
      %swap3A_89 = vector.shape_cast %broadcast_in_dim3A_84 : vector<16xf32> to vector<1x16xf32>
      tpu.vector_store %arg8[%swap3A_85, %swap3A_86], %swap3A_89 {strides = array<i32>} : memref<96x128xf32, #tpu.memory_space<vmem>>, vector<1x16xf32>,
      %broadcast_in_dim3A_90 = arith.constant 0.000000e+00 : f32
      %broadcast_in_dim3A_91 = vector.broadcast %broadcast_in_dim3A_90 : f32 to vector<16xf32>
      %swap3A_92 = arith.index_cast %scan3A_62 : i32 to index
      %swap3A_93 = arith.constant 64 : index
      %swap3A_94 = tpu.vector_load %arg8[%swap3A_92, %swap3A_93] {strides = array<i32>} : memref<96x128xf32, #tpu.memory_space<vmem>>, vector<1x16xf32>,
      %swap3A_95 = vector.shape_cast %swap3A_94 : vector<1x16xf32> to vector<16xf32>
      %swap3A_96 = vector.shape_cast %broadcast_in_dim3A_91 : vector<16xf32> to vector<1x16xf32>
      tpu.vector_store %arg8[%swap3A_92, %swap3A_93], %swap3A_96 {strides = array<i32>} : memref<96x128xf32, #tpu.memory_space<vmem>>, vector<1x16xf32>,
      %broadcast_in_dim3A_97 = arith.constant 0.000000e+00 : f32
      %broadcast_in_dim3A_98 = vector.broadcast %broadcast_in_dim3A_97 : f32 to vector<16xf32>
      %swap3A_99 = arith.index_cast %scan3A_62 : i32 to index
      %swap3A_100 = arith.constant 80 : index
      %swap3A_101 = tpu.vector_load %arg8[%swap3A_99, %swap3A_100] {strides = array<i32>} : memref<96x128xf32, #tpu.memory_space<vmem>>, vector<1x16xf32>,
      %swap3A_102 = vector.shape_cast %swap3A_101 : vector<1x16xf32> to vector<16xf32>
      %swap3A_103 = vector.shape_cast %broadcast_in_dim3A_98 : vector<16xf32> to vector<1x16xf32>
      tpu.vector_store %arg8[%swap3A_99, %swap3A_100], %swap3A_103 {strides = array<i32>} : memref<96x128xf32, #tpu.memory_space<vmem>>, vector<1x16xf32>,
      %broadcast_in_dim3A_104 = arith.constant 0.000000e+00 : f32
      %broadcast_in_dim3A_105 = vector.broadcast %broadcast_in_dim3A_104 : f32 to vector<16xf32>
      %swap3A_106 = arith.index_cast %scan3A_62 : i32 to index
      %swap3A_107 = arith.constant 96 : index
      %swap3A_108 = tpu.vector_load %arg8[%swap3A_106, %swap3A_107] {strides = array<i32>} : memref<96x128xf32, #tpu.memory_space<vmem>>, vector<1x16xf32>,
      %swap3A_109 = vector.shape_cast %swap3A_108 : vector<1x16xf32> to vector<16xf32>
      %swap3A_110 = vector.shape_cast %broadcast_in_dim3A_105 : vector<16xf32> to vector<1x16xf32>
      tpu.vector_store %arg8[%swap3A_106, %swap3A_107], %swap3A_110 {strides = array<i32>} : memref<96x128xf32, #tpu.memory_space<vmem>>, vector<1x16xf32>,
      %broadcast_in_dim3A_111 = arith.constant 0.000000e+00 : f32
      %broadcast_in_dim3A_112 = vector.broadcast %broadcast_in_dim3A_111 : f32 to vector<16xf32>
      %swap3A_113 = arith.index_cast %scan3A_62 : i32 to index
      %swap3A_114 = arith.constant 112 : index
      %swap3A_115 = tpu.vector_load %arg8[%swap3A_113, %swap3A_114] {strides = array<i32>} : memref<96x128xf32, #tpu.memory_space<vmem>>, vector<1x16xf32>,
      %swap3A_116 = vector.shape_cast %swap3A_115 : vector<1x16xf32> to vector<16xf32>
      %swap3A_117 = vector.shape_cast %broadcast_in_dim3A_112 : vector<16xf32> to vector<1x16xf32>
      tpu.vector_store %arg8[%swap3A_113, %swap3A_114], %swap3A_117 {strides = array<i32>} : memref<96x128xf32, #tpu.memory_space<vmem>>, vector<1x16xf32>,
      %scan3A_118 = arith.constant 0 : i32
      scf.yield %scan3A_118 : i32
    }
    %scan3A_21 = arith.constant 96 : i32
    %dma_wait3A = arith.constant 0 : i32
    %dma_wait3A_22 = tpu.memref_slice %arg3[%add3A, %dma_wait3A] : memref<32x10080xi32, #tpu.memory_space<hbm>> -> memref<1x10080xi32, #tpu.memory_space<hbm>>
    %dma_wait3A_23 = tpu.memref_squeeze %dma_wait3A_22 : memref<1x10080xi32, #tpu.memory_space<hbm>> -> memref<10080xi32, #tpu.memory_space<hbm>>
    %dma_wait3A_24 = arith.constant 0 : i32
    %dma_wait3A_25 = tpu.memref_slice %arg3[%add3A, %dma_wait3A_24] : memref<32x10080xi32, #tpu.memory_space<hbm>> -> memref<1x10080xi32, #tpu.memory_space<hbm>>
    %dma_wait3A_26 = tpu.memref_squeeze %dma_wait3A_25 : memref<1x10080xi32, #tpu.memory_space<hbm>> -> memref<10080xi32, #tpu.memory_space<hbm>>
    tpu.wait_dma2 semaphore(%arg11 : memref<!tpu.dma_semaphore, #tpu.memory_space<semaphore_mem>>) src(%dma_wait3A_26 : memref<10080xi32, #tpu.memory_space<hbm>>) dst(%arg6 : memref<10080xi32, #tpu.memory_space<vmem>>)
    %dma_wait3A_27 = arith.constant 0 : i32
    %dma_wait3A_28 = arith.constant 0 : i32
    %dma_wait3A_29 = tpu.memref_slice %arg4[%add3A, %dma_wait3A_27, %dma_wait3A_28] : memref<32x105x96xi32, #tpu.memory_space<hbm>> -> memref<1x105x96xi32, #tpu.memory_space<hbm>>
    %dma_wait3A_30 = tpu.memref_squeeze %dma_wait3A_29 : memref<1x105x96xi32, #tpu.memory_space<hbm>> -> memref<105x96xi32, #tpu.memory_space<hbm>>
    %dma_wait3A_31 = arith.constant 0 : i32
    %dma_wait3A_32 = arith.constant 0 : i32
    %dma_wait3A_33 = tpu.memref_slice %arg4[%add3A, %dma_wait3A_31, %dma_wait3A_32] : memref<32x105x96xi32, #tpu.memory_space<hbm>> -> memref<1x105x96xi32, #tpu.memory_space<hbm>>
    %dma_wait3A_34 = tpu.memref_squeeze %dma_wait3A_33 : memref<1x105x96xi32, #tpu.memory_space<hbm>> -> memref<105x96xi32, #tpu.memory_space<hbm>>
    tpu.wait_dma2 semaphore(%arg12 : memref<!tpu.dma_semaphore, #tpu.memory_space<semaphore_mem>>) src(%dma_wait3A_34 : memref<105x96xi32, #tpu.memory_space<hbm>>) dst(%arg7 : memref<105x96xi32, #tpu.memory_space<vmem>>)
    %dma_start3A_35 = arith.constant 0 : i32
    %dma_start3A_36 = tpu.memref_slice %arg6[%dma_start3A_35] : memref<10080xi32, #tpu.memory_space<vmem>> -> memref<96xi32, #tpu.memory_space<vmem>>
    %dma_start3A_37 = arith.constant 0 : i32
    %dma_start3A_38 = arith.constant 0 : i32
    %dma_start3A_39 = tpu.memref_slice %arg2[%dma_start3A_37, %dma_start3A_38] : memref<10240x128xf32, #tpu.memory_space<hbm>> -> memref<10240x128xf32, #tpu.memory_space<hbm>>
    tpu.enqueue_indirect_dma source(%dma_start3A_39 : memref<10240x128xf32, #tpu.memory_space<hbm>>) target(%arg9 : memref<96x128xf32, #tpu.memory_space<vmem>>) offsets(%dma_start3A_36 : memref<96xi32, #tpu.memory_space<vmem>>) semaphore(%arg12 : memref<!tpu.dma_semaphore, #tpu.memory_space<semaphore_mem>>)
    %scan3A_40 = arith.constant 0 : i32
    %scan3A_41 = arith.constant 0 : i32
    %scan3A_42 = arith.constant 6 : i32
    %scan3A_43 = arith.addi %scan3A_41, %scan3A_42 : i32
    %scan3A_44 = arith.constant 1 : i32
    %scan3A_45 = scf.for %scan3A_62 = %scan3A_41 to %scan3A_43 step %scan3A_44 iter_args(%scan3A_63 = %scan3A_40) -> (i32)  : i32 {
      %mul3A_64 = arith.constant 96 : i32
      %mul3A_65 = arith.muli %scan3A_62, %mul3A_64 : i32
      %add3A_66 = arith.addi %mul3A_2, %mul3A_65 : i32
      "tpu.region"() ({
        %run_scoped3A_68 = tpu.sem_alloc : memref<!tpu.dma_semaphore, #tpu.memory_space<semaphore_mem>>
        %dma_start3A_69 = arith.constant 0 : i32
        %dma_start3A_70 = tpu.memref_slice %arg10[%add3A_66, %dma_start3A_69] : memref<10240x128xf32, #tpu.memory_space<vmem_shared>> -> memref<96x128xf32, #tpu.memory_space<vmem_shared>>
        %dma_start3A_71 = arith.constant 0 : i32
        %dma_start3A_72 = tpu.memref_slice %arg10[%add3A_66, %dma_start3A_71] : memref<10240x128xf32, #tpu.memory_space<vmem_shared>> -> memref<96x128xf32, #tpu.memory_space<vmem_shared>>
        tpu.enqueue_dma source(%arg8 : memref<96x128xf32, #tpu.memory_space<vmem>>) target(%dma_start3A_72 : memref<96x128xf32, #tpu.memory_space<vmem_shared>>) target_semaphore(%run_scoped3A_68 : memref<!tpu.dma_semaphore, #tpu.memory_space<semaphore_mem>>)
        %dma_wait3A_73 = arith.constant 0 : i32
        %dma_wait3A_74 = tpu.memref_slice %arg10[%add3A_66, %dma_wait3A_73] : memref<10240x128xf32, #tpu.memory_space<vmem_shared>> -> memref<96x128xf32, #tpu.memory_space<vmem_shared>>
        %dma_wait3A_75 = arith.constant 0 : i32
        %dma_wait3A_76 = tpu.memref_slice %arg10[%add3A_66, %dma_wait3A_75] : memref<10240x128xf32, #tpu.memory_space<vmem_shared>> -> memref<96x128xf32, #tpu.memory_space<vmem_shared>>
        tpu.wait_dma2 semaphore(%run_scoped3A_68 : memref<!tpu.dma_semaphore, #tpu.memory_space<semaphore_mem>>) src(%arg8 : memref<96x128xf32, #tpu.memory_space<vmem>>) dst(%dma_wait3A_76 : memref<96x128xf32, #tpu.memory_space<vmem_shared>>)
        tpu.yield
      }) : () -> ()
      %scan3A_67 = arith.constant 0 : i32
      scf.yield %scan3A_67 : i32
    }
    %scan3A_46 = arith.constant 6 : i32
    %add3A_47 = arith.constant 576 : i32
    %add3A_48 = arith.addi %mul3A_2, %add3A_47 : i32
    "tpu.region"() ({
      %run_scoped3A_62 = tpu.sem_alloc : memref<!tpu.dma_semaphore, #tpu.memory_space<semaphore_mem>>
      %dma_start3A_63 = arith.constant 0 : i32
      %dma_start3A_64 = arith.constant 0 : i32
      %dma_start3A_65 = tpu.memref_slice %arg8[%dma_start3A_63, %dma_start3A_64] : memref<96x128xf32, #tpu.memory_space<vmem>> -> memref<64x128xf32, #tpu.memory_space<vmem>>
      %dma_start3A_66 = arith.constant 0 : i32
      %dma_start3A_67 = tpu.memref_slice %arg10[%add3A_48, %dma_start3A_66] : memref<10240x128xf32, #tpu.memory_space<vmem_shared>> -> memref<64x128xf32, #tpu.memory_space<vmem_shared>>
      %dma_start3A_68 = arith.constant 0 : i32
      %dma_start3A_69 = tpu.memref_slice %arg10[%add3A_48, %dma_start3A_68] : memref<10240x128xf32, #tpu.memory_space<vmem_shared>> -> memref<64x128xf32, #tpu.memory_space<vmem_shared>>
      %dma_start3A_70 = arith.constant 0 : i32
      %dma_start3A_71 = arith.constant 0 : i32
      %dma_start3A_72 = tpu.memref_slice %arg8[%dma_start3A_70, %dma_start3A_71] : memref<96x128xf32, #tpu.memory_space<vmem>> -> memref<64x128xf32, #tpu.memory_space<vmem>>
      tpu.enqueue_dma source(%dma_start3A_72 : memref<64x128xf32, #tpu.memory_space<vmem>>) target(%dma_start3A_69 : memref<64x128xf32, #tpu.memory_space<vmem_shared>>) target_semaphore(%run_scoped3A_62 : memref<!tpu.dma_semaphore, #tpu.memory_space<semaphore_mem>>)
      %dma_wait3A_73 = arith.constant 0 : i32
      %dma_wait3A_74 = arith.constant 0 : i32
      %dma_wait3A_75 = tpu.memref_slice %arg8[%dma_wait3A_73, %dma_wait3A_74] : memref<96x128xf32, #tpu.memory_space<vmem>> -> memref<64x128xf32, #tpu.memory_space<vmem>>
      %dma_wait3A_76 = arith.constant 0 : i32
      %dma_wait3A_77 = tpu.memref_slice %arg10[%add3A_48, %dma_wait3A_76] : memref<10240x128xf32, #tpu.memory_space<vmem_shared>> -> memref<64x128xf32, #tpu.memory_space<vmem_shared>>
      %dma_wait3A_78 = arith.constant 0 : i32
      %dma_wait3A_79 = tpu.memref_slice %arg10[%add3A_48, %dma_wait3A_78] : memref<10240x128xf32, #tpu.memory_space<vmem_shared>> -> memref<64x128xf32, #tpu.memory_space<vmem_shared>>
      %dma_wait3A_80 = arith.constant 0 : i32
      %dma_wait3A_81 = arith.constant 0 : i32
      %dma_wait3A_82 = tpu.memref_slice %arg8[%dma_wait3A_80, %dma_wait3A_81] : memref<96x128xf32, #tpu.memory_space<vmem>> -> memref<64x128xf32, #tpu.memory_space<vmem>>
      tpu.wait_dma2 semaphore(%run_scoped3A_62 : memref<!tpu.dma_semaphore, #tpu.memory_space<semaphore_mem>>) src(%dma_wait3A_82 : memref<64x128xf32, #tpu.memory_space<vmem>>) dst(%dma_wait3A_79 : memref<64x128xf32, #tpu.memory_space<vmem_shared>>)
      tpu.yield
    }) : () -> ()
    %barrier3A = arith.constant 0 : index
    tpu.barrier barrier_id(%barrier3A)
    %scan3A_49 = arith.constant 0 : i32
    %scan3A_50 = arith.constant 0 : i32
    %scan3A_51 = arith.constant 52 : i32
    %scan3A_52 = arith.addi %scan3A_50, %scan3A_51 : i32
    %scan3A_53 = arith.constant 1 : i32
    %scan3A_54 = scf.for %scan3A_62 = %scan3A_50 to %scan3A_52 step %scan3A_53 iter_args(%scan3A_63 = %scan3A_49) -> (i32)  : i32 {
      %mul3A_64 = arith.constant 2 : i32
      %mul3A_65 = arith.muli %mul3A_64, %scan3A_62 : i32
      %mul3A_66 = arith.constant 2 : i32
      %mul3A_67 = arith.muli %mul3A_66, %scan3A_62 : i32
      %add3A_68 = arith.constant 1 : i32
      %add3A_69 = arith.addi %mul3A_67, %add3A_68 : i32
      %mul3A_70 = arith.constant 2 : i32
      %mul3A_71 = arith.muli %mul3A_70, %scan3A_62 : i32
      %add3A_72 = arith.constant 2 : i32
      %add3A_73 = arith.addi %mul3A_71, %add3A_72 : i32
      %mul3A_74 = arith.constant 96 : i32
      %mul3A_75 = arith.muli %add3A_69, %mul3A_74 : i32
      %dma_start3A_76 = tpu.memref_slice %arg6[%mul3A_75] : memref<10080xi32, #tpu.memory_space<vmem>> -> memref<96xi32, #tpu.memory_space<vmem>>
      %dma_start3A_77 = arith.constant 0 : i32
      %dma_start3A_78 = arith.constant 0 : i32
      %dma_start3A_79 = tpu.memref_slice %arg2[%dma_start3A_77, %dma_start3A_78] : memref<10240x128xf32, #tpu.memory_space<hbm>> -> memref<10240x128xf32, #tpu.memory_space<hbm>>
      tpu.enqueue_indirect_dma source(%dma_start3A_79 : memref<10240x128xf32, #tpu.memory_space<hbm>>) target(%arg8 : memref<96x128xf32, #tpu.memory_space<vmem>>) offsets(%dma_start3A_76 : memref<96xi32, #tpu.memory_space<vmem>>) semaphore(%arg11 : memref<!tpu.dma_semaphore, #tpu.memory_space<semaphore_mem>>)
      %mul3A_80 = arith.constant 96 : i32
      %mul3A_81 = arith.muli %mul3A_65, %mul3A_80 : i32
      %dma_wait3A_82 = tpu.memref_slice %arg6[%mul3A_81] : memref<10080xi32, #tpu.memory_space<vmem>> -> memref<96xi32, #tpu.memory_space<vmem>>
      %dma_wait3A_83 = arith.constant 0 : i32
      %dma_wait3A_84 = arith.constant 0 : i32
      %dma_wait3A_85 = tpu.memref_slice %arg2[%dma_wait3A_83, %dma_wait3A_84] : memref<10240x128xf32, #tpu.memory_space<hbm>> -> memref<10240x128xf32, #tpu.memory_space<hbm>>
      tpu.wait_indirect_dma semaphore(%arg12 : memref<!tpu.dma_semaphore, #tpu.memory_space<semaphore_mem>>) src(%dma_wait3A_85 : memref<10240x128xf32, #tpu.memory_space<hbm>>) dst(%arg9 : memref<96x128xf32, #tpu.memory_space<vmem>>)
      "tpu.region"() ({
        %run_scoped3A_99 = tpu.sem_alloc : memref<!tpu.dma_semaphore, #tpu.memory_space<semaphore_mem>>
        %dma_start3A_100 = arith.constant 0 : i32
        %dma_start3A_101 = tpu.memref_slice %arg7[%mul3A_65, %dma_start3A_100] : memref<105x96xi32, #tpu.memory_space<vmem>> -> memref<1x96xi32, #tpu.memory_space<vmem>>
        %dma_start3A_102 = tpu.memref_squeeze %dma_start3A_101 : memref<1x96xi32, #tpu.memory_space<vmem>> -> memref<96xi32, #tpu.memory_space<vmem>>
        %dma_start3A_103 = arith.constant 0 : i32
        %dma_start3A_104 = arith.constant 0 : i32
        %dma_start3A_105 = tpu.memref_slice %arg10[%dma_start3A_103, %dma_start3A_104] : memref<10240x128xf32, #tpu.memory_space<vmem_shared>> -> memref<10240x128xf32, #tpu.memory_space<vmem_shared>>
        tpu.enqueue_indirect_dma source(%arg9 : memref<96x128xf32, #tpu.memory_space<vmem>>) target(%dma_start3A_105 : memref<10240x128xf32, #tpu.memory_space<vmem_shared>>) offsets(%dma_start3A_102 : memref<96xi32, #tpu.memory_space<vmem>>) semaphore(%run_scoped3A_99 : memref<!tpu.dma_semaphore, #tpu.memory_space<semaphore_mem>>) {add = true}
        %dma_wait3A_106 = arith.constant 0 : i32
        %dma_wait3A_107 = tpu.memref_slice %arg7[%mul3A_65, %dma_wait3A_106] : memref<105x96xi32, #tpu.memory_space<vmem>> -> memref<1x96xi32, #tpu.memory_space<vmem>>
        %dma_wait3A_108 = tpu.memref_squeeze %dma_wait3A_107 : memref<1x96xi32, #tpu.memory_space<vmem>> -> memref<96xi32, #tpu.memory_space<vmem>>
        %dma_wait3A_109 = arith.constant 0 : i32
        %dma_wait3A_110 = arith.constant 0 : i32
        %dma_wait3A_111 = tpu.memref_slice %arg10[%dma_wait3A_109, %dma_wait3A_110] : memref<10240x128xf32, #tpu.memory_space<vmem_shared>> -> memref<10240x128xf32, #tpu.memory_space<vmem_shared>>
        tpu.wait_indirect_dma semaphore(%run_scoped3A_99 : memref<!tpu.dma_semaphore, #tpu.memory_space<semaphore_mem>>) src(%arg9 : memref<96x128xf32, #tpu.memory_space<vmem>>) dst(%dma_wait3A_111 : memref<10240x128xf32, #tpu.memory_space<vmem_shared>>)
        tpu.yield
      }) : () -> ()
      %mul3A_86 = arith.constant 96 : i32
      %mul3A_87 = arith.muli %add3A_73, %mul3A_86 : i32
      %dma_start3A_88 = tpu.memref_slice %arg6[%mul3A_87] : memref<10080xi32, #tpu.memory_space<vmem>> -> memref<96xi32, #tpu.memory_space<vmem>>
      %dma_start3A_89 = arith.constant 0 : i32
      %dma_start3A_90 = arith.constant 0 : i32
      %dma_start3A_91 = tpu.memref_slice %arg2[%dma_start3A_89, %dma_start3A_90] : memref<10240x128xf32, #tpu.memory_space<hbm>> -> memref<10240x128xf32, #tpu.memory_space<hbm>>
      tpu.enqueue_indirect_dma source(%dma_start3A_91 : memref<10240x128xf32, #tpu.memory_space<hbm>>) target(%arg9 : memref<96x128xf32, #tpu.memory_space<vmem>>) offsets(%dma_start3A_88 : memref<96xi32, #tpu.memory_space<vmem>>) semaphore(%arg12 : memref<!tpu.dma_semaphore, #tpu.memory_space<semaphore_mem>>)
      %mul3A_92 = arith.constant 96 : i32
      %mul3A_93 = arith.muli %add3A_69, %mul3A_92 : i32
      %dma_wait3A_94 = tpu.memref_slice %arg6[%mul3A_93] : memref<10080xi32, #tpu.memory_space<vmem>> -> memref<96xi32, #tpu.memory_space<vmem>>
      %dma_wait3A_95 = arith.constant 0 : i32
      %dma_wait3A_96 = arith.constant 0 : i32
      %dma_wait3A_97 = tpu.memref_slice %arg2[%dma_wait3A_95, %dma_wait3A_96] : memref<10240x128xf32, #tpu.memory_space<hbm>> -> memref<10240x128xf32, #tpu.memory_space<hbm>>
      tpu.wait_indirect_dma semaphore(%arg11 : memref<!tpu.dma_semaphore, #tpu.memory_space<semaphore_mem>>) src(%dma_wait3A_97 : memref<10240x128xf32, #tpu.memory_space<hbm>>) dst(%arg8 : memref<96x128xf32, #tpu.memory_space<vmem>>)
      "tpu.region"() ({
        %run_scoped3A_99 = tpu.sem_alloc : memref<!tpu.dma_semaphore, #tpu.memory_space<semaphore_mem>>
        %dma_start3A_100 = arith.constant 0 : i32
        %dma_start3A_101 = tpu.memref_slice %arg7[%add3A_69, %dma_start3A_100] : memref<105x96xi32, #tpu.memory_space<vmem>> -> memref<1x96xi32, #tpu.memory_space<vmem>>
        %dma_start3A_102 = tpu.memref_squeeze %dma_start3A_101 : memref<1x96xi32, #tpu.memory_space<vmem>> -> memref<96xi32, #tpu.memory_space<vmem>>
        %dma_start3A_103 = arith.constant 0 : i32
        %dma_start3A_104 = arith.constant 0 : i32
        %dma_start3A_105 = tpu.memref_slice %arg10[%dma_start3A_103, %dma_start3A_104] : memref<10240x128xf32, #tpu.memory_space<vmem_shared>> -> memref<10240x128xf32, #tpu.memory_space<vmem_shared>>
        tpu.enqueue_indirect_dma source(%arg8 : memref<96x128xf32, #tpu.memory_space<vmem>>) target(%dma_start3A_105 : memref<10240x128xf32, #tpu.memory_space<vmem_shared>>) offsets(%dma_start3A_102 : memref<96xi32, #tpu.memory_space<vmem>>) semaphore(%run_scoped3A_99 : memref<!tpu.dma_semaphore, #tpu.memory_space<semaphore_mem>>) {add = true}
        %dma_wait3A_106 = arith.constant 0 : i32
        %dma_wait3A_107 = tpu.memref_slice %arg7[%add3A_69, %dma_wait3A_106] : memref<105x96xi32, #tpu.memory_space<vmem>> -> memref<1x96xi32, #tpu.memory_space<vmem>>
        %dma_wait3A_108 = tpu.memref_squeeze %dma_wait3A_107 : memref<1x96xi32, #tpu.memory_space<vmem>> -> memref<96xi32, #tpu.memory_space<vmem>>
        %dma_wait3A_109 = arith.constant 0 : i32
        %dma_wait3A_110 = arith.constant 0 : i32
        %dma_wait3A_111 = tpu.memref_slice %arg10[%dma_wait3A_109, %dma_wait3A_110] : memref<10240x128xf32, #tpu.memory_space<vmem_shared>> -> memref<10240x128xf32, #tpu.memory_space<vmem_shared>>
        tpu.wait_indirect_dma semaphore(%run_scoped3A_99 : memref<!tpu.dma_semaphore, #tpu.memory_space<semaphore_mem>>) src(%arg8 : memref<96x128xf32, #tpu.memory_space<vmem>>) dst(%dma_wait3A_111 : memref<10240x128xf32, #tpu.memory_space<vmem_shared>>)
        tpu.yield
      }) : () -> ()
      %scan3A_98 = arith.constant 0 : i32
      scf.yield %scan3A_98 : i32
    }
    %scan3A_55 = arith.constant 52 : i32
    %dma_wait3A_56 = arith.constant 9984 : i32
    %dma_wait3A_57 = tpu.memref_slice %arg6[%dma_wait3A_56] : memref<10080xi32, #tpu.memory_space<vmem>> -> memref<96xi32, #tpu.memory_space<vmem>>
    %dma_wait3A_58 = arith.constant 0 : i32
    %dma_wait3A_59 = arith.constant 0 : i32
    %dma_wait3A_60 = tpu.memref_slice %arg2[%dma_wait3A_58, %dma_wait3A_59] : memref<10240x128xf32, #tpu.memory_space<hbm>> -> memref<10240x128xf32, #tpu.memory_space<hbm>>
    tpu.wait_indirect_dma semaphore(%arg12 : memref<!tpu.dma_semaphore, #tpu.memory_space<semaphore_mem>>) src(%dma_wait3A_60 : memref<10240x128xf32, #tpu.memory_space<hbm>>) dst(%arg9 : memref<96x128xf32, #tpu.memory_space<vmem>>)
    %run_scoped3A = arith.constant 104 : i32
    "tpu.region"() ({
      %run_scoped3A_62 = tpu.sem_alloc : memref<!tpu.dma_semaphore, #tpu.memory_space<semaphore_mem>>
      %dma_start3A_63 = arith.constant 0 : i32
      %dma_start3A_64 = tpu.memref_slice %arg7[%run_scoped3A, %dma_start3A_63] : memref<105x96xi32, #tpu.memory_space<vmem>> -> memref<1x96xi32, #tpu.memory_space<vmem>>
      %dma_start3A_65 = tpu.memref_squeeze %dma_start3A_64 : memref<1x96xi32, #tpu.memory_space<vmem>> -> memref<96xi32, #tpu.memory_space<vmem>>
      %dma_start3A_66 = arith.constant 0 : i32
      %dma_start3A_67 = arith.constant 0 : i32
      %dma_start3A_68 = tpu.memref_slice %arg10[%dma_start3A_66, %dma_start3A_67] : memref<10240x128xf32, #tpu.memory_space<vmem_shared>> -> memref<10240x128xf32, #tpu.memory_space<vmem_shared>>
      tpu.enqueue_indirect_dma source(%arg9 : memref<96x128xf32, #tpu.memory_space<vmem>>) target(%dma_start3A_68 : memref<10240x128xf32, #tpu.memory_space<vmem_shared>>) offsets(%dma_start3A_65 : memref<96xi32, #tpu.memory_space<vmem>>) semaphore(%run_scoped3A_62 : memref<!tpu.dma_semaphore, #tpu.memory_space<semaphore_mem>>) {add = true}
      %dma_wait3A_69 = arith.constant 0 : i32
      %dma_wait3A_70 = tpu.memref_slice %arg7[%run_scoped3A, %dma_wait3A_69] : memref<105x96xi32, #tpu.memory_space<vmem>> -> memref<1x96xi32, #tpu.memory_space<vmem>>
      %dma_wait3A_71 = tpu.memref_squeeze %dma_wait3A_70 : memref<1x96xi32, #tpu.memory_space<vmem>> -> memref<96xi32, #tpu.memory_space<vmem>>
      %dma_wait3A_72 = arith.constant 0 : i32
      %dma_wait3A_73 = arith.constant 0 : i32
      %dma_wait3A_74 = tpu.memref_slice %arg10[%dma_wait3A_72, %dma_wait3A_73] : memref<10240x128xf32, #tpu.memory_space<vmem_shared>> -> memref<10240x128xf32, #tpu.memory_space<vmem_shared>>
      tpu.wait_indirect_dma semaphore(%run_scoped3A_62 : memref<!tpu.dma_semaphore, #tpu.memory_space<semaphore_mem>>) src(%arg9 : memref<96x128xf32, #tpu.memory_space<vmem>>) dst(%dma_wait3A_74 : memref<10240x128xf32, #tpu.memory_space<vmem_shared>>)
      tpu.yield
    }) : () -> ()
    %barrier3A_61 = arith.constant 0 : index
    tpu.barrier barrier_id(%barrier3A_61)
    "tpu.region"() ({
      %run_scoped3A_62 = tpu.sem_alloc : memref<!tpu.dma_semaphore, #tpu.memory_space<semaphore_mem>>
      %dma_start3A_63 = arith.constant 0 : i32
      %dma_start3A_64 = tpu.memref_slice %arg5[%arg0, %mul3A_2, %dma_start3A_63] : memref<2x10240x128xf32, #tpu.memory_space<hbm>> -> memref<1x640x128xf32, #tpu.memory_space<hbm>>
      %dma_start3A_65 = tpu.memref_squeeze %dma_start3A_64 : memref<1x640x128xf32, #tpu.memory_space<hbm>> -> memref<640x128xf32, #tpu.memory_space<hbm>>
      %dma_start3A_66 = arith.constant 0 : i32
      %dma_start3A_67 = tpu.memref_slice %arg10[%mul3A_2, %dma_start3A_66] : memref<10240x128xf32, #tpu.memory_space<vmem_shared>> -> memref<640x128xf32, #tpu.memory_space<vmem_shared>>
      tpu.enqueue_dma source(%dma_start3A_67 : memref<640x128xf32, #tpu.memory_space<vmem_shared>>) target(%dma_start3A_65 : memref<640x128xf32, #tpu.memory_space<hbm>>) target_semaphore(%run_scoped3A_62 : memref<!tpu.dma_semaphore, #tpu.memory_space<semaphore_mem>>)
      %dma_wait3A_68 = arith.constant 0 : i32
      %dma_wait3A_69 = tpu.memref_slice %arg5[%arg0, %mul3A_2, %dma_wait3A_68] : memref<2x10240x128xf32, #tpu.memory_space<hbm>> -> memref<1x640x128xf32, #tpu.memory_space<hbm>>
      %dma_wait3A_70 = tpu.memref_squeeze %dma_wait3A_69 : memref<1x640x128xf32, #tpu.memory_space<hbm>> -> memref<640x128xf32, #tpu.memory_space<hbm>>
      %dma_wait3A_71 = arith.constant 0 : i32
      %dma_wait3A_72 = tpu.memref_slice %arg10[%mul3A_2, %dma_wait3A_71] : memref<10240x128xf32, #tpu.memory_space<vmem_shared>> -> memref<640x128xf32, #tpu.memory_space<vmem_shared>>
      tpu.wait_dma2 semaphore(%run_scoped3A_62 : memref<!tpu.dma_semaphore, #tpu.memory_space<semaphore_mem>>) src(%dma_wait3A_72 : memref<640x128xf32, #tpu.memory_space<vmem_shared>>) dst(%dma_wait3A_70 : memref<640x128xf32, #tpu.memory_space<hbm>>)
      tpu.yield
    }) : () -> ()
    return
  }
}

module attributes {stable_mosaic.version = 14 : i64} {
  func.func @_tc_pre_body(%arg0: i32, %arg1: memref<512x128xf32, #tpu.memory_space<vmem>>, %arg2: memref<128x128xf32, #tpu.memory_space<vmem>>, %arg3: memref<2x512xf32, #tpu.memory_space<vmem>>, %arg4: memref<512x128xf32, #tpu.memory_space<vmem>>) attributes {dimension_semantics = [#tpu.dimension_semantics<arbitrary>], iteration_bounds = array<i64: 20>, scalar_prefetch = 0 : i64, scratch_operands = 0 : i64, tpu.core_type = #tpu.core_type<tc>, window_params = [{transform_indices = @transform_0, window_bounds = array<i64: 512, 128>}, {pipeline_mode = #tpu.pipeline_mode<synchronous>, transform_indices = @transform_1, window_bounds = array<i64: 128, 128>}, {transform_indices = @transform_2, window_bounds = array<i64: 2, 512>}, {transform_indices = @transform_3, window_bounds = array<i64: 512, 128>}]} {
    %get3A = arith.constant 0 : index
    %get3A_0 = arith.constant 0 : index
    %get3A_1 = vector.load %arg3[%get3A, %get3A_0] : memref<2x512xf32, #tpu.memory_space<vmem>>, vector<1x512xf32>
    %get3A_2 = vector.shape_cast %get3A_1 : vector<1x512xf32> to vector<512xf32>
    %get3A_3 = arith.constant 1 : index
    %get3A_4 = arith.constant 0 : index
    %get3A_5 = vector.load %arg3[%get3A_3, %get3A_4] : memref<2x512xf32, #tpu.memory_space<vmem>>, vector<1x512xf32>
    %get3A_6 = vector.shape_cast %get3A_5 : vector<1x512xf32> to vector<512xf32>
    %add3A = arith.addf %get3A_2, %get3A_6 : vector<512xf32>
    %add3A_7 = arith.constant 1.000000e+00 : f32
    %add3A_8 = vector.broadcast %add3A_7 : f32 to vector<512xf32>
    %add3A_9 = arith.addf %add3A, %add3A_8 : vector<512xf32>
    %rsqrt3A = math.rsqrt %add3A_9 : vector<512xf32>
    %get3A_10 = arith.constant 0 : index
    %get3A_11 = arith.constant 0 : index
    %get3A_12 = vector.load %arg1[%get3A_10, %get3A_11] : memref<512x128xf32, #tpu.memory_space<vmem>>, vector<512x128xf32>
    %get3A_13 = arith.constant 0 : index
    %get3A_14 = arith.constant 0 : index
    %get3A_15 = vector.load %arg2[%get3A_13, %get3A_14] : memref<128x128xf32, #tpu.memory_space<vmem>>, vector<128x128xf32>
    %dot_general3A = arith.constant dense<0.000000e+00> : vector<512x128xf32>
    %dot_general3A_16 = tpu.matmul %get3A_12, %get3A_15, %dot_general3A {dimension_numbers = #tpu.dot_dimension_numbers<[1], [0], [0], [1], [0, 0, 1, 1], [], []>, transpose_lhs_hint = false} : vector<512x128xf32>, vector<128x128xf32>, vector<512x128xf32> -> vector<512x128xf32>
    %broadcast_in_dim3A = vector.shape_cast %rsqrt3A : vector<512xf32> to vector<512x1xf32>
    %mul3A = vector.broadcast %broadcast_in_dim3A : vector<512x1xf32> to vector<512x128xf32>
    %mul3A_17 = arith.mulf %dot_general3A_16, %mul3A : vector<512x128xf32>
    %swap3A = arith.constant 0 : index
    %swap3A_18 = arith.constant 0 : index
    %swap3A_19 = vector.load %arg4[%swap3A, %swap3A_18] : memref<512x128xf32, #tpu.memory_space<vmem>>, vector<512x128xf32>
    tpu.vector_store %arg4[%swap3A, %swap3A_18], %mul3A_17 {strides = array<i32>} : memref<512x128xf32, #tpu.memory_space<vmem>>, vector<512x128xf32>,
    return
  }
  func.func @transform_0(%arg0: i32) -> (i32, i32) {
    %c0_i32 = arith.constant 0 : i32
    %c0_i32_0 = arith.constant 0 : i32
    return %arg0, %c0_i32 : i32, i32
  }
  func.func @transform_1(%arg0: i32) -> (i32, i32) {
    %c0_i32 = arith.constant 0 : i32
    %c0_i32_0 = arith.constant 0 : i32
    %c0_i32_1 = arith.constant 0 : i32
    return %c0_i32, %c0_i32_0 : i32, i32
  }
  func.func @transform_2(%arg0: i32) -> (i32, i32) {
    %c0_i32 = arith.constant 0 : i32
    %c0_i32_0 = arith.constant 0 : i32
    return %c0_i32, %arg0 : i32, i32
  }
  func.func @transform_3(%arg0: i32) -> (i32, i32) {
    %c0_i32 = arith.constant 0 : i32
    %c0_i32_0 = arith.constant 0 : i32
    return %arg0, %c0_i32 : i32, i32
  }
}

module attributes {stable_mosaic.version = 14 : i64} {
  func.func @_tc_mid_body(%arg0: i32, %arg1: memref<2x512x128xf32, #tpu.memory_space<vmem>>, %arg2: memref<512x128xf32, #tpu.memory_space<vmem>>, %arg3: memref<2x512xf32, #tpu.memory_space<vmem>>, %arg4: memref<128xf32, #tpu.memory_space<vmem>>, %arg5: memref<128x128xf32, #tpu.memory_space<vmem>>, %arg6: memref<512x128xf32, #tpu.memory_space<vmem>>) attributes {dimension_semantics = [#tpu.dimension_semantics<arbitrary>], iteration_bounds = array<i64: 20>, scalar_prefetch = 0 : i64, scratch_operands = 0 : i64, tpu.core_type = #tpu.core_type<tc>, window_params = [{transform_indices = @transform_0, window_bounds = array<i64: 2, 512, 128>}, {transform_indices = @transform_1, window_bounds = array<i64: 512, 128>}, {transform_indices = @transform_2, window_bounds = array<i64: 2, 512>}, {pipeline_mode = #tpu.pipeline_mode<synchronous>, transform_indices = @transform_3, window_bounds = array<i64: 128>}, {pipeline_mode = #tpu.pipeline_mode<synchronous>, transform_indices = @transform_4, window_bounds = array<i64: 128, 128>}, {transform_indices = @transform_5, window_bounds = array<i64: 512, 128>}]} {
    %get3A = arith.constant 0 : index
    %get3A_0 = arith.constant 0 : index
    %get3A_1 = vector.load %arg3[%get3A, %get3A_0] : memref<2x512xf32, #tpu.memory_space<vmem>>, vector<1x512xf32>
    %get3A_2 = vector.shape_cast %get3A_1 : vector<1x512xf32> to vector<512xf32>
    %get3A_3 = arith.constant 1 : index
    %get3A_4 = arith.constant 0 : index
    %get3A_5 = vector.load %arg3[%get3A_3, %get3A_4] : memref<2x512xf32, #tpu.memory_space<vmem>>, vector<1x512xf32>
    %get3A_6 = vector.shape_cast %get3A_5 : vector<1x512xf32> to vector<512xf32>
    %add3A = arith.addf %get3A_2, %get3A_6 : vector<512xf32>
    %add3A_7 = arith.constant 1.000000e+00 : f32
    %add3A_8 = vector.broadcast %add3A_7 : f32 to vector<512xf32>
    %add3A_9 = arith.addf %add3A, %add3A_8 : vector<512xf32>
    %rsqrt3A = math.rsqrt %add3A_9 : vector<512xf32>
    %get3A_10 = arith.constant 0 : index
    %get3A_11 = arith.constant 0 : index
    %get3A_12 = arith.constant 0 : index
    %get3A_13 = vector.load %arg1[%get3A_10, %get3A_11, %get3A_12] : memref<2x512x128xf32, #tpu.memory_space<vmem>>, vector<1x512x128xf32>
    %get3A_14 = vector.shape_cast %get3A_13 : vector<1x512x128xf32> to vector<512x128xf32>
    %get3A_15 = arith.constant 1 : index
    %get3A_16 = arith.constant 0 : index
    %get3A_17 = arith.constant 0 : index
    %get3A_18 = vector.load %arg1[%get3A_15, %get3A_16, %get3A_17] : memref<2x512x128xf32, #tpu.memory_space<vmem>>, vector<1x512x128xf32>
    %get3A_19 = vector.shape_cast %get3A_18 : vector<1x512x128xf32> to vector<512x128xf32>
    %add3A_20 = arith.addf %get3A_14, %get3A_19 : vector<512x128xf32>
    %get3A_21 = arith.constant 0 : index
    %get3A_22 = arith.constant 0 : index
    %get3A_23 = vector.load %arg2[%get3A_21, %get3A_22] : memref<512x128xf32, #tpu.memory_space<vmem>>, vector<512x128xf32>
    %add3A_24 = arith.addf %add3A_20, %get3A_23 : vector<512x128xf32>
    %broadcast_in_dim3A = vector.shape_cast %rsqrt3A : vector<512xf32> to vector<512x1xf32>
    %mul3A = vector.broadcast %broadcast_in_dim3A : vector<512x1xf32> to vector<512x128xf32>
    %mul3A_25 = arith.mulf %add3A_24, %mul3A : vector<512x128xf32>
    %get3A_26 = arith.constant 0 : index
    %get3A_27 = vector.load %arg4[%get3A_26] : memref<128xf32, #tpu.memory_space<vmem>>, vector<128xf32>
    %broadcast_in_dim3A_28 = vector.shape_cast %get3A_27 : vector<128xf32> to vector<1x128xf32>
    %add3A_29 = vector.broadcast %broadcast_in_dim3A_28 : vector<1x128xf32> to vector<512x128xf32>
    %add3A_30 = arith.addf %mul3A_25, %add3A_29 : vector<512x128xf32>
    %max3A = arith.constant 0.000000e+00 : f32
    %max3A_31 = vector.broadcast %max3A : f32 to vector<512x128xf32>
    %max3A_32 = arith.maximumf %add3A_30, %max3A_31 : vector<512x128xf32>
    %get3A_33 = arith.constant 0 : index
    %get3A_34 = arith.constant 0 : index
    %get3A_35 = vector.load %arg5[%get3A_33, %get3A_34] : memref<128x128xf32, #tpu.memory_space<vmem>>, vector<128x128xf32>
    %dot_general3A = arith.constant dense<0.000000e+00> : vector<512x128xf32>
    %dot_general3A_36 = tpu.matmul %max3A_32, %get3A_35, %dot_general3A {dimension_numbers = #tpu.dot_dimension_numbers<[1], [0], [0], [1], [0, 0, 1, 1], [], []>, transpose_lhs_hint = false} : vector<512x128xf32>, vector<128x128xf32>, vector<512x128xf32> -> vector<512x128xf32>
    %broadcast_in_dim3A_37 = vector.shape_cast %rsqrt3A : vector<512xf32> to vector<512x1xf32>
    %mul3A_38 = vector.broadcast %broadcast_in_dim3A_37 : vector<512x1xf32> to vector<512x128xf32>
    %mul3A_39 = arith.mulf %dot_general3A_36, %mul3A_38 : vector<512x128xf32>
    %swap3A = arith.constant 0 : index
    %swap3A_40 = arith.constant 0 : index
    %swap3A_41 = vector.load %arg6[%swap3A, %swap3A_40] : memref<512x128xf32, #tpu.memory_space<vmem>>, vector<512x128xf32>
    tpu.vector_store %arg6[%swap3A, %swap3A_40], %mul3A_39 {strides = array<i32>} : memref<512x128xf32, #tpu.memory_space<vmem>>, vector<512x128xf32>,
    return
  }
  func.func @transform_0(%arg0: i32) -> (i32, i32, i32) {
    %c0_i32 = arith.constant 0 : i32
    %c0_i32_0 = arith.constant 0 : i32
    %c0_i32_1 = arith.constant 0 : i32
    return %c0_i32, %arg0, %c0_i32_0 : i32, i32, i32
  }
  func.func @transform_1(%arg0: i32) -> (i32, i32) {
    %c0_i32 = arith.constant 0 : i32
    %c0_i32_0 = arith.constant 0 : i32
    return %arg0, %c0_i32 : i32, i32
  }
  func.func @transform_2(%arg0: i32) -> (i32, i32) {
    %c0_i32 = arith.constant 0 : i32
    %c0_i32_0 = arith.constant 0 : i32
    return %c0_i32, %arg0 : i32, i32
  }
  func.func @transform_3(%arg0: i32) -> i32 {
    %c0_i32 = arith.constant 0 : i32
    %c0_i32_0 = arith.constant 0 : i32
    return %c0_i32 : i32
  }
  func.func @transform_4(%arg0: i32) -> (i32, i32) {
    %c0_i32 = arith.constant 0 : i32
    %c0_i32_0 = arith.constant 0 : i32
    %c0_i32_1 = arith.constant 0 : i32
    return %c0_i32, %c0_i32_0 : i32, i32
  }
  func.func @transform_5(%arg0: i32) -> (i32, i32) {
    %c0_i32 = arith.constant 0 : i32
    %c0_i32_0 = arith.constant 0 : i32
    return %arg0, %c0_i32 : i32, i32
  }
}

module attributes {stable_mosaic.version = 14 : i64} {
  func.func @_tc_post_body(%arg0: i32, %arg1: memref<2x512x128xf32, #tpu.memory_space<vmem>>, %arg2: memref<512x128xf32, #tpu.memory_space<vmem>>, %arg3: memref<2x512xf32, #tpu.memory_space<vmem>>, %arg4: memref<128xf32, #tpu.memory_space<vmem>>, %arg5: memref<512x128xf32, #tpu.memory_space<vmem>>) attributes {dimension_semantics = [#tpu.dimension_semantics<arbitrary>], iteration_bounds = array<i64: 20>, scalar_prefetch = 0 : i64, scratch_operands = 0 : i64, tpu.core_type = #tpu.core_type<tc>, window_params = [{transform_indices = @transform_0, window_bounds = array<i64: 2, 512, 128>}, {transform_indices = @transform_1, window_bounds = array<i64: 512, 128>}, {transform_indices = @transform_2, window_bounds = array<i64: 2, 512>}, {pipeline_mode = #tpu.pipeline_mode<synchronous>, transform_indices = @transform_3, window_bounds = array<i64: 128>}, {transform_indices = @transform_4, window_bounds = array<i64: 512, 128>}]} {
    %get3A = arith.constant 0 : index
    %get3A_0 = arith.constant 0 : index
    %get3A_1 = vector.load %arg3[%get3A, %get3A_0] : memref<2x512xf32, #tpu.memory_space<vmem>>, vector<1x512xf32>
    %get3A_2 = vector.shape_cast %get3A_1 : vector<1x512xf32> to vector<512xf32>
    %get3A_3 = arith.constant 1 : index
    %get3A_4 = arith.constant 0 : index
    %get3A_5 = vector.load %arg3[%get3A_3, %get3A_4] : memref<2x512xf32, #tpu.memory_space<vmem>>, vector<1x512xf32>
    %get3A_6 = vector.shape_cast %get3A_5 : vector<1x512xf32> to vector<512xf32>
    %add3A = arith.addf %get3A_2, %get3A_6 : vector<512xf32>
    %add3A_7 = arith.constant 1.000000e+00 : f32
    %add3A_8 = vector.broadcast %add3A_7 : f32 to vector<512xf32>
    %add3A_9 = arith.addf %add3A, %add3A_8 : vector<512xf32>
    %rsqrt3A = math.rsqrt %add3A_9 : vector<512xf32>
    %get3A_10 = arith.constant 0 : index
    %get3A_11 = arith.constant 0 : index
    %get3A_12 = arith.constant 0 : index
    %get3A_13 = vector.load %arg1[%get3A_10, %get3A_11, %get3A_12] : memref<2x512x128xf32, #tpu.memory_space<vmem>>, vector<1x512x128xf32>
    %get3A_14 = vector.shape_cast %get3A_13 : vector<1x512x128xf32> to vector<512x128xf32>
    %get3A_15 = arith.constant 1 : index
    %get3A_16 = arith.constant 0 : index
    %get3A_17 = arith.constant 0 : index
    %get3A_18 = vector.load %arg1[%get3A_15, %get3A_16, %get3A_17] : memref<2x512x128xf32, #tpu.memory_space<vmem>>, vector<1x512x128xf32>
    %get3A_19 = vector.shape_cast %get3A_18 : vector<1x512x128xf32> to vector<512x128xf32>
    %add3A_20 = arith.addf %get3A_14, %get3A_19 : vector<512x128xf32>
    %get3A_21 = arith.constant 0 : index
    %get3A_22 = arith.constant 0 : index
    %get3A_23 = vector.load %arg2[%get3A_21, %get3A_22] : memref<512x128xf32, #tpu.memory_space<vmem>>, vector<512x128xf32>
    %add3A_24 = arith.addf %add3A_20, %get3A_23 : vector<512x128xf32>
    %broadcast_in_dim3A = vector.shape_cast %rsqrt3A : vector<512xf32> to vector<512x1xf32>
    %mul3A = vector.broadcast %broadcast_in_dim3A : vector<512x1xf32> to vector<512x128xf32>
    %mul3A_25 = arith.mulf %add3A_24, %mul3A : vector<512x128xf32>
    %get3A_26 = arith.constant 0 : index
    %get3A_27 = vector.load %arg4[%get3A_26] : memref<128xf32, #tpu.memory_space<vmem>>, vector<128xf32>
    %broadcast_in_dim3A_28 = vector.shape_cast %get3A_27 : vector<128xf32> to vector<1x128xf32>
    %add3A_29 = vector.broadcast %broadcast_in_dim3A_28 : vector<1x128xf32> to vector<512x128xf32>
    %add3A_30 = arith.addf %mul3A_25, %add3A_29 : vector<512x128xf32>
    %max3A = arith.constant 0.000000e+00 : f32
    %max3A_31 = vector.broadcast %max3A : f32 to vector<512x128xf32>
    %max3A_32 = arith.maximumf %add3A_30, %max3A_31 : vector<512x128xf32>
    %reduce_max3A = arith.constant dense<0xFF800000> : vector<512xf32>
    %reduce_max3A_33 = vector.multi_reduction <maximumf>, %max3A_32, %reduce_max3A [1] : vector<512x128xf32> to vector<512xf32>
    %broadcast_in_dim3A_34 = vector.shape_cast %reduce_max3A_33 : vector<512xf32> to vector<512x1xf32>
    %sub3A = vector.broadcast %broadcast_in_dim3A_34 : vector<512x1xf32> to vector<512x128xf32>
    %sub3A_35 = arith.subf %max3A_32, %sub3A : vector<512x128xf32>
    %exp3A = math.exp %sub3A_35 : vector<512x128xf32>
    %sub3A_36 = vector.broadcast %broadcast_in_dim3A_34 : vector<512x1xf32> to vector<512x128xf32>
    %sub3A_37 = arith.subf %max3A_32, %sub3A_36 : vector<512x128xf32>
    %reduce_sum3A = arith.constant dense<0.000000e+00> : vector<512xf32>
    %reduce_sum3A_38 = vector.multi_reduction <add>, %exp3A, %reduce_sum3A [1] : vector<512x128xf32> to vector<512xf32>
    %broadcast_in_dim3A_39 = vector.shape_cast %reduce_sum3A_38 : vector<512xf32> to vector<512x1xf32>
    %log3A = math.log %broadcast_in_dim3A_39 : vector<512x1xf32>
    %sub3A_40 = vector.broadcast %log3A : vector<512x1xf32> to vector<512x128xf32>
    %sub3A_41 = arith.subf %sub3A_37, %sub3A_40 : vector<512x128xf32>
    %swap3A = arith.constant 0 : index
    %swap3A_42 = arith.constant 0 : index
    %swap3A_43 = vector.load %arg5[%swap3A, %swap3A_42] : memref<512x128xf32, #tpu.memory_space<vmem>>, vector<512x128xf32>
    tpu.vector_store %arg5[%swap3A, %swap3A_42], %sub3A_41 {strides = array<i32>} : memref<512x128xf32, #tpu.memory_space<vmem>>, vector<512x128xf32>,
    return
  }
  func.func @transform_0(%arg0: i32) -> (i32, i32, i32) {
    %c0_i32 = arith.constant 0 : i32
    %c0_i32_0 = arith.constant 0 : i32
    %c0_i32_1 = arith.constant 0 : i32
    return %c0_i32, %arg0, %c0_i32_0 : i32, i32, i32
  }
  func.func @transform_1(%arg0: i32) -> (i32, i32) {
    %c0_i32 = arith.constant 0 : i32
    %c0_i32_0 = arith.constant 0 : i32
    return %arg0, %c0_i32 : i32, i32
  }
  func.func @transform_2(%arg0: i32) -> (i32, i32) {
    %c0_i32 = arith.constant 0 : i32
    %c0_i32_0 = arith.constant 0 : i32
    return %c0_i32, %arg0 : i32, i32
  }
  func.func @transform_3(%arg0: i32) -> i32 {
    %c0_i32 = arith.constant 0 : i32
    %c0_i32_0 = arith.constant 0 : i32
    return %c0_i32 : i32
  }
  func.func @transform_4(%arg0: i32) -> (i32, i32) {
    %c0_i32 = arith.constant 0 : i32
    %c0_i32_0 = arith.constant 0 : i32
    return %arg0, %c0_i32 : i32, i32
  }
}

</mosaic_0001>

<sc_bundles>
// kernel: _gcn.10.cloned.1.call-start
scs
__scs_entry_jumppad:
0x0: {  	(pc) =	sbr.rel $0x88, $3  }
0x1: {  	(tag) =	ssettag $0x0;
	lr =	simm.s32 $0x1  }
0x2: {  	[smem:$0x3F99] =	sst lr;
	_ =	strace $0xD0000000  }
0x3: {  	_ = 	snop  }
0x4: {  	_ = 	snop  }
0x5: {  	_ = 	snop  }
0x6: {  	_ = 	snop  }
0x7: {  	_ = 	snop  }
__scs_overlays_trampoline_lowered:
0x8: {  	[smem:$0x3FA8] =	sst s0  }
0x9: {  	[smem:$0x3FA9] =	sst s1  }
0xa: {  	[smem:$0x3FAA] =	sst s2  }
0xb: {  	[smem:$0x3FAB] =	sst s3  }
0xc: {  	[smem:$0x3FAC] =	sst s4  }
0xd: {  	[smem:$0x3FAD] =	sst s5  }
0xe: {  	[smem:$0x3FAE] =	sst s6  }
0xf: {  	[smem:$0x3FAF] =	sst s7  }
0x10: {  	[smem:$0x3FB0] =	sst s8  }
0x11: {  	[smem:$0x3FB1] =	sst s9;
	s0 =	simm.s32 @!p0 $0x0  }
0x12: {  	s1 =	sld [smem:$0x3F97];
	s0 =	simm.s32 @p0 $0x1  }
0x13: {  	[smem:$0x3FB2] =	sst s0;
	s0 =	simm.s32 @!p1 $0x0  }
0x14: {  	s2 =	sld [smem:$0x3F96];
	s0 =	simm.s32 @p1 $0x1  }
0x15: {  	[smem:$0x3FB3] =	sst s0;
	s0 =	simm.s32 @!p2 $0x0  }
0x16: {  	s3 =	sld [smem:$0x3FDB];
	s0 =	simm.s32 @p2 $0x1  }
0x17: {  	s4 =	simm.s32 $0x1BF5;
	[smem:$0x3FB5] =	sst s0  }
0x18: {  	s0 =	sld [smem:$0x3F98];
	_ =	swait.ge [sflag:s4], $0x0  }
0x19: {  	s7 =	sld [smem:$0x3F99]  }
0x1a: {  	s8 =	sadd.s32 $0xFFFFE003, lr  }
0x1b: {  	s9 =	sadd.s32 $0xFFFFFEF7, lr;
	s5 =	simm.s32 $0xFFFFFFFF;
	p2 =	slt.u32 s8, $0xFFFFF086  }
0x1c: {  	p1 =	slt.u32 s9, $0xF7A;
	s5 =	simm.s32 @!p2 $0x0  }
0x1d: {  	s5 =	simm.s32 @p1 $0x1;
	p0 =	seq.s32 s7, s2  }
0x1e: {  	s7 =	smul.u32 @!p0 $0xF7A, s2;
	p2 =	seq.s32 @!p0 s5, $0x0  }
0x1f: {  	s9 =	smul.u32 $0xF7A, s1;
	s8 =	simm.s32 @!p0 $0x1BF5;
	p2 =	por !p2, p0  }
0x20: {  	[sflag:s8] =	ssyncset.s32 @!p0 $0xFFFFF086;
	s6 =	sadd.s32 @!p0 s3, s7;
	s7 =	simm.s32 @!p0 $0x108  }
0x21: {  	s3 =	sadd.s32 s3, s9;
	s6 =	sadd.s32 @!p0 $0x88, s6;
	s7 =	simm.s32 @p2 $0x1082  }
0x22: {  	[simem:s7], [sflag:s8] =	dma.local @!p0 [hbm:s6], $0xF7A  }
0x23: {  	s9 =	sor.u32 $0xD0000000, s2;
	s6 =	simm.s32 $0x108;
	_ =	swait.ge @!p0 [sflag:s8], $0x0  }
0x24: {  	s3 =	sadd.s32 $0x88, s3;
	s6 =	simm.s32 @!p1 $0x1082;
	[sflag:s4] =	ssyncset.s32 $0xFFFFF086  }
0x25: {  	[simem:s6], [sflag:s4] =	dma.local [hbm:s3], $0xF7A  }
0x26: {  	[smem:$0x3F99] =	sst s1;
	(tag) =	ssettag s2;
	_ =	strace s9  }
0x27: {  	s1 =	sld [smem:$0x3FA9]  }
0x28: {  	s2 =	sld [smem:$0x3FAA]  }
0x29: {  	s4 =	sld [smem:$0x3FAC]  }
0x2a: {  	p0 =	seq.s32 s5, $0x0;
	s5 =	sld [smem:$0x3FAD]  }
0x2b: {  	s6 =	sld [smem:$0x3FAE]  }
0x2c: {  	s7 =	sld [smem:$0x3FAF]  }
0x2d: {  	s3 =	simm.s32 $0x108;
	s8 =	sld [smem:$0x3FB0]  }
0x2e: {  	s3 =	simm.s32 @!p0 $0x1082;
	s9 =	sld [smem:$0x3FB1]  }
0x2f: {  	lr =	sadd.s32 s0, s3;
	s0 =	sld [smem:$0x3FA8]  }
0x30: {  	s3 =	sld [smem:$0x3FAB]  }
0x31: {  	[smem:$0x3FB4] =	sst s10  }
0x32: {  	s10 =	sld [smem:$0x3FB2];
	_ =	sdelay $0x3  }
0x33: {  	p0 =	seq.s32 s10, $0x1;
	s10 =	sld [smem:$0x3FB4];
	_ =	sdelay $0x3  }
0x34: {  	[smem:$0x3FB4] =	sst s10  }
0x35: {  	s10 =	sld [smem:$0x3FB3];
	_ =	sdelay $0x3  }
0x36: {  	p1 =	seq.s32 s10, $0x1;
	s10 =	sld [smem:$0x3FB4];
	_ =	sdelay $0x3  }
0x37: {  	[smem:$0x3FB4] =	sst s10  }
0x38: {  	s10 =	sld [smem:$0x3FB5]  }
0x39: {  	_ = 	snop;
	(pc) =	sbr.ind lr, $3  }
0x3a: {  	_ = 	snop  }
0x3b: {  	_ = 	snop  }
0x3c: {  	p2 =	seq.s32 s10, $0x1;
	s10 =	sld [smem:$0x3FB4]  }
0x3d: {  	_ =	shalt  }
0x3e: {  	_ =	shalt  }
0x3f: {  	_ =	shalt  }
0x40: {  	_ =	shalt  }
0x41: {  	_ =	shalt  }
0x42: {  	_ =	shalt  }
0x43: {  	_ =	shalt  }
0x44: {  	_ =	shalt  }
0x45: {  	_ =	shalt  }
0x46: {  	_ =	shalt  }
0x47: {  	_ =	shalt  }
0x48: {  	_ =	shalt  }
0x49: {  	_ =	shalt  }
0x4a: {  	_ =	shalt  }
0x4b: {  	_ =	shalt  }
0x4c: {  	_ =	shalt  }
0x4d: {  	_ =	shalt  }
0x4e: {  	_ =	shalt  }
0x4f: {  	_ =	shalt  }
0x50: {  	_ =	shalt  }
0x51: {  	_ =	shalt  }
0x52: {  	_ =	shalt  }
0x53: {  	_ =	shalt  }
0x54: {  	_ =	shalt  }
0x55: {  	_ =	shalt  }
0x56: {  	_ =	shalt  }
0x57: {  	_ =	shalt  }
0x58: {  	_ =	shalt  }
0x59: {  	_ =	shalt  }
0x5a: {  	_ =	shalt  }
0x5b: {  	_ =	shalt  }
0x5c: {  	_ =	shalt  }
0x5d: {  	_ =	shalt  }
0x5e: {  	_ =	shalt  }
0x5f: {  	_ =	shalt  }
0x60: {  	_ =	shalt  }
0x61: {  	_ =	shalt  }
0x62: {  	_ =	shalt  }
0x63: {  	_ =	shalt  }
0x64: {  	_ =	shalt  }
0x65: {  	_ =	shalt  }
0x66: {  	_ =	shalt  }
0x67: {  	_ =	shalt  }
0x68: {  	_ =	shalt  }
0x69: {  	_ =	shalt  }
0x6a: {  	_ =	shalt  }
0x6b: {  	_ =	shalt  }
0x6c: {  	_ =	shalt  }
0x6d: {  	_ =	shalt  }
0x6e: {  	_ =	shalt  }
0x6f: {  	_ =	shalt  }
0x70: {  	_ =	shalt  }
0x71: {  	_ =	shalt  }
0x72: {  	_ =	shalt  }
0x73: {  	_ =	shalt  }
0x74: {  	_ =	shalt  }
0x75: {  	_ =	shalt  }
0x76: {  	_ =	shalt  }
0x77: {  	_ =	shalt  }
0x78: {  	_ =	shalt  }
0x79: {  	_ =	shalt  }
0x7a: {  	_ =	shalt  }
0x7b: {  	_ =	shalt  }
0x7c: {  	_ =	shalt  }
0x7d: {  	_ =	shalt  }
0x7e: {  	_ =	shalt  }
0x7f: {  	_ =	shalt  }
0x80: {  	_ =	shalt  }
0x81: {  	_ =	shalt  }
0x82: {  	_ =	shalt  }
0x83: {  	_ =	shalt  }
0x84: {  	_ =	shalt  }
0x85: {  	_ =	shalt  }
0x86: {  	_ =	shalt  }
0x87: {  	_ =	shalt  }
.Lfunc_end0:
.L_simem_size_0:
called_computation_lowered:
.L_overlay_start_0:
0x88: {  	s2 =	sld [smem:$0x3FD9]  }
0x89: {  	s3 =	sld [smem:$0x3FFE];
	_ =	sdelay $0x1  }
0x8a: {  	s1 =	srdreg.scid  }
0x8b: {  	s0 =	sand.u32 $0x1, s1  }
0x8c: {  	s16 =	sshll.u32 s0, $0xA;
	s2 =	sadd.s32 s3, s2  }
0x8d: {  	s2 =	sadd.s32 s2, s16  }
0x8e: {  	[smem:$0x3FC0] =	sst s2  }
0x8f: {  	_ = 	snop  }
0x90: {  	(tm) =	ssettm $0x1  }
0x91: {  	s17 =	sld [smem:$0x3FFB];
	_ =	sdelay $0x3  }
0x92: {  	_ =	strace s17  }
0x93: {  	s2 =	sld [smem:$0x3FFC];
	_ =	sdelay $0x3  }
0x94: {  	_ =	strace s2  }
0x95: {  	s2 =	sld [smem:$0x3FFD];
	_ =	sdelay $0x3  }
0x96: {  	_ =	strace s2  }
0x97: {  	_ =	strace $0x8FFFFFFF  }
0x98: {  	s18 =	sld [smem:$0x3FDB];
	_ =	sdelay $0x1  }
0x99: {  	s19 =	simm.s32 $_scs_section_size  }
0x9a: {  	s4 =	simm.s32 $_size__tile_overlayer_lowered;
	s5 =	simm.s32 $_tile_overlayer_lowered  }
0x9b: {  	s22 =	simm.s32 $0x1BFF;
	s21 =	sshll.u32 s5, $0x1;
	s2 =	sadd.s32 s19, s18  }
0x9c: {  	s6 =	simm.s32 $0x0;
	s20 =	sshll.u32 s4, $0x1;
	s4 =	sadd.s32 s21, s2  }
0x9d: {  	[timem:s6], [sflag:s22] =	dma.local [hbm:s4], s20  }
0x9e: {  	_ =	swait.ge [sflag:s22], s20  }
0x9f: {  	s3 =	ssub.s32 $0x0, s20;
	[sflag:s22] =	ssyncset.done $0x0  }
0xa0: {  	[sflag:s22] =	ssyncadd.s32 s3;
	_ =	sdelay $0x1  }
0xa1: {  	s23 =	simm.s32 $0x1B8B  }
0xa2: {  	_ =	swait.ge [sflag:s23], $0x1  }
0xa3: {  	[sflag:s23] =	ssyncset.done $0x0  }
0xa4: {  	s25 =	simm.s32 $0x1B8E;
	s24 =	sld [smem:$0x3FFE];
	[sflag:s23] =	ssyncadd.s32 $0xFFFFFFFF  }
0xa5: {  	s26 =	simm.s32 $execute0_lowered;
	[smem:$0x3FD2] =	sst s25  }
0xa6: {  	s4 =	sshll.u32 s26, $0x1;
	_ =	strace $0x80000046;
	[dreg:$0x1] =	wrdreg $0xFFFFFFFF  }
0xa7: {  	s28 =	simm.s32 $_size_execute0_lowered;
	s2 =	sadd.s32 s2, s4;
	[dreg:$0x0] =	wrdreg $0x0  }
0xa8: {  	s4 =	sshll.u32 s28, $0x1;
	[dreg:$0x2] =	wrdreg s2  }
0xa9: {  	[dreg:$0x3] =	wrdreg s4  }
0xaa: {  	[dreg:$0x4] =	wrdreg $0xC0  }
0xab: {  	_ =	task [dreg:s6], $0x5FFFF  }
0xac: {  	[dreg:$0x1] =	wrdreg $0xFFFFFFFF  }
0xad: {  	[dreg:$0x0] =	wrdreg $0x60  }
0xae: {  	[dreg:$0x2] =	wrdreg s24  }
0xaf: {  	[dreg:$0x3] =	wrdreg $0x2B000  }
0xb0: {  	[dreg:$0x4] =	wrdreg $0x9  }
0xb1: {  	_ =	task.clear_ibuf [dreg:s6], $0x5FFFF;
	_ =	strace $0x90000046  }
0xb2: {  	s29 =	simm.s32 $0x9;
	_ =	strace $0x80000048  }
0xb3: {  	_ =	swait.ge [sflag:s29], $0x1  }
0xb4: {  	[sflag:s29] =	ssyncadd.s32 $0xFFFFFFFF  }
0xb5: {  	_ =	strace $0x90000048  }
0xb6: {  	_ =	sfence  }
0xb7: {  	s30 =	sld [smem:$0x0];
	_ =	sdelay $0x2  }
0xb8: {  	s31 =	sshll.u32 s1, $0xD;
	s1 =	sshrl.u32 s1, $0x2  }
0xb9: {  	s3 =	sand.u32 $0x4000, s31;
	s1 =	sadd.s32 s1, s30  }
0xba: {  	s0 =	sor.u32 s3, s0;
	s1 =	sshll.u32 s1, $0x11  }
0xbb: {  	s0 =	sor.u32 s1, s0  }
0xbc: {  	s0 =	sadd.s32 $0x8F2B, s0  }
0xbd: {  	[sflag:s0] =	ssyncadd.remote.s32 $0x1  }
0xbe: {  	_ =	sfence.sel $0xFFFF  }
0xbf: {  	[dreg:$0x0] =	wrdreg $0xFFFFFFFF;
	(pc) =	sbr.abs _section_cstart, $3  }
0xc0: {  	[dreg:$0x1] =	wrdreg $0xFFFFFFFF  }
0xc1: {  	_ =	task.clear_ibuf [dreg:s6], $0x2FFFF;
	_ =	strace $0x9FFFFFFF  }
0xc2: {  	(tm) =	ssettm $0x7FFFFFFF  }
0xc3: {  	_ =	shalt  }
tec
execute0_lowered:
.L_overlay_start_1:
0x0: {  	(tag) =	ssettag $0x1  }
0x1: {  	s4 =	rddreg [dreg:$0x0]  }
0x2: {  	s2 =	rddreg [dreg:$0x1];
	s3 =	srdreg.scid  }
0x3: {  	s0 =	rddreg [dreg:$0x2];
	s1 =	stileid.u32;
	s10 =	simm.s32 $0x1  }
0x4: {  	s11 =	simm.s32 $0x80;
	s12 =	simm.s32 $0x2800;
	s13 =	simm.s32 $0x2  }
0x5: {  	s16 =	simm.s32 $0x20;
	s17 =	simm.s32 $0x10;
	s18 =	simm.s32 $0x0  }
0x6: {  	s5 =	sand.u32 $0x1, s3;
	s3 =	simm.s32 $0x0;
	s7 =	smul.u32 $0x500, s1  }
0x7: {  	s29 =	smul.u32 $0xA00, s1;
	s14 =	sshll.u32 s1, $0x6;
	s6 =	sshll.u32 s5, $0x4  }
0x8: {  	[smem:$0x7FF] =	sst s3;
	s8 =	sshll.u32 s5, $0x7;
	s5 =	ssub.s32 $0x2, s5  }
0x9: {  	s14 =	sor.u32 $0x1C03, s14;
	s6 =	sor.u32 s1, s6;
	_ =	strace $0x80000047  }
0xa: {  	s7 =	sor.u32 s8, s7;
	s30 =	sshrl.u32 s5, $0x1;
	s6 =	smul.u32 $0x500, s6  }
0xb: {  	s31 =	sshrl.u32 s29, $0x2;
	s8 =	simm.s32 $0x2880;
	s7 =	sshrl.u32 s7, $0x3  }
0xc: {  	s9 =	ssub.s32 s5, s30;
	s5 =	sadd.s32 s31, s2;
	s6 =	sadd.s32 s6, s4  }
0xd: {  	s7 =	sadd.s32 s7, s4;
	s15 =	sshrl.u32 s5, $0x3;
	s4 =	sadd.s32 $0x3200, s6  }
0xe: {  	v0 =	vimm.f32 $1.000000000e+00;
	v1 =	vimm.f32 $0.0e+00;
	s6 =	sadd.s32 $0xD200, s7;
	s7 =	smax.u32 s9, $0x1;
	s9 =	simm.s32 $0x3  }
.LBB2_1:
0xf: {  	[tilespmem:s3], [sflag:$0x1] =	stream.linear.gather [hbm4b:s4+s3], $0x2780, $0x38;
	[tilespmem:$0x2D80] =	vst v63  }
0x10: {  	[tilespmem:$0x2800] =	vst v0  }
0x11: {  	[tilespmem:$0x2810] =	vst v0  }
0x12: {  	[tilespmem:$0x2820] =	vst v0  }
0x13: {  	[tilespmem:$0x2830] =	vst v0  }
0x14: {  	[tilespmem:$0x2840] =	vst v0  }
0x15: {  	[tilespmem:$0x2850] =	vst v0  }
0x16: {  	[tilespmem:$0x2860] =	vst v0  }
0x17: {  	[tilespmem:$0x2870] =	vst v0  }
0x18: {  	[tilespmem:$0x2880] =	vst v1  }
0x19: {  	[tilespmem:$0x2890] =	vst v1  }
0x1a: {  	[tilespmem:$0x28A0] =	vst v1  }
0x1b: {  	[tilespmem:$0x28B0] =	vst v1  }
0x1c: {  	[tilespmem:$0x28C0] =	vst v1  }
0x1d: {  	[tilespmem:$0x28D0] =	vst v1  }
0x1e: {  	[tilespmem:$0x28E0] =	vst v1  }
0x1f: {  	[tilespmem:$0x28F0] =	vst v1  }
0x20: {  	[tilespmem:$0x2900] =	vst v1  }
0x21: {  	[tilespmem:$0x2910] =	vst v1  }
0x22: {  	[tilespmem:$0x2920] =	vst v1  }
0x23: {  	[tilespmem:$0x2930] =	vst v1  }
0x24: {  	[tilespmem:$0x2940] =	vst v1  }
0x25: {  	[tilespmem:$0x2950] =	vst v1  }
0x26: {  	[tilespmem:$0x2960] =	vst v1  }
0x27: {  	[tilespmem:$0x2970] =	vst v1  }
0x28: {  	[tilespmem:$0x2980] =	vst v1  }
0x29: {  	[tilespmem:$0x2990] =	vst v1  }
0x2a: {  	[tilespmem:$0x29A0] =	vst v1  }
0x2b: {  	[tilespmem:$0x29B0] =	vst v1  }
0x2c: {  	[tilespmem:$0x29C0] =	vst v1  }
0x2d: {  	[tilespmem:$0x29D0] =	vst v1  }
0x2e: {  	[tilespmem:$0x29E0] =	vst v1  }
0x2f: {  	[tilespmem:$0x29F0] =	vst v1  }
0x30: {  	[tilespmem:$0x2A00] =	vst v1  }
0x31: {  	[tilespmem:$0x2A10] =	vst v1  }
0x32: {  	[tilespmem:$0x2A20] =	vst v1  }
0x33: {  	[tilespmem:$0x2A30] =	vst v1  }
0x34: {  	[tilespmem:$0x2A40] =	vst v1  }
0x35: {  	[tilespmem:$0x2A50] =	vst v1  }
0x36: {  	[tilespmem:$0x2A60] =	vst v1  }
0x37: {  	[tilespmem:$0x2A70] =	vst v1  }
0x38: {  	[tilespmem:$0x2A80] =	vst v1  }
0x39: {  	[tilespmem:$0x2A90] =	vst v1  }
0x3a: {  	[tilespmem:$0x2AA0] =	vst v1  }
0x3b: {  	[tilespmem:$0x2AB0] =	vst v1  }
0x3c: {  	[tilespmem:$0x2AC0] =	vst v1  }
0x3d: {  	[tilespmem:$0x2AD0] =	vst v1  }
0x3e: {  	[tilespmem:$0x2AE0] =	vst v1  }
0x3f: {  	[tilespmem:$0x2AF0] =	vst v1  }
0x40: {  	[spmem:s5] =	stream.linear.scatter [tilespmem:s8], [sflag:$0x3], $0x280, $0x38;
	[tilespmem:$0x2D80] =	vst v63  }
0x41: {  	_ =	swait.ge [sflag:s9], $0x280  }
0x42: {  	[sflag:s9] =	ssyncset.done $0x0  }
0x43: {  	[sflag:s9] =	ssyncadd.s32 $0xFFFFFD80  }
0x44: {  	_ =	swait.ge [sflag:s10], $0x2780  }
0x45: {  	[sflag:s10] =	ssyncset.done $0x0  }
0x46: {  	[sflag:s10] =	ssyncadd.s32 $0xFFFFD880  }
0x47: {  	[bflag:$0x0] =	sbarrier.arrive $0xFFFF  }
0x48: {  	[spmem:s2] =	stream.indirect.scatter.add.f32 [tilespmem:s12], [sflag:$0x1], $0x1, s3, s11, $0xb8;
	[tilespmem:$0x2D80] =	vst v63  }
0x49: {  	s19 =	simm.s32 $0x80  }
0x4a: {  	[spmem:s2] =	stream.indirect.scatter.add.f32 [tilespmem:s12], [sflag:$0x2], $0x1, s19, s11, $0xb8;
	[tilespmem:$0x2D80] =	vst v63  }
0x4b: {  	_ =	swait.ge [sflag:s10], $0x80  }
0x4c: {  	[sflag:s10] =	ssyncset.done $0x0  }
0x4d: {  	s31 =	simm.s32 $0x100;
	[sflag:s10] =	ssyncadd.s32 $0xFFFFFF80  }
0x4e: {  	[spmem:s2] =	stream.indirect.scatter.add.f32 [tilespmem:s12], [sflag:$0x1], $0x1, s31, s11, $0xb8;
	[tilespmem:$0x2D80] =	vst v63  }
0x4f: {  	_ =	swait.ge [sflag:s13], $0x80  }
0x50: {  	s20 =	simm.s32 $0xFFFF6C00;
	s19 =	simm.s32 $0xFFFFDA00;
	[sflag:s13] =	ssyncset.done $0x0  }
.LBB2_2:
0x51: {  	s21 =	sadd.s32 $0x2780, s19  }
0x52: {  	[sflag:s13] =	ssyncadd.s32 $0xFFFFFF80;
	s22 =	smov.u32 s20;
	s23 =	sadd.s32 $0x400, s20  }
0x53: {  	[spmem:s2] =	stream.indirect.scatter.add.f32 [tilespmem:s12], [sflag:$0x2], $0x1, s21, s11, $0xb8;
	[tilespmem:$0x2D80] =	vst v63  }
0x54: {  	p0 =	sne.s32 s20, $0xFFFFFC00;
	_ =	swait.ge [sflag:s10], $0x80  }
.Ltmp0:
0x55: {  	[sflag:s10] =	ssyncset.done $0x0;
	(pc) =	sbr.rel @p0 .LBB2_2-.Ltmp0, $4  }
0x56: {  	s19 =	sadd.s32 $0x2800, s19;
	[sflag:s10] =	ssyncadd.s32 $0xFFFFFF80  }
0x57: {  	[spmem:s2] =	stream.indirect.scatter.add.f32 [tilespmem:s12], [sflag:$0x1], $0x1, s19, s11, $0xb8;
	[tilespmem:$0x2D80] =	vst v63  }
0x58: {  	_ =	swait.ge [sflag:s13], $0x80  }
0x59: {  	s20 =	smov.u32 s23;
	s19 =	sshra.s32 s22, $0x2;
	[sflag:s13] =	ssyncset.done $0x0  }
0x5a: {  	s20 =	sadd.s32 $0x2780, s19;
	[sflag:s13] =	ssyncadd.s32 $0xFFFFFF80  }
0x5b: {  	[spmem:s2] =	stream.indirect.scatter.add.f32 [tilespmem:s12], [sflag:$0x2], $0x1, s20, s11, $0xb8;
	[tilespmem:$0x2D80] =	vst v63  }
0x5c: {  	_ =	swait.ge [sflag:s10], $0x80  }
0x5d: {  	[sflag:s10] =	ssyncset.done $0x0  }
0x5e: {  	s31 =	sadd.s32 $0x2800, s19;
	[sflag:s10] =	ssyncadd.s32 $0xFFFFFF80  }
0x5f: {  	[spmem:s2] =	stream.indirect.scatter.add.f32 [tilespmem:s12], [sflag:$0x1], $0x1, s31, s11, $0xb8;
	[tilespmem:$0x2D80] =	vst v63  }
0x60: {  	_ =	swait.ge [sflag:s13], $0x80  }
0x61: {  	[sflag:s13] =	ssyncset.done $0x0  }
0x62: {  	[sflag:s13] =	ssyncadd.s32 $0xFFFFFF80  }
0x63: {  	_ =	swait.ge [sflag:s10], $0x80  }
0x64: {  	s18 =	sadd.s32 $0x1, s18;
	[sflag:s10] =	ssyncset.done $0x0  }
0x65: {  	p0 =	sne.s32 s18, s7;
	[sflag:s10] =	ssyncadd.s32 $0xFFFFFF80  }
.Ltmp1:
0x66: {  	[bflag:$0x0] =	sbarrier.arrive $0xFFFF;
	(pc) =	sbr.rel @p0 .LBB2_1-.Ltmp1, $4  }
0x67: {  	[hbm:s6@s16], [sflag:s14] =	dma.strided [spmem:s15@s17], $0x50, s10, $0x10   }
0x68: {  	_ =	swait.ge [sflag:s9], $0x50  }
0x69: {  	[sflag:s9] =	ssyncset.done $0x0  }
0x6a: {  	[sflag:s9] =	ssyncadd.s32 $0xFFFFFFB0  }
0x6b: {  	_ =	sfence.sel $0x180000  }
0x6c: {  	[bflag:$0x0] =	sbarrier.arrive $0xFFFF  }
0x6d: {  	p0 =	sne.s32 s1, $0x0;
	_ =	strace $0x90000047  }
0x6e: {  	s0 =	sadd.s32 @!p0 $0x100000, s0;
	[bflag:$0x2] =	sbarrier.arrive $0xFFFF  }
0x6f: {  	[sflag:s0] =	ssyncadd.tile.s32 @!p0 $0x1;
	_ =	shalt  }
.Lfunc_end2:
_tile_overlayer_lowered:
.L_overlay_start_2:
0x70: {  	(tag) =	ssettag $0x2  }
0x71: {  	s0 =	rddreg [dreg:$0x0];
	s2 =	stileid.u32  }
0x72: {  	s1 =	rddreg [dreg:$0x1];
	p0 =	sne.s32 s2, $0x0  }
0x73: {  	s3 =	rddreg [dreg:$0x2];
	[bflag:$0x3] =	sbarrier.arrive $0xFFFF;
	s2 =	simm.s32 @!p0 $0x1C03  }
0x74: {  	[timem:s3], [sflag:s2] =	dma.local @!p0 [hbm:s0], s1  }
0x75: {  	s0 =	simm.s32 @!p0 $0x3  }
0x76: {  	_ =	swait.ge @!p0 [sflag:s0], s1  }
0x77: {  	s1 =	ssub.s32 @!p0 $0x0, s1;
	[sflag:s0] =	ssyncset.done @!p0 $0x0  }
0x78: {  	[sflag:s0] =	ssyncadd.s32 @!p0 s1  }
0x79: {  	[bflag:$0x3] =	sbarrier.arrive $0xFFFF  }
0x7a: {  	_ =	shalt  }

// kernel: _gcn.13.cloned.1.call-start
scs
__scs_entry_jumppad:
0x0: {  	(pc) =	sbr.rel $0x88, $3  }
0x1: {  	(tag) =	ssettag $0x0;
	lr =	simm.s32 $0x1  }
0x2: {  	[smem:$0x3F99] =	sst lr;
	_ =	strace $0xD0000000  }
0x3: {  	_ = 	snop  }
0x4: {  	_ = 	snop  }
0x5: {  	_ = 	snop  }
0x6: {  	_ = 	snop  }
0x7: {  	_ = 	snop  }
__scs_overlays_trampoline_lowered:
0x8: {  	[smem:$0x3FA8] =	sst s0  }
0x9: {  	[smem:$0x3FA9] =	sst s1  }
0xa: {  	[smem:$0x3FAA] =	sst s2  }
0xb: {  	[smem:$0x3FAB] =	sst s3  }
0xc: {  	[smem:$0x3FAC] =	sst s4  }
0xd: {  	[smem:$0x3FAD] =	sst s5  }
0xe: {  	[smem:$0x3FAE] =	sst s6  }
0xf: {  	[smem:$0x3FAF] =	sst s7  }
0x10: {  	[smem:$0x3FB0] =	sst s8  }
0x11: {  	[smem:$0x3FB1] =	sst s9;
	s0 =	simm.s32 @!p0 $0x0  }
0x12: {  	s1 =	sld [smem:$0x3F97];
	s0 =	simm.s32 @p0 $0x1  }
0x13: {  	[smem:$0x3FB2] =	sst s0;
	s0 =	simm.s32 @!p1 $0x0  }
0x14: {  	s2 =	sld [smem:$0x3F96];
	s0 =	simm.s32 @p1 $0x1  }
0x15: {  	[smem:$0x3FB3] =	sst s0;
	s0 =	simm.s32 @!p2 $0x0  }
0x16: {  	s3 =	sld [smem:$0x3FDB];
	s0 =	simm.s32 @p2 $0x1  }
0x17: {  	s4 =	simm.s32 $0x1BF5;
	[smem:$0x3FB5] =	sst s0  }
0x18: {  	s0 =	sld [smem:$0x3F98];
	_ =	swait.ge [sflag:s4], $0x0  }
0x19: {  	s7 =	sld [smem:$0x3F99]  }
0x1a: {  	s8 =	sadd.s32 $0xFFFFE003, lr  }
0x1b: {  	s9 =	sadd.s32 $0xFFFFFEF7, lr;
	s5 =	simm.s32 $0xFFFFFFFF;
	p2 =	slt.u32 s8, $0xFFFFF086  }
0x1c: {  	p1 =	slt.u32 s9, $0xF7A;
	s5 =	simm.s32 @!p2 $0x0  }
0x1d: {  	s5 =	simm.s32 @p1 $0x1;
	p0 =	seq.s32 s7, s2  }
0x1e: {  	s7 =	smul.u32 @!p0 $0xF7A, s2;
	p2 =	seq.s32 @!p0 s5, $0x0  }
0x1f: {  	s9 =	smul.u32 $0xF7A, s1;
	s8 =	simm.s32 @!p0 $0x1BF5;
	p2 =	por !p2, p0  }
0x20: {  	[sflag:s8] =	ssyncset.s32 @!p0 $0xFFFFF086;
	s6 =	sadd.s32 @!p0 s3, s7;
	s7 =	simm.s32 @!p0 $0x108  }
0x21: {  	s3 =	sadd.s32 s3, s9;
	s6 =	sadd.s32 @!p0 $0x88, s6;
	s7 =	simm.s32 @p2 $0x1082  }
0x22: {  	[simem:s7], [sflag:s8] =	dma.local @!p0 [hbm:s6], $0xF7A  }
0x23: {  	s9 =	sor.u32 $0xD0000000, s2;
	s6 =	simm.s32 $0x108;
	_ =	swait.ge @!p0 [sflag:s8], $0x0  }
0x24: {  	s3 =	sadd.s32 $0x88, s3;
	s6 =	simm.s32 @!p1 $0x1082;
	[sflag:s4] =	ssyncset.s32 $0xFFFFF086  }
0x25: {  	[simem:s6], [sflag:s4] =	dma.local [hbm:s3], $0xF7A  }
0x26: {  	[smem:$0x3F99] =	sst s1;
	(tag) =	ssettag s2;
	_ =	strace s9  }
0x27: {  	s1 =	sld [smem:$0x3FA9]  }
0x28: {  	s2 =	sld [smem:$0x3FAA]  }
0x29: {  	s4 =	sld [smem:$0x3FAC]  }
0x2a: {  	p0 =	seq.s32 s5, $0x0;
	s5 =	sld [smem:$0x3FAD]  }
0x2b: {  	s6 =	sld [smem:$0x3FAE]  }
0x2c: {  	s7 =	sld [smem:$0x3FAF]  }
0x2d: {  	s3 =	simm.s32 $0x108;
	s8 =	sld [smem:$0x3FB0]  }
0x2e: {  	s3 =	simm.s32 @!p0 $0x1082;
	s9 =	sld [smem:$0x3FB1]  }
0x2f: {  	lr =	sadd.s32 s0, s3;
	s0 =	sld [smem:$0x3FA8]  }
0x30: {  	s3 =	sld [smem:$0x3FAB]  }
0x31: {  	[smem:$0x3FB4] =	sst s10  }
0x32: {  	s10 =	sld [smem:$0x3FB2];
	_ =	sdelay $0x3  }
0x33: {  	p0 =	seq.s32 s10, $0x1;
	s10 =	sld [smem:$0x3FB4];
	_ =	sdelay $0x3  }
0x34: {  	[smem:$0x3FB4] =	sst s10  }
0x35: {  	s10 =	sld [smem:$0x3FB3];
	_ =	sdelay $0x3  }
0x36: {  	p1 =	seq.s32 s10, $0x1;
	s10 =	sld [smem:$0x3FB4];
	_ =	sdelay $0x3  }
0x37: {  	[smem:$0x3FB4] =	sst s10  }
0x38: {  	s10 =	sld [smem:$0x3FB5]  }
0x39: {  	_ = 	snop;
	(pc) =	sbr.ind lr, $3  }
0x3a: {  	_ = 	snop  }
0x3b: {  	_ = 	snop  }
0x3c: {  	p2 =	seq.s32 s10, $0x1;
	s10 =	sld [smem:$0x3FB4]  }
0x3d: {  	_ =	shalt  }
0x3e: {  	_ =	shalt  }
0x3f: {  	_ =	shalt  }
0x40: {  	_ =	shalt  }
0x41: {  	_ =	shalt  }
0x42: {  	_ =	shalt  }
0x43: {  	_ =	shalt  }
0x44: {  	_ =	shalt  }
0x45: {  	_ =	shalt  }
0x46: {  	_ =	shalt  }
0x47: {  	_ =	shalt  }
0x48: {  	_ =	shalt  }
0x49: {  	_ =	shalt  }
0x4a: {  	_ =	shalt  }
0x4b: {  	_ =	shalt  }
0x4c: {  	_ =	shalt  }
0x4d: {  	_ =	shalt  }
0x4e: {  	_ =	shalt  }
0x4f: {  	_ =	shalt  }
0x50: {  	_ =	shalt  }
0x51: {  	_ =	shalt  }
0x52: {  	_ =	shalt  }
0x53: {  	_ =	shalt  }
0x54: {  	_ =	shalt  }
0x55: {  	_ =	shalt  }
0x56: {  	_ =	shalt  }
0x57: {  	_ =	shalt  }
0x58: {  	_ =	shalt  }
0x59: {  	_ =	shalt  }
0x5a: {  	_ =	shalt  }
0x5b: {  	_ =	shalt  }
0x5c: {  	_ =	shalt  }
0x5d: {  	_ =	shalt  }
0x5e: {  	_ =	shalt  }
0x5f: {  	_ =	shalt  }
0x60: {  	_ =	shalt  }
0x61: {  	_ =	shalt  }
0x62: {  	_ =	shalt  }
0x63: {  	_ =	shalt  }
0x64: {  	_ =	shalt  }
0x65: {  	_ =	shalt  }
0x66: {  	_ =	shalt  }
0x67: {  	_ =	shalt  }
0x68: {  	_ =	shalt  }
0x69: {  	_ =	shalt  }
0x6a: {  	_ =	shalt  }
0x6b: {  	_ =	shalt  }
0x6c: {  	_ =	shalt  }
0x6d: {  	_ =	shalt  }
0x6e: {  	_ =	shalt  }
0x6f: {  	_ =	shalt  }
0x70: {  	_ =	shalt  }
0x71: {  	_ =	shalt  }
0x72: {  	_ =	shalt  }
0x73: {  	_ =	shalt  }
0x74: {  	_ =	shalt  }
0x75: {  	_ =	shalt  }
0x76: {  	_ =	shalt  }
0x77: {  	_ =	shalt  }
0x78: {  	_ =	shalt  }
0x79: {  	_ =	shalt  }
0x7a: {  	_ =	shalt  }
0x7b: {  	_ =	shalt  }
0x7c: {  	_ =	shalt  }
0x7d: {  	_ =	shalt  }
0x7e: {  	_ =	shalt  }
0x7f: {  	_ =	shalt  }
0x80: {  	_ =	shalt  }
0x81: {  	_ =	shalt  }
0x82: {  	_ =	shalt  }
0x83: {  	_ =	shalt  }
0x84: {  	_ =	shalt  }
0x85: {  	_ =	shalt  }
0x86: {  	_ =	shalt  }
0x87: {  	_ =	shalt  }
.Lfunc_end0:
.L_simem_size_0:
called_computation.1_lowered:
.L_overlay_start_0:
0x88: {  	s2 =	sld [smem:$0x3FD9]  }
0x89: {  	s3 =	sld [smem:$0x3FFE];
	_ =	sdelay $0x1  }
0x8a: {  	s1 =	srdreg.scid  }
0x8b: {  	s0 =	sand.u32 $0x1, s1  }
0x8c: {  	s17 =	sshll.u32 s0, $0xA;
	s2 =	sadd.s32 s3, s2  }
0x8d: {  	s2 =	sadd.s32 s2, s17  }
0x8e: {  	[smem:$0x3FC0] =	sst s2  }
0x8f: {  	_ = 	snop  }
0x90: {  	s2 =	sld [smem:$0x3FD0];
	(tm) =	ssettm $0x1  }
0x91: {  	s18 =	sld [smem:$0x3FFB];
	_ =	sdelay $0x3  }
0x92: {  	_ =	strace s18  }
0x93: {  	s3 =	sld [smem:$0x3FFC];
	_ =	sdelay $0x3  }
0x94: {  	_ =	strace s3  }
0x95: {  	s3 =	sld [smem:$0x3FFD];
	_ =	sdelay $0x3  }
0x96: {  	_ =	strace s3  }
0x97: {  	_ =	strace $0x8FFFFFFF  }
0x98: {  	s19 =	sld [smem:$0x3FDB];
	_ =	sdelay $0x1  }
0x99: {  	s4 =	simm.s32 $_scs_section_size  }
0x9a: {  	s5 =	simm.s32 $_size__tile_overlayer_lowered;
	s6 =	simm.s32 $_tile_overlayer_lowered  }
0x9b: {  	s22 =	simm.s32 $0x1BFF;
	s21 =	sshll.u32 s6, $0x1;
	s3 =	sadd.s32 s4, s19  }
0x9c: {  	s7 =	simm.s32 $0x0;
	s20 =	sshll.u32 s5, $0x1;
	s5 =	sadd.s32 s21, s3  }
0x9d: {  	[timem:s7], [sflag:s22] =	dma.local [hbm:s5], s20  }
0x9e: {  	_ =	swait.ge [sflag:s22], s20  }
0x9f: {  	s4 =	ssub.s32 $0x0, s20;
	[sflag:s22] =	ssyncset.done $0x0  }
0xa0: {  	[sflag:s22] =	ssyncadd.s32 s4;
	_ =	sdelay $0x1  }
0xa1: {  	s23 =	simm.s32 $0x1B8B  }
0xa2: {  	_ =	swait.ge [sflag:s23], $0x1  }
0xa3: {  	[sflag:s23] =	ssyncset.done $0x0  }
0xa4: {  	s25 =	simm.s32 $0x1B8E;
	s24 =	sld [smem:$0x3FFE];
	[sflag:s23] =	ssyncadd.s32 $0xFFFFFFFF  }
0xa5: {  	s26 =	simm.s32 $execute0_lowered;
	[smem:$0x3FD2] =	sst s25  }
0xa6: {  	s5 =	sshll.u32 s26, $0x1;
	_ =	strace $0x80000049;
	[dreg:$0x1] =	wrdreg $0xFFFFFFFF  }
0xa7: {  	s28 =	simm.s32 $_size_execute0_lowered;
	s3 =	sadd.s32 s3, s5;
	[dreg:$0x0] =	wrdreg $0x0  }
0xa8: {  	s5 =	sshll.u32 s28, $0x1;
	[dreg:$0x2] =	wrdreg s3  }
0xa9: {  	[dreg:$0x3] =	wrdreg s5  }
0xaa: {  	[dreg:$0x4] =	wrdreg $0xC0  }
0xab: {  	_ =	task [dreg:s7], $0x5FFFF  }
0xac: {  	[dreg:$0x1] =	wrdreg $0xFFFFFFFF  }
0xad: {  	[dreg:$0x0] =	wrdreg $0x60  }
0xae: {  	[dreg:$0x2] =	wrdreg s24  }
0xaf: {  	[dreg:$0x3] =	wrdreg s2  }
0xb0: {  	[dreg:$0x4] =	wrdreg $0xBF800  }
0xb1: {  	[dreg:$0x5] =	wrdreg $0x9  }
0xb2: {  	_ =	task.clear_ibuf [dreg:s7], $0x6FFFF;
	_ =	strace $0x90000049  }
0xb3: {  	s29 =	simm.s32 $0x9;
	_ =	strace $0x8000004B  }
0xb4: {  	_ =	swait.ge [sflag:s29], $0x1  }
0xb5: {  	[sflag:s29] =	ssyncadd.s32 $0xFFFFFFFF  }
0xb6: {  	_ =	strace $0x9000004B  }
0xb7: {  	_ =	sfence  }
0xb8: {  	s30 =	sld [smem:$0x0];
	_ =	sdelay $0x2  }
0xb9: {  	s31 =	sshll.u32 s1, $0xD;
	s1 =	sshrl.u32 s1, $0x2  }
0xba: {  	s3 =	sand.u32 $0x4000, s31;
	s1 =	sadd.s32 s1, s30  }
0xbb: {  	s0 =	sor.u32 s3, s0;
	s1 =	sshll.u32 s1, $0x11  }
0xbc: {  	s0 =	sor.u32 s1, s0  }
0xbd: {  	s0 =	sadd.s32 $0x8F2B, s0  }
0xbe: {  	[sflag:s0] =	ssyncadd.remote.s32 $0x1  }
0xbf: {  	_ =	sfence.sel $0xFFFF  }
0xc0: {  	[dreg:$0x0] =	wrdreg $0xFFFFFFFF;
	(pc) =	sbr.abs _section_cstart, $3  }
0xc1: {  	[dreg:$0x1] =	wrdreg $0xFFFFFFFF  }
0xc2: {  	_ =	task.clear_ibuf [dreg:s7], $0x2FFFF;
	_ =	strace $0x9FFFFFFF  }
0xc3: {  	(tm) =	ssettm $0x7FFFFFFF  }
tec
execute0_lowered:
.L_overlay_start_1:
0x0: {  	(tag) =	ssettag $0x1  }
0x1: {  	s6 =	rddreg [dreg:$0x0]  }
0x2: {  	s0 =	srdreg.scid;
	s8 =	rddreg [dreg:$0x1]  }
0x3: {  	s29 =	stileid.u32;
	s2 =	rddreg [dreg:$0x2];
	s16 =	simm.s32 $0x80  }
0x4: {  	s17 =	simm.s32 $0x400;
	s18 =	simm.s32 $0x2780;
	s19 =	simm.s32 $0x1  }
0x5: {  	s20 =	simm.s32 $0x2;
	s21 =	simm.s32 $0x60;
	s22 =	simm.s32 $0x8F80  }
0x6: {  	s23 =	simm.s32 $0x5F80;
	s24 =	simm.s32 $0x3;
	s26 =	simm.s32 $0x5B80  }
0x7: {  	s28 =	simm.s32 $0x0;
	s5 =	sand.u32 $0x1, s0;
	s11 =	smul.u32 $0x14000, s29  }
0x8: {  	s3 =	sshll.u32 s29, $0x7;
	s31 =	smul.u32 $0x50000, s29;
	s1 =	sshll.u32 s5, $0x4  }
0x9: {  	s25 =	sshll.u32 s29, $0x6;
	s9 =	sand.u32 $0x380, s3;
	s7 =	sor.u32 s29, s1  }
0xa: {  	s3 =	simm.s32 $0x0;
	s30 =	smul.u32 $0x140000, s5;
	s1 =	sshrl.u32 s7, $0x3  }
0xb: {  	s5 =	ssub.s32 $0x2, s5;
	[smem:$0x7FF] =	sst s3;
	s4 =	smul.u32 $0x13C00, s1  }
0xc: {  	s25 =	sor.u32 $0x1C03, s25;
	s12 =	sshrl.u32 s5, $0x1;
	_ =	strace $0x8000004A  }
0xd: {  	s7 =	smul.u32 $0x700, s7;
	s12 =	ssub.s32 s5, s12;
	s4 =	sor.u32 s9, s4  }
0xe: {  	s9 =	sadd.s32 s11, s30;
	s11 =	sshrl.u32 s31, $0x2;
	s10 =	sshrl.u32 s4, $0x3  }
0xf: {  	s4 =	sadd.s32 $0x17A00, s6;
	s9 =	sshrl.u32 s9, $0x3;
	s10 =	sadd.s32 s10, s6  }
0x10: {  	s9 =	sadd.s32 s9, s6;
	s6 =	sadd.s32 s8, s7;
	s7 =	sadd.s32 s11, s2  }
0x11: {  	s5 =	sadd.s32 $0xDC00, s10;
	s8 =	sadd.s32 $0x12000, s7;
	s9 =	sadd.s32 $0x3FA00, s9  }
0x12: {  	s10 =	smax.u32 s12, $0x1;
	s11 =	sadd.s32 $0x3000, s7;
	s12 =	sadd.s32 $0x6000, s7  }
0x13: {  	v0 =	vimm.f32 $0.0e+00;
	s13 =	sadd.s32 $0x9000, s7;
	s14 =	sadd.s32 $0xC000, s7;
	s15 =	sadd.s32 $0xF000, s7  }
.LBB2_1:
0x14: {  	[tilespmem:s3], [sflag:$0x1] =	stream.strided.gather [hbm4b:s5+s16], $0x2780, s17, s16, $0x38;
	[tilespmem:$0x1FF80] =	vst v63  }
0x15: {  	s29 =	simm.s32 $0x0;
	s30 =	simm.s32 $0x200  }
0x16: {  	[tilespmem:s18], [sflag:$0x2] =	stream.linear.gather [hbm4b:s6+s3], $0x3480, $0x38;
	[tilespmem:$0x1FF80] =	vst v63  }
.LBB2_2:
0x17: {  	p0 =	sne.s32 s30, $0xBE00;
	[tilespmem:s29+$0x5FF0] =	vst v0  }
0x18: {  	[tilespmem:s29+$0x5F80] =	vst v0  }
0x19: {  	[tilespmem:s29+$0x5F90] =	vst v0  }
.Ltmp0:
0x1a: {  	[tilespmem:s29+$0x5FA0] =	vst v0;
	(pc) =	sbr.rel @p0 .LBB2_2-.Ltmp0, $4  }
0x1b: {  	[tilespmem:s29+$0x5FB0] =	vst v0  }
0x1c: {  	[tilespmem:s29+$0x5FC0] =	vst v0  }
0x1d: {  	[tilespmem:s29+$0x5FD0] =	vst v0  }
0x1e: {  	[tilespmem:s29+$0x5FE0] =	vst v0;
	s29 =	sshra.s32 s30, $0x2;
	s30 =	sadd.s32 $0x200, s30  }
0x1f: {  	[tilespmem:s29+$0x5FF0] =	vst v0  }
0x20: {  	[tilespmem:s29+$0x5F80] =	vst v0  }
0x21: {  	[tilespmem:s29+$0x5F90] =	vst v0  }
0x22: {  	[tilespmem:s29+$0x5FA0] =	vst v0  }
0x23: {  	[tilespmem:s29+$0x5FB0] =	vst v0  }
0x24: {  	[tilespmem:s29+$0x5FC0] =	vst v0  }
0x25: {  	[tilespmem:s29+$0x5FD0] =	vst v0  }
0x26: {  	[tilespmem:s29+$0x5FE0] =	vst v0  }
0x27: {  	_ =	swait.ge [sflag:s19], $0x2780  }
0x28: {  	[sflag:s19] =	ssyncset.done $0x0  }
0x29: {  	[sflag:s19] =	ssyncadd.s32 $0xFFFFD880  }
0x2a: {  	_ =	swait.ge [sflag:s20], $0x3480  }
0x2b: {  	[sflag:s20] =	ssyncset.done $0x0  }
0x2c: {  	s29 =	simm.s32 $0x0;
	[sflag:s20] =	ssyncadd.s32 $0xFFFFCB80  }
0x2d: {  	[tilespmem:s22], [sflag:$0x2] =	stream.indirect.gather [hbm4b:s4+s21], $0x80, s29, s21, $0xb8;
	[tilespmem:$0x1FF80] =	vst v63  }
0x2e: {  	_ = 	snop  }
0x2f: {  	[spmem:s7] =	stream.linear.scatter [tilespmem:s23], [sflag:$0x3], $0x3000, $0x38;
	[tilespmem:$0x1FF80] =	vst v63  }
0x30: {  	_ =	swait.ge [sflag:s24], $0x3000  }
0x31: {  	[sflag:s24] =	ssyncset.done $0x0  }
0x32: {  	[sflag:s24] =	ssyncadd.s32 $0xFFFFD000  }
0x33: {  	[spmem:s11] =	stream.linear.scatter [tilespmem:s23], [sflag:$0x3], $0x3000, $0x38;
	[tilespmem:$0x1FF80] =	vst v63  }
0x34: {  	_ =	swait.ge [sflag:s24], $0x3000  }
0x35: {  	[sflag:s24] =	ssyncset.done $0x0  }
0x36: {  	[sflag:s24] =	ssyncadd.s32 $0xFFFFD000  }
0x37: {  	[spmem:s12] =	stream.linear.scatter [tilespmem:s23], [sflag:$0x3], $0x3000, $0x38;
	[tilespmem:$0x1FF80] =	vst v63  }
0x38: {  	_ =	swait.ge [sflag:s24], $0x3000  }
0x39: {  	[sflag:s24] =	ssyncset.done $0x0  }
0x3a: {  	[sflag:s24] =	ssyncadd.s32 $0xFFFFD000  }
0x3b: {  	[spmem:s13] =	stream.linear.scatter [tilespmem:s23], [sflag:$0x3], $0x3000, $0x38;
	[tilespmem:$0x1FF80] =	vst v63  }
0x3c: {  	_ =	swait.ge [sflag:s24], $0x3000  }
0x3d: {  	[sflag:s24] =	ssyncset.done $0x0  }
0x3e: {  	[sflag:s24] =	ssyncadd.s32 $0xFFFFD000  }
0x3f: {  	[spmem:s14] =	stream.linear.scatter [tilespmem:s23], [sflag:$0x3], $0x3000, $0x38;
	[tilespmem:$0x1FF80] =	vst v63  }
0x40: {  	_ =	swait.ge [sflag:s24], $0x3000  }
0x41: {  	[sflag:s24] =	ssyncset.done $0x0  }
0x42: {  	[sflag:s24] =	ssyncadd.s32 $0xFFFFD000  }
0x43: {  	[spmem:s15] =	stream.linear.scatter [tilespmem:s23], [sflag:$0x3], $0x3000, $0x38;
	[tilespmem:$0x1FF80] =	vst v63  }
0x44: {  	_ =	swait.ge [sflag:s24], $0x3000  }
0x45: {  	[sflag:s24] =	ssyncset.done $0x0  }
0x46: {  	[sflag:s24] =	ssyncadd.s32 $0xFFFFD000  }
0x47: {  	[spmem:s8] =	stream.linear.scatter [tilespmem:s23], [sflag:$0x3], $0x2000, $0x38;
	[tilespmem:$0x1FF80] =	vst v63  }
0x48: {  	_ =	swait.ge [sflag:s24], $0x2000  }
0x49: {  	[sflag:s24] =	ssyncset.done $0x0  }
0x4a: {  	[sflag:s24] =	ssyncadd.s32 $0xFFFFE000  }
0x4b: {  	s29 =	simm.s32 $0x60;
	[bflag:$0x0] =	sbarrier.arrive $0xFFFF  }
0x4c: {  	[tilespmem:s23], [sflag:$0x1] =	stream.indirect.gather [hbm4b:s4+s21], $0x80, s29, s21, $0xb8;
	[tilespmem:$0x1FF80] =	vst v63  }
0x4d: {  	_ =	swait.ge [sflag:s20], $0x3000  }
0x4e: {  	[sflag:s20] =	ssyncset.done $0x0  }
0x4f: {  	s29 =	simm.s32 $0x2780;
	[sflag:s20] =	ssyncadd.s32 $0xFFFFD000  }
0x50: {  	[spmem:s2] =	stream.indirect.scatter.add.f32 [tilespmem:s22], [sflag:$0x3], $0x80, s29, s21, $0xb8;
	[tilespmem:$0x1FF80] =	vst v63  }
0x51: {  	_ =	swait.ge [sflag:s24], $0x3000  }
0x52: {  	[sflag:s24] =	ssyncset.done $0x0  }
0x53: {  	s29 =	simm.s32 $0xC0;
	[sflag:s24] =	ssyncadd.s32 $0xFFFFD000  }
0x54: {  	[tilespmem:s22], [sflag:$0x2] =	stream.indirect.gather [hbm4b:s4+s21], $0x80, s29, s21, $0xb8;
	[tilespmem:$0x1FF80] =	vst v63  }
0x55: {  	_ =	swait.ge [sflag:s19], $0x3000  }
0x56: {  	[sflag:s19] =	ssyncset.done $0x0  }
0x57: {  	s29 =	simm.s32 $0x2800;
	[sflag:s19] =	ssyncadd.s32 $0xFFFFD000  }
0x58: {  	[spmem:s2] =	stream.indirect.scatter.add.f32 [tilespmem:s23], [sflag:$0x3], $0x80, s29, s21, $0xb8;
	[tilespmem:$0x1FF80] =	vst v63  }
0x59: {  	s30 =	simm.s32 $0x400;
	_ =	swait.ge [sflag:s24], $0x3000  }
0x5a: {  	s31 =	simm.s32 $0x800;
	s29 =	simm.s32 $0x180;
	[sflag:s24] =	ssyncset.done $0x0  }
.LBB2_4:
0x5b: {  	p0 =	sne.s32 s31, $0xCC00;
	s1 =	sadd.s32 $0xFFFFFFA0, s29;
	[sflag:s24] =	ssyncadd.s32 $0xFFFFD000  }
0x5c: {  	[tilespmem:s23], [sflag:$0x1] =	stream.indirect.gather [hbm4b:s4+s21], $0x80, s1, s21, $0xb8;
	[tilespmem:$0x1FF80] =	vst v63  }
0x5d: {  	s1 =	smov.u32 s31;
	s31 =	sadd.s32 $0x400, s31;
	_ =	swait.ge [sflag:s20], $0x3000  }
0x5e: {  	s0 =	sshra.s32 s30, $0x2;
	s30 =	smov.u32 s1;
	[sflag:s20] =	ssyncset.done $0x0  }
0x5f: {  	s1 =	sadd.s32 $0x2780, s0;
	[sflag:s20] =	ssyncadd.s32 $0xFFFFD000  }
0x60: {  	[spmem:s2] =	stream.indirect.scatter.add.f32 [tilespmem:s22], [sflag:$0x3], $0x80, s1, s21, $0xb8;
	[tilespmem:$0x1FF80] =	vst v63  }
0x61: {  	_ =	swait.ge [sflag:s24], $0x3000  }
0x62: {  	[sflag:s24] =	ssyncset.done $0x0  }
0x63: {  	[sflag:s24] =	ssyncadd.s32 $0xFFFFD000  }
0x64: {  	[tilespmem:s22], [sflag:$0x2] =	stream.indirect.gather [hbm4b:s4+s21], $0x80, s29, s21, $0xb8;
	[tilespmem:$0x1FF80] =	vst v63  }
0x65: {  	_ =	swait.ge [sflag:s19], $0x3000  }
.Ltmp1:
0x66: {  	[sflag:s19] =	ssyncset.done $0x0;
	(pc) =	sbr.rel @p0 .LBB2_4-.Ltmp1, $4  }
0x67: {  	s0 =	sadd.s32 $0x2800, s0;
	[sflag:s19] =	ssyncadd.s32 $0xFFFFD000  }
0x68: {  	[spmem:s2] =	stream.indirect.scatter.add.f32 [tilespmem:s23], [sflag:$0x3], $0x80, s0, s21, $0xb8;
	[tilespmem:$0x1FF80] =	vst v63  }
0x69: {  	_ =	swait.ge [sflag:s24], $0x3000  }
0x6a: {  	s29 =	sadd.s32 $0xC0, s29;
	[sflag:s24] =	ssyncset.done $0x0  }
0x6b: {  	s0 =	sadd.s32 $0xFFFFFFA0, s29;
	[sflag:s24] =	ssyncadd.s32 $0xFFFFD000  }
0x6c: {  	[tilespmem:s23], [sflag:$0x1] =	stream.indirect.gather [hbm4b:s4+s21], $0x80, s0, s21, $0xb8;
	[tilespmem:$0x1FF80] =	vst v63  }
0x6d: {  	_ =	swait.ge [sflag:s20], $0x3000  }
0x6e: {  	s30 =	sshra.s32 s30, $0x2;
	[sflag:s20] =	ssyncset.done $0x0  }
0x6f: {  	s1 =	sadd.s32 $0x2780, s30;
	[sflag:s20] =	ssyncadd.s32 $0xFFFFD000  }
0x70: {  	[spmem:s2] =	stream.indirect.scatter.add.f32 [tilespmem:s22], [sflag:$0x3], $0x80, s1, s21, $0xb8;
	[tilespmem:$0x1FF80] =	vst v63  }
0x71: {  	_ =	swait.ge [sflag:s24], $0x3000  }
0x72: {  	[sflag:s24] =	ssyncset.done $0x0  }
0x73: {  	[sflag:s24] =	ssyncadd.s32 $0xFFFFD000  }
0x74: {  	[tilespmem:s22], [sflag:$0x2] =	stream.indirect.gather [hbm4b:s4+s21], $0x80, s29, s21, $0xb8;
	[tilespmem:$0x1FF80] =	vst v63  }
0x75: {  	_ =	swait.ge [sflag:s19], $0x3000  }
0x76: {  	[sflag:s19] =	ssyncset.done $0x0  }
0x77: {  	s0 =	sadd.s32 $0x2800, s30;
	[sflag:s19] =	ssyncadd.s32 $0xFFFFD000  }
0x78: {  	[spmem:s2] =	stream.indirect.scatter.add.f32 [tilespmem:s23], [sflag:$0x3], $0x80, s0, s21, $0xb8;
	[tilespmem:$0x1FF80] =	vst v63  }
0x79: {  	_ =	swait.ge [sflag:s24], $0x3000  }
0x7a: {  	[sflag:s24] =	ssyncset.done $0x0  }
0x7b: {  	[sflag:s24] =	ssyncadd.s32 $0xFFFFD000  }
0x7c: {  	_ =	swait.ge [sflag:s20], $0x3000  }
0x7d: {  	[sflag:s20] =	ssyncset.done $0x0  }
0x7e: {  	[sflag:s20] =	ssyncadd.s32 $0xFFFFD000  }
0x7f: {  	[spmem:s2] =	stream.indirect.scatter.add.f32 [tilespmem:s22], [sflag:$0x3], $0x80, s26, s21, $0xb8;
	[tilespmem:$0x1FF80] =	vst v63  }
0x80: {  	_ =	swait.ge [sflag:s24], $0x3000  }
0x81: {  	s28 =	sadd.s32 $0x1, s28;
	[sflag:s24] =	ssyncset.done $0x0  }
0x82: {  	p0 =	sne.s32 s28, s10;
	[sflag:s24] =	ssyncadd.s32 $0xFFFFD000  }
.Ltmp2:
0x83: {  	s31 =	sshrl.u32 s7, $0x3;
	[bflag:$0x0] =	sbarrier.arrive $0xFFFF;
	(pc) =	sbr.rel @p0 .LBB2_1-.Ltmp2, $4  }
0x84: {  	[hbm:s9], [sflag:s25] =	dma.local [spmem:s31], $0x2800  }
0x85: {  	_ =	swait.ge [sflag:s24], $0x2800  }
0x86: {  	[sflag:s24] =	ssyncset.done $0x0  }
0x87: {  	[sflag:s24] =	ssyncadd.s32 $0xFFFFD800  }
0x88: {  	_ =	sfence.sel $0x180000  }
0x89: {  	[bflag:$0x0] =	sbarrier.arrive $0xFFFF  }
0x8a: {  	_ =	strace $0x9000004A  }
0x8b: {  	s0 =	stileid.u32;
	[bflag:$0x2] =	sbarrier.arrive $0xFFFF  }
0x8c: {  	p0 =	sne.s32 s0, $0x0;
	s0 =	rddreg [dreg:$0x3]  }
0x8d: {  	s0 =	sadd.s32 @!p0 $0x100000, s0  }
0x8e: {  	[sflag:s0] =	ssyncadd.tile.s32 @!p0 $0x1;
	_ =	shalt  }
.Lfunc_end2:
_tile_overlayer_lowered:
.L_overlay_start_2:
0x8f: {  	(tag) =	ssettag $0x2  }
0x90: {  	s0 =	rddreg [dreg:$0x0];
	s2 =	stileid.u32  }
0x91: {  	s1 =	rddreg [dreg:$0x1];
	p0 =	sne.s32 s2, $0x0  }
0x92: {  	s3 =	rddreg [dreg:$0x2];
	[bflag:$0x3] =	sbarrier.arrive $0xFFFF;
	s2 =	simm.s32 @!p0 $0x1C03  }
0x93: {  	[timem:s3], [sflag:s2] =	dma.local @!p0 [hbm:s0], s1  }
0x94: {  	s0 =	simm.s32 @!p0 $0x3  }
0x95: {  	_ =	swait.ge @!p0 [sflag:s0], s1  }
0x96: {  	s1 =	ssub.s32 @!p0 $0x0, s1;
	[sflag:s0] =	ssyncset.done @!p0 $0x0  }
0x97: {  	[sflag:s0] =	ssyncadd.s32 @!p0 s1  }
0x98: {  	[bflag:$0x3] =	sbarrier.arrive $0xFFFF  }
0x99: {  	_ =	shalt  }

// kernel: _gcn.16.cloned.1.call-start
scs
__scs_entry_jumppad:
0x0: {  	(pc) =	sbr.rel $0x88, $3  }
0x1: {  	(tag) =	ssettag $0x0;
	lr =	simm.s32 $0x1  }
0x2: {  	[smem:$0x3F99] =	sst lr;
	_ =	strace $0xD0000000  }
0x3: {  	_ = 	snop  }
0x4: {  	_ = 	snop  }
0x5: {  	_ = 	snop  }
0x6: {  	_ = 	snop  }
0x7: {  	_ = 	snop  }
__scs_overlays_trampoline_lowered:
0x8: {  	[smem:$0x3FA8] =	sst s0  }
0x9: {  	[smem:$0x3FA9] =	sst s1  }
0xa: {  	[smem:$0x3FAA] =	sst s2  }
0xb: {  	[smem:$0x3FAB] =	sst s3  }
0xc: {  	[smem:$0x3FAC] =	sst s4  }
0xd: {  	[smem:$0x3FAD] =	sst s5  }
0xe: {  	[smem:$0x3FAE] =	sst s6  }
0xf: {  	[smem:$0x3FAF] =	sst s7  }
0x10: {  	[smem:$0x3FB0] =	sst s8  }
0x11: {  	[smem:$0x3FB1] =	sst s9;
	s0 =	simm.s32 @!p0 $0x0  }
0x12: {  	s1 =	sld [smem:$0x3F97];
	s0 =	simm.s32 @p0 $0x1  }
0x13: {  	[smem:$0x3FB2] =	sst s0;
	s0 =	simm.s32 @!p1 $0x0  }
0x14: {  	s2 =	sld [smem:$0x3F96];
	s0 =	simm.s32 @p1 $0x1  }
0x15: {  	[smem:$0x3FB3] =	sst s0;
	s0 =	simm.s32 @!p2 $0x0  }
0x16: {  	s3 =	sld [smem:$0x3FDB];
	s0 =	simm.s32 @p2 $0x1  }
0x17: {  	s4 =	simm.s32 $0x1BF5;
	[smem:$0x3FB5] =	sst s0  }
0x18: {  	s0 =	sld [smem:$0x3F98];
	_ =	swait.ge [sflag:s4], $0x0  }
0x19: {  	s7 =	sld [smem:$0x3F99]  }
0x1a: {  	s8 =	sadd.s32 $0xFFFFE003, lr  }
0x1b: {  	s9 =	sadd.s32 $0xFFFFFEF7, lr;
	s5 =	simm.s32 $0xFFFFFFFF;
	p2 =	slt.u32 s8, $0xFFFFF086  }
0x1c: {  	p1 =	slt.u32 s9, $0xF7A;
	s5 =	simm.s32 @!p2 $0x0  }
0x1d: {  	s5 =	simm.s32 @p1 $0x1;
	p0 =	seq.s32 s7, s2  }
0x1e: {  	s7 =	smul.u32 @!p0 $0xF7A, s2;
	p2 =	seq.s32 @!p0 s5, $0x0  }
0x1f: {  	s9 =	smul.u32 $0xF7A, s1;
	s8 =	simm.s32 @!p0 $0x1BF5;
	p2 =	por !p2, p0  }
0x20: {  	[sflag:s8] =	ssyncset.s32 @!p0 $0xFFFFF086;
	s6 =	sadd.s32 @!p0 s3, s7;
	s7 =	simm.s32 @!p0 $0x108  }
0x21: {  	s3 =	sadd.s32 s3, s9;
	s6 =	sadd.s32 @!p0 $0x88, s6;
	s7 =	simm.s32 @p2 $0x1082  }
0x22: {  	[simem:s7], [sflag:s8] =	dma.local @!p0 [hbm:s6], $0xF7A  }
0x23: {  	s9 =	sor.u32 $0xD0000000, s2;
	s6 =	simm.s32 $0x108;
	_ =	swait.ge @!p0 [sflag:s8], $0x0  }
0x24: {  	s3 =	sadd.s32 $0x88, s3;
	s6 =	simm.s32 @!p1 $0x1082;
	[sflag:s4] =	ssyncset.s32 $0xFFFFF086  }
0x25: {  	[simem:s6], [sflag:s4] =	dma.local [hbm:s3], $0xF7A  }
0x26: {  	[smem:$0x3F99] =	sst s1;
	(tag) =	ssettag s2;
	_ =	strace s9  }
0x27: {  	s1 =	sld [smem:$0x3FA9]  }
0x28: {  	s2 =	sld [smem:$0x3FAA]  }
0x29: {  	s4 =	sld [smem:$0x3FAC]  }
0x2a: {  	p0 =	seq.s32 s5, $0x0;
	s5 =	sld [smem:$0x3FAD]  }
0x2b: {  	s6 =	sld [smem:$0x3FAE]  }
0x2c: {  	s7 =	sld [smem:$0x3FAF]  }
0x2d: {  	s3 =	simm.s32 $0x108;
	s8 =	sld [smem:$0x3FB0]  }
0x2e: {  	s3 =	simm.s32 @!p0 $0x1082;
	s9 =	sld [smem:$0x3FB1]  }
0x2f: {  	lr =	sadd.s32 s0, s3;
	s0 =	sld [smem:$0x3FA8]  }
0x30: {  	s3 =	sld [smem:$0x3FAB]  }
0x31: {  	[smem:$0x3FB4] =	sst s10  }
0x32: {  	s10 =	sld [smem:$0x3FB2];
	_ =	sdelay $0x3  }
0x33: {  	p0 =	seq.s32 s10, $0x1;
	s10 =	sld [smem:$0x3FB4];
	_ =	sdelay $0x3  }
0x34: {  	[smem:$0x3FB4] =	sst s10  }
0x35: {  	s10 =	sld [smem:$0x3FB3];
	_ =	sdelay $0x3  }
0x36: {  	p1 =	seq.s32 s10, $0x1;
	s10 =	sld [smem:$0x3FB4];
	_ =	sdelay $0x3  }
0x37: {  	[smem:$0x3FB4] =	sst s10  }
0x38: {  	s10 =	sld [smem:$0x3FB5]  }
0x39: {  	_ = 	snop;
	(pc) =	sbr.ind lr, $3  }
0x3a: {  	_ = 	snop  }
0x3b: {  	_ = 	snop  }
0x3c: {  	p2 =	seq.s32 s10, $0x1;
	s10 =	sld [smem:$0x3FB4]  }
0x3d: {  	_ =	shalt  }
0x3e: {  	_ =	shalt  }
0x3f: {  	_ =	shalt  }
0x40: {  	_ =	shalt  }
0x41: {  	_ =	shalt  }
0x42: {  	_ =	shalt  }
0x43: {  	_ =	shalt  }
0x44: {  	_ =	shalt  }
0x45: {  	_ =	shalt  }
0x46: {  	_ =	shalt  }
0x47: {  	_ =	shalt  }
0x48: {  	_ =	shalt  }
0x49: {  	_ =	shalt  }
0x4a: {  	_ =	shalt  }
0x4b: {  	_ =	shalt  }
0x4c: {  	_ =	shalt  }
0x4d: {  	_ =	shalt  }
0x4e: {  	_ =	shalt  }
0x4f: {  	_ =	shalt  }
0x50: {  	_ =	shalt  }
0x51: {  	_ =	shalt  }
0x52: {  	_ =	shalt  }
0x53: {  	_ =	shalt  }
0x54: {  	_ =	shalt  }
0x55: {  	_ =	shalt  }
0x56: {  	_ =	shalt  }
0x57: {  	_ =	shalt  }
0x58: {  	_ =	shalt  }
0x59: {  	_ =	shalt  }
0x5a: {  	_ =	shalt  }
0x5b: {  	_ =	shalt  }
0x5c: {  	_ =	shalt  }
0x5d: {  	_ =	shalt  }
0x5e: {  	_ =	shalt  }
0x5f: {  	_ =	shalt  }
0x60: {  	_ =	shalt  }
0x61: {  	_ =	shalt  }
0x62: {  	_ =	shalt  }
0x63: {  	_ =	shalt  }
0x64: {  	_ =	shalt  }
0x65: {  	_ =	shalt  }
0x66: {  	_ =	shalt  }
0x67: {  	_ =	shalt  }
0x68: {  	_ =	shalt  }
0x69: {  	_ =	shalt  }
0x6a: {  	_ =	shalt  }
0x6b: {  	_ =	shalt  }
0x6c: {  	_ =	shalt  }
0x6d: {  	_ =	shalt  }
0x6e: {  	_ =	shalt  }
0x6f: {  	_ =	shalt  }
0x70: {  	_ =	shalt  }
0x71: {  	_ =	shalt  }
0x72: {  	_ =	shalt  }
0x73: {  	_ =	shalt  }
0x74: {  	_ =	shalt  }
0x75: {  	_ =	shalt  }
0x76: {  	_ =	shalt  }
0x77: {  	_ =	shalt  }
0x78: {  	_ =	shalt  }
0x79: {  	_ =	shalt  }
0x7a: {  	_ =	shalt  }
0x7b: {  	_ =	shalt  }
0x7c: {  	_ =	shalt  }
0x7d: {  	_ =	shalt  }
0x7e: {  	_ =	shalt  }
0x7f: {  	_ =	shalt  }
0x80: {  	_ =	shalt  }
0x81: {  	_ =	shalt  }
0x82: {  	_ =	shalt  }
0x83: {  	_ =	shalt  }
0x84: {  	_ =	shalt  }
0x85: {  	_ =	shalt  }
0x86: {  	_ =	shalt  }
0x87: {  	_ =	shalt  }
.Lfunc_end0:
.L_simem_size_0:
called_computation.2_lowered:
.L_overlay_start_0:
0x88: {  	s2 =	sld [smem:$0x3FD9]  }
0x89: {  	s3 =	sld [smem:$0x3FFE];
	_ =	sdelay $0x1  }
0x8a: {  	s1 =	srdreg.scid  }
0x8b: {  	s0 =	sand.u32 $0x1, s1  }
0x8c: {  	s17 =	sshll.u32 s0, $0xA;
	s2 =	sadd.s32 s3, s2  }
0x8d: {  	s2 =	sadd.s32 s2, s17  }
0x8e: {  	[smem:$0x3FC0] =	sst s2  }
0x8f: {  	_ = 	snop  }
0x90: {  	s2 =	sld [smem:$0x3FD0];
	(tm) =	ssettm $0x1  }
0x91: {  	s18 =	sld [smem:$0x3FFB];
	_ =	sdelay $0x3  }
0x92: {  	_ =	strace s18  }
0x93: {  	s3 =	sld [smem:$0x3FFC];
	_ =	sdelay $0x3  }
0x94: {  	_ =	strace s3  }
0x95: {  	s3 =	sld [smem:$0x3FFD];
	_ =	sdelay $0x3  }
0x96: {  	_ =	strace s3  }
0x97: {  	_ =	strace $0x8FFFFFFF  }
0x98: {  	s19 =	sld [smem:$0x3FDB];
	_ =	sdelay $0x1  }
0x99: {  	s4 =	simm.s32 $_scs_section_size  }
0x9a: {  	s5 =	simm.s32 $_size__tile_overlayer_lowered;
	s6 =	simm.s32 $_tile_overlayer_lowered  }
0x9b: {  	s22 =	simm.s32 $0x1BFF;
	s21 =	sshll.u32 s6, $0x1;
	s3 =	sadd.s32 s4, s19  }
0x9c: {  	s7 =	simm.s32 $0x0;
	s20 =	sshll.u32 s5, $0x1;
	s5 =	sadd.s32 s21, s3  }
0x9d: {  	[timem:s7], [sflag:s22] =	dma.local [hbm:s5], s20  }
0x9e: {  	_ =	swait.ge [sflag:s22], s20  }
0x9f: {  	s4 =	ssub.s32 $0x0, s20;
	[sflag:s22] =	ssyncset.done $0x0  }
0xa0: {  	[sflag:s22] =	ssyncadd.s32 s4;
	_ =	sdelay $0x1  }
0xa1: {  	s23 =	simm.s32 $0x1B8B  }
0xa2: {  	_ =	swait.ge [sflag:s23], $0x1  }
0xa3: {  	[sflag:s23] =	ssyncset.done $0x0  }
0xa4: {  	s25 =	simm.s32 $0x1B8E;
	s24 =	sld [smem:$0x3FFE];
	[sflag:s23] =	ssyncadd.s32 $0xFFFFFFFF  }
0xa5: {  	s26 =	simm.s32 $execute0_lowered;
	[smem:$0x3FD2] =	sst s25  }
0xa6: {  	s5 =	sshll.u32 s26, $0x1;
	_ =	strace $0x8000004C;
	[dreg:$0x1] =	wrdreg $0xFFFFFFFF  }
0xa7: {  	s28 =	simm.s32 $_size_execute0_lowered;
	s3 =	sadd.s32 s3, s5;
	[dreg:$0x0] =	wrdreg $0x0  }
0xa8: {  	s5 =	sshll.u32 s28, $0x1;
	[dreg:$0x2] =	wrdreg s3  }
0xa9: {  	[dreg:$0x3] =	wrdreg s5  }
0xaa: {  	[dreg:$0x4] =	wrdreg $0xC0  }
0xab: {  	_ =	task [dreg:s7], $0x5FFFF  }
0xac: {  	[dreg:$0x1] =	wrdreg $0xFFFFFFFF  }
0xad: {  	[dreg:$0x0] =	wrdreg $0x60  }
0xae: {  	[dreg:$0x2] =	wrdreg s24  }
0xaf: {  	[dreg:$0x3] =	wrdreg s2  }
0xb0: {  	[dreg:$0x4] =	wrdreg $0xBF800  }
0xb1: {  	[dreg:$0x5] =	wrdreg $0x9  }
0xb2: {  	_ =	task.clear_ibuf [dreg:s7], $0x6FFFF;
	_ =	strace $0x9000004C  }
0xb3: {  	s29 =	simm.s32 $0x9;
	_ =	strace $0x8000004E  }
0xb4: {  	_ =	swait.ge [sflag:s29], $0x1  }
0xb5: {  	[sflag:s29] =	ssyncadd.s32 $0xFFFFFFFF  }
0xb6: {  	_ =	strace $0x9000004E  }
0xb7: {  	_ =	sfence  }
0xb8: {  	s30 =	sld [smem:$0x0];
	_ =	sdelay $0x2  }
0xb9: {  	s31 =	sshll.u32 s1, $0xD;
	s1 =	sshrl.u32 s1, $0x2  }
0xba: {  	s3 =	sand.u32 $0x4000, s31;
	s1 =	sadd.s32 s1, s30  }
0xbb: {  	s0 =	sor.u32 s3, s0;
	s1 =	sshll.u32 s1, $0x11  }
0xbc: {  	s0 =	sor.u32 s1, s0  }
0xbd: {  	s0 =	sadd.s32 $0x8F2B, s0  }
0xbe: {  	[sflag:s0] =	ssyncadd.remote.s32 $0x1  }
0xbf: {  	_ =	sfence.sel $0xFFFF  }
0xc0: {  	[dreg:$0x0] =	wrdreg $0xFFFFFFFF;
	(pc) =	sbr.abs _section_cstart, $3  }
0xc1: {  	[dreg:$0x1] =	wrdreg $0xFFFFFFFF  }
0xc2: {  	_ =	task.clear_ibuf [dreg:s7], $0x2FFFF;
	_ =	strace $0x9FFFFFFF  }
0xc3: {  	(tm) =	ssettm $0x7FFFFFFF  }
tec
execute0_lowered:
.L_overlay_start_1:
0x0: {  	(tag) =	ssettag $0x1  }
0x1: {  	s6 =	rddreg [dreg:$0x0]  }
0x2: {  	s0 =	srdreg.scid;
	s8 =	rddreg [dreg:$0x1]  }
0x3: {  	s29 =	stileid.u32;
	s2 =	rddreg [dreg:$0x2];
	s16 =	simm.s32 $0x80  }
0x4: {  	s17 =	simm.s32 $0x400;
	s18 =	simm.s32 $0x2780;
	s19 =	simm.s32 $0x1  }
0x5: {  	s20 =	simm.s32 $0x2;
	s21 =	simm.s32 $0x60;
	s22 =	simm.s32 $0x8F80  }
0x6: {  	s23 =	simm.s32 $0x5F80;
	s24 =	simm.s32 $0x3;
	s26 =	simm.s32 $0x5B80  }
0x7: {  	s28 =	simm.s32 $0x0;
	s5 =	sand.u32 $0x1, s0;
	s11 =	smul.u32 $0x14000, s29  }
0x8: {  	s3 =	sshll.u32 s29, $0x7;
	s31 =	smul.u32 $0x50000, s29;
	s1 =	sshll.u32 s5, $0x4  }
0x9: {  	s25 =	sshll.u32 s29, $0x6;
	s9 =	sand.u32 $0x380, s3;
	s7 =	sor.u32 s29, s1  }
0xa: {  	s3 =	simm.s32 $0x0;
	s30 =	smul.u32 $0x140000, s5;
	s1 =	sshrl.u32 s7, $0x3  }
0xb: {  	s5 =	ssub.s32 $0x2, s5;
	[smem:$0x7FF] =	sst s3;
	s4 =	smul.u32 $0x13C00, s1  }
0xc: {  	s25 =	sor.u32 $0x1C03, s25;
	s12 =	sshrl.u32 s5, $0x1;
	_ =	strace $0x8000004D  }
0xd: {  	s7 =	smul.u32 $0x700, s7;
	s12 =	ssub.s32 s5, s12;
	s4 =	sor.u32 s9, s4  }
0xe: {  	s9 =	sadd.s32 s11, s30;
	s11 =	sshrl.u32 s31, $0x2;
	s10 =	sshrl.u32 s4, $0x3  }
0xf: {  	s4 =	sadd.s32 $0x17A00, s6;
	s9 =	sshrl.u32 s9, $0x3;
	s10 =	sadd.s32 s10, s6  }
0x10: {  	s9 =	sadd.s32 s9, s6;
	s6 =	sadd.s32 s8, s7;
	s7 =	sadd.s32 s11, s2  }
0x11: {  	s5 =	sadd.s32 $0xDC00, s10;
	s8 =	sadd.s32 $0x12000, s7;
	s9 =	sadd.s32 $0x3FA00, s9  }
0x12: {  	s10 =	smax.u32 s12, $0x1;
	s11 =	sadd.s32 $0x3000, s7;
	s12 =	sadd.s32 $0x6000, s7  }
0x13: {  	v0 =	vimm.f32 $0.0e+00;
	s13 =	sadd.s32 $0x9000, s7;
	s14 =	sadd.s32 $0xC000, s7;
	s15 =	sadd.s32 $0xF000, s7  }
.LBB2_1:
0x14: {  	[tilespmem:s3], [sflag:$0x1] =	stream.strided.gather [hbm4b:s5+s16], $0x2780, s17, s16, $0x38;
	[tilespmem:$0x1FF80] =	vst v63  }
0x15: {  	s29 =	simm.s32 $0x0;
	s30 =	simm.s32 $0x200  }
0x16: {  	[tilespmem:s18], [sflag:$0x2] =	stream.linear.gather [hbm4b:s6+s3], $0x3480, $0x38;
	[tilespmem:$0x1FF80] =	vst v63  }
.LBB2_2:
0x17: {  	p0 =	sne.s32 s30, $0xBE00;
	[tilespmem:s29+$0x5FF0] =	vst v0  }
0x18: {  	[tilespmem:s29+$0x5F80] =	vst v0  }
0x19: {  	[tilespmem:s29+$0x5F90] =	vst v0  }
.Ltmp0:
0x1a: {  	[tilespmem:s29+$0x5FA0] =	vst v0;
	(pc) =	sbr.rel @p0 .LBB2_2-.Ltmp0, $4  }
0x1b: {  	[tilespmem:s29+$0x5FB0] =	vst v0  }
0x1c: {  	[tilespmem:s29+$0x5FC0] =	vst v0  }
0x1d: {  	[tilespmem:s29+$0x5FD0] =	vst v0  }
0x1e: {  	[tilespmem:s29+$0x5FE0] =	vst v0;
	s29 =	sshra.s32 s30, $0x2;
	s30 =	sadd.s32 $0x200, s30  }
0x1f: {  	[tilespmem:s29+$0x5FF0] =	vst v0  }
0x20: {  	[tilespmem:s29+$0x5F80] =	vst v0  }
0x21: {  	[tilespmem:s29+$0x5F90] =	vst v0  }
0x22: {  	[tilespmem:s29+$0x5FA0] =	vst v0  }
0x23: {  	[tilespmem:s29+$0x5FB0] =	vst v0  }
0x24: {  	[tilespmem:s29+$0x5FC0] =	vst v0  }
0x25: {  	[tilespmem:s29+$0x5FD0] =	vst v0  }
0x26: {  	[tilespmem:s29+$0x5FE0] =	vst v0  }
0x27: {  	_ =	swait.ge [sflag:s19], $0x2780  }
0x28: {  	[sflag:s19] =	ssyncset.done $0x0  }
0x29: {  	[sflag:s19] =	ssyncadd.s32 $0xFFFFD880  }
0x2a: {  	_ =	swait.ge [sflag:s20], $0x3480  }
0x2b: {  	[sflag:s20] =	ssyncset.done $0x0  }
0x2c: {  	s29 =	simm.s32 $0x0;
	[sflag:s20] =	ssyncadd.s32 $0xFFFFCB80  }
0x2d: {  	[tilespmem:s22], [sflag:$0x2] =	stream.indirect.gather [hbm4b:s4+s21], $0x80, s29, s21, $0xb8;
	[tilespmem:$0x1FF80] =	vst v63  }
0x2e: {  	_ = 	snop  }
0x2f: {  	[spmem:s7] =	stream.linear.scatter [tilespmem:s23], [sflag:$0x3], $0x3000, $0x38;
	[tilespmem:$0x1FF80] =	vst v63  }
0x30: {  	_ =	swait.ge [sflag:s24], $0x3000  }
0x31: {  	[sflag:s24] =	ssyncset.done $0x0  }
0x32: {  	[sflag:s24] =	ssyncadd.s32 $0xFFFFD000  }
0x33: {  	[spmem:s11] =	stream.linear.scatter [tilespmem:s23], [sflag:$0x3], $0x3000, $0x38;
	[tilespmem:$0x1FF80] =	vst v63  }
0x34: {  	_ =	swait.ge [sflag:s24], $0x3000  }
0x35: {  	[sflag:s24] =	ssyncset.done $0x0  }
0x36: {  	[sflag:s24] =	ssyncadd.s32 $0xFFFFD000  }
0x37: {  	[spmem:s12] =	stream.linear.scatter [tilespmem:s23], [sflag:$0x3], $0x3000, $0x38;
	[tilespmem:$0x1FF80] =	vst v63  }
0x38: {  	_ =	swait.ge [sflag:s24], $0x3000  }
0x39: {  	[sflag:s24] =	ssyncset.done $0x0  }
0x3a: {  	[sflag:s24] =	ssyncadd.s32 $0xFFFFD000  }
0x3b: {  	[spmem:s13] =	stream.linear.scatter [tilespmem:s23], [sflag:$0x3], $0x3000, $0x38;
	[tilespmem:$0x1FF80] =	vst v63  }
0x3c: {  	_ =	swait.ge [sflag:s24], $0x3000  }
0x3d: {  	[sflag:s24] =	ssyncset.done $0x0  }
0x3e: {  	[sflag:s24] =	ssyncadd.s32 $0xFFFFD000  }
0x3f: {  	[spmem:s14] =	stream.linear.scatter [tilespmem:s23], [sflag:$0x3], $0x3000, $0x38;
	[tilespmem:$0x1FF80] =	vst v63  }
0x40: {  	_ =	swait.ge [sflag:s24], $0x3000  }
0x41: {  	[sflag:s24] =	ssyncset.done $0x0  }
0x42: {  	[sflag:s24] =	ssyncadd.s32 $0xFFFFD000  }
0x43: {  	[spmem:s15] =	stream.linear.scatter [tilespmem:s23], [sflag:$0x3], $0x3000, $0x38;
	[tilespmem:$0x1FF80] =	vst v63  }
0x44: {  	_ =	swait.ge [sflag:s24], $0x3000  }
0x45: {  	[sflag:s24] =	ssyncset.done $0x0  }
0x46: {  	[sflag:s24] =	ssyncadd.s32 $0xFFFFD000  }
0x47: {  	[spmem:s8] =	stream.linear.scatter [tilespmem:s23], [sflag:$0x3], $0x2000, $0x38;
	[tilespmem:$0x1FF80] =	vst v63  }
0x48: {  	_ =	swait.ge [sflag:s24], $0x2000  }
0x49: {  	[sflag:s24] =	ssyncset.done $0x0  }
0x4a: {  	[sflag:s24] =	ssyncadd.s32 $0xFFFFE000  }
0x4b: {  	s29 =	simm.s32 $0x60;
	[bflag:$0x0] =	sbarrier.arrive $0xFFFF  }
0x4c: {  	[tilespmem:s23], [sflag:$0x1] =	stream.indirect.gather [hbm4b:s4+s21], $0x80, s29, s21, $0xb8;
	[tilespmem:$0x1FF80] =	vst v63  }
0x4d: {  	_ =	swait.ge [sflag:s20], $0x3000  }
0x4e: {  	[sflag:s20] =	ssyncset.done $0x0  }
0x4f: {  	s29 =	simm.s32 $0x2780;
	[sflag:s20] =	ssyncadd.s32 $0xFFFFD000  }
0x50: {  	[spmem:s2] =	stream.indirect.scatter.add.f32 [tilespmem:s22], [sflag:$0x3], $0x80, s29, s21, $0xb8;
	[tilespmem:$0x1FF80] =	vst v63  }
0x51: {  	_ =	swait.ge [sflag:s24], $0x3000  }
0x52: {  	[sflag:s24] =	ssyncset.done $0x0  }
0x53: {  	s29 =	simm.s32 $0xC0;
	[sflag:s24] =	ssyncadd.s32 $0xFFFFD000  }
0x54: {  	[tilespmem:s22], [sflag:$0x2] =	stream.indirect.gather [hbm4b:s4+s21], $0x80, s29, s21, $0xb8;
	[tilespmem:$0x1FF80] =	vst v63  }
0x55: {  	_ =	swait.ge [sflag:s19], $0x3000  }
0x56: {  	[sflag:s19] =	ssyncset.done $0x0  }
0x57: {  	s29 =	simm.s32 $0x2800;
	[sflag:s19] =	ssyncadd.s32 $0xFFFFD000  }
0x58: {  	[spmem:s2] =	stream.indirect.scatter.add.f32 [tilespmem:s23], [sflag:$0x3], $0x80, s29, s21, $0xb8;
	[tilespmem:$0x1FF80] =	vst v63  }
0x59: {  	s30 =	simm.s32 $0x400;
	_ =	swait.ge [sflag:s24], $0x3000  }
0x5a: {  	s31 =	simm.s32 $0x800;
	s29 =	simm.s32 $0x180;
	[sflag:s24] =	ssyncset.done $0x0  }
.LBB2_4:
0x5b: {  	p0 =	sne.s32 s31, $0xCC00;
	s1 =	sadd.s32 $0xFFFFFFA0, s29;
	[sflag:s24] =	ssyncadd.s32 $0xFFFFD000  }
0x5c: {  	[tilespmem:s23], [sflag:$0x1] =	stream.indirect.gather [hbm4b:s4+s21], $0x80, s1, s21, $0xb8;
	[tilespmem:$0x1FF80] =	vst v63  }
0x5d: {  	s1 =	smov.u32 s31;
	s31 =	sadd.s32 $0x400, s31;
	_ =	swait.ge [sflag:s20], $0x3000  }
0x5e: {  	s0 =	sshra.s32 s30, $0x2;
	s30 =	smov.u32 s1;
	[sflag:s20] =	ssyncset.done $0x0  }
0x5f: {  	s1 =	sadd.s32 $0x2780, s0;
	[sflag:s20] =	ssyncadd.s32 $0xFFFFD000  }
0x60: {  	[spmem:s2] =	stream.indirect.scatter.add.f32 [tilespmem:s22], [sflag:$0x3], $0x80, s1, s21, $0xb8;
	[tilespmem:$0x1FF80] =	vst v63  }
0x61: {  	_ =	swait.ge [sflag:s24], $0x3000  }
0x62: {  	[sflag:s24] =	ssyncset.done $0x0  }
0x63: {  	[sflag:s24] =	ssyncadd.s32 $0xFFFFD000  }
0x64: {  	[tilespmem:s22], [sflag:$0x2] =	stream.indirect.gather [hbm4b:s4+s21], $0x80, s29, s21, $0xb8;
	[tilespmem:$0x1FF80] =	vst v63  }
0x65: {  	_ =	swait.ge [sflag:s19], $0x3000  }
.Ltmp1:
0x66: {  	[sflag:s19] =	ssyncset.done $0x0;
	(pc) =	sbr.rel @p0 .LBB2_4-.Ltmp1, $4  }
0x67: {  	s0 =	sadd.s32 $0x2800, s0;
	[sflag:s19] =	ssyncadd.s32 $0xFFFFD000  }
0x68: {  	[spmem:s2] =	stream.indirect.scatter.add.f32 [tilespmem:s23], [sflag:$0x3], $0x80, s0, s21, $0xb8;
	[tilespmem:$0x1FF80] =	vst v63  }
0x69: {  	_ =	swait.ge [sflag:s24], $0x3000  }
0x6a: {  	s29 =	sadd.s32 $0xC0, s29;
	[sflag:s24] =	ssyncset.done $0x0  }
0x6b: {  	s0 =	sadd.s32 $0xFFFFFFA0, s29;
	[sflag:s24] =	ssyncadd.s32 $0xFFFFD000  }
0x6c: {  	[tilespmem:s23], [sflag:$0x1] =	stream.indirect.gather [hbm4b:s4+s21], $0x80, s0, s21, $0xb8;
	[tilespmem:$0x1FF80] =	vst v63  }
0x6d: {  	_ =	swait.ge [sflag:s20], $0x3000  }
0x6e: {  	s30 =	sshra.s32 s30, $0x2;
	[sflag:s20] =	ssyncset.done $0x0  }
0x6f: {  	s1 =	sadd.s32 $0x2780, s30;
	[sflag:s20] =	ssyncadd.s32 $0xFFFFD000  }
0x70: {  	[spmem:s2] =	stream.indirect.scatter.add.f32 [tilespmem:s22], [sflag:$0x3], $0x80, s1, s21, $0xb8;
	[tilespmem:$0x1FF80] =	vst v63  }
0x71: {  	_ =	swait.ge [sflag:s24], $0x3000  }
0x72: {  	[sflag:s24] =	ssyncset.done $0x0  }
0x73: {  	[sflag:s24] =	ssyncadd.s32 $0xFFFFD000  }
0x74: {  	[tilespmem:s22], [sflag:$0x2] =	stream.indirect.gather [hbm4b:s4+s21], $0x80, s29, s21, $0xb8;
	[tilespmem:$0x1FF80] =	vst v63  }
0x75: {  	_ =	swait.ge [sflag:s19], $0x3000  }
0x76: {  	[sflag:s19] =	ssyncset.done $0x0  }
0x77: {  	s0 =	sadd.s32 $0x2800, s30;
	[sflag:s19] =	ssyncadd.s32 $0xFFFFD000  }
0x78: {  	[spmem:s2] =	stream.indirect.scatter.add.f32 [tilespmem:s23], [sflag:$0x3], $0x80, s0, s21, $0xb8;
	[tilespmem:$0x1FF80] =	vst v63  }
0x79: {  	_ =	swait.ge [sflag:s24], $0x3000  }
0x7a: {  	[sflag:s24] =	ssyncset.done $0x0  }
0x7b: {  	[sflag:s24] =	ssyncadd.s32 $0xFFFFD000  }
0x7c: {  	_ =	swait.ge [sflag:s20], $0x3000  }
0x7d: {  	[sflag:s20] =	ssyncset.done $0x0  }
0x7e: {  	[sflag:s20] =	ssyncadd.s32 $0xFFFFD000  }
0x7f: {  	[spmem:s2] =	stream.indirect.scatter.add.f32 [tilespmem:s22], [sflag:$0x3], $0x80, s26, s21, $0xb8;
	[tilespmem:$0x1FF80] =	vst v63  }
0x80: {  	_ =	swait.ge [sflag:s24], $0x3000  }
0x81: {  	s28 =	sadd.s32 $0x1, s28;
	[sflag:s24] =	ssyncset.done $0x0  }
0x82: {  	p0 =	sne.s32 s28, s10;
	[sflag:s24] =	ssyncadd.s32 $0xFFFFD000  }
.Ltmp2:
0x83: {  	s31 =	sshrl.u32 s7, $0x3;
	[bflag:$0x0] =	sbarrier.arrive $0xFFFF;
	(pc) =	sbr.rel @p0 .LBB2_1-.Ltmp2, $4  }
0x84: {  	[hbm:s9], [sflag:s25] =	dma.local [spmem:s31], $0x2800  }
0x85: {  	_ =	swait.ge [sflag:s24], $0x2800  }
0x86: {  	[sflag:s24] =	ssyncset.done $0x0  }
0x87: {  	[sflag:s24] =	ssyncadd.s32 $0xFFFFD800  }
0x88: {  	_ =	sfence.sel $0x180000  }
0x89: {  	[bflag:$0x0] =	sbarrier.arrive $0xFFFF  }
0x8a: {  	_ =	strace $0x9000004D  }
0x8b: {  	s0 =	stileid.u32;
	[bflag:$0x2] =	sbarrier.arrive $0xFFFF  }
0x8c: {  	p0 =	sne.s32 s0, $0x0;
	s0 =	rddreg [dreg:$0x3]  }
0x8d: {  	s0 =	sadd.s32 @!p0 $0x100000, s0  }
0x8e: {  	[sflag:s0] =	ssyncadd.tile.s32 @!p0 $0x1;
	_ =	shalt  }
.Lfunc_end2:
_tile_overlayer_lowered:
.L_overlay_start_2:
0x8f: {  	(tag) =	ssettag $0x2  }
0x90: {  	s0 =	rddreg [dreg:$0x0];
	s2 =	stileid.u32  }
0x91: {  	s1 =	rddreg [dreg:$0x1];
	p0 =	sne.s32 s2, $0x0  }
0x92: {  	s3 =	rddreg [dreg:$0x2];
	[bflag:$0x3] =	sbarrier.arrive $0xFFFF;
	s2 =	simm.s32 @!p0 $0x1C03  }
0x93: {  	[timem:s3], [sflag:s2] =	dma.local @!p0 [hbm:s0], s1  }
0x94: {  	s0 =	simm.s32 @!p0 $0x3  }
0x95: {  	_ =	swait.ge @!p0 [sflag:s0], s1  }
0x96: {  	s1 =	ssub.s32 @!p0 $0x0, s1;
	[sflag:s0] =	ssyncset.done @!p0 $0x0  }
0x97: {  	[sflag:s0] =	ssyncadd.s32 @!p0 s1  }
0x98: {  	[bflag:$0x3] =	sbarrier.arrive $0xFFFF  }
0x99: {  	_ =	shalt  }

// kernel: _gcn.19.cloned.1.call-start
scs
__scs_entry_jumppad:
0x0: {  	(pc) =	sbr.rel $0x88, $3  }
0x1: {  	(tag) =	ssettag $0x0;
	lr =	simm.s32 $0x1  }
0x2: {  	[smem:$0x3F99] =	sst lr;
	_ =	strace $0xD0000000  }
0x3: {  	_ = 	snop  }
0x4: {  	_ = 	snop  }
0x5: {  	_ = 	snop  }
0x6: {  	_ = 	snop  }
0x7: {  	_ = 	snop  }
__scs_overlays_trampoline_lowered:
0x8: {  	[smem:$0x3FA8] =	sst s0  }
0x9: {  	[smem:$0x3FA9] =	sst s1  }
0xa: {  	[smem:$0x3FAA] =	sst s2  }
0xb: {  	[smem:$0x3FAB] =	sst s3  }
0xc: {  	[smem:$0x3FAC] =	sst s4  }
0xd: {  	[smem:$0x3FAD] =	sst s5  }
0xe: {  	[smem:$0x3FAE] =	sst s6  }
0xf: {  	[smem:$0x3FAF] =	sst s7  }
0x10: {  	[smem:$0x3FB0] =	sst s8  }
0x11: {  	[smem:$0x3FB1] =	sst s9;
	s0 =	simm.s32 @!p0 $0x0  }
0x12: {  	s1 =	sld [smem:$0x3F97];
	s0 =	simm.s32 @p0 $0x1  }
0x13: {  	[smem:$0x3FB2] =	sst s0;
	s0 =	simm.s32 @!p1 $0x0  }
0x14: {  	s2 =	sld [smem:$0x3F96];
	s0 =	simm.s32 @p1 $0x1  }
0x15: {  	[smem:$0x3FB3] =	sst s0;
	s0 =	simm.s32 @!p2 $0x0  }
0x16: {  	s3 =	sld [smem:$0x3FDB];
	s0 =	simm.s32 @p2 $0x1  }
0x17: {  	s4 =	simm.s32 $0x1BF5;
	[smem:$0x3FB5] =	sst s0  }
0x18: {  	s0 =	sld [smem:$0x3F98];
	_ =	swait.ge [sflag:s4], $0x0  }
0x19: {  	s7 =	sld [smem:$0x3F99]  }
0x1a: {  	s8 =	sadd.s32 $0xFFFFE003, lr  }
0x1b: {  	s9 =	sadd.s32 $0xFFFFFEF7, lr;
	s5 =	simm.s32 $0xFFFFFFFF;
	p2 =	slt.u32 s8, $0xFFFFF086  }
0x1c: {  	p1 =	slt.u32 s9, $0xF7A;
	s5 =	simm.s32 @!p2 $0x0  }
0x1d: {  	s5 =	simm.s32 @p1 $0x1;
	p0 =	seq.s32 s7, s2  }
0x1e: {  	s7 =	smul.u32 @!p0 $0xF7A, s2;
	p2 =	seq.s32 @!p0 s5, $0x0  }
0x1f: {  	s9 =	smul.u32 $0xF7A, s1;
	s8 =	simm.s32 @!p0 $0x1BF5;
	p2 =	por !p2, p0  }
0x20: {  	[sflag:s8] =	ssyncset.s32 @!p0 $0xFFFFF086;
	s6 =	sadd.s32 @!p0 s3, s7;
	s7 =	simm.s32 @!p0 $0x108  }
0x21: {  	s3 =	sadd.s32 s3, s9;
	s6 =	sadd.s32 @!p0 $0x88, s6;
	s7 =	simm.s32 @p2 $0x1082  }
0x22: {  	[simem:s7], [sflag:s8] =	dma.local @!p0 [hbm:s6], $0xF7A  }
0x23: {  	s9 =	sor.u32 $0xD0000000, s2;
	s6 =	simm.s32 $0x108;
	_ =	swait.ge @!p0 [sflag:s8], $0x0  }
0x24: {  	s3 =	sadd.s32 $0x88, s3;
	s6 =	simm.s32 @!p1 $0x1082;
	[sflag:s4] =	ssyncset.s32 $0xFFFFF086  }
0x25: {  	[simem:s6], [sflag:s4] =	dma.local [hbm:s3], $0xF7A  }
0x26: {  	[smem:$0x3F99] =	sst s1;
	(tag) =	ssettag s2;
	_ =	strace s9  }
0x27: {  	s1 =	sld [smem:$0x3FA9]  }
0x28: {  	s2 =	sld [smem:$0x3FAA]  }
0x29: {  	s4 =	sld [smem:$0x3FAC]  }
0x2a: {  	p0 =	seq.s32 s5, $0x0;
	s5 =	sld [smem:$0x3FAD]  }
0x2b: {  	s6 =	sld [smem:$0x3FAE]  }
0x2c: {  	s7 =	sld [smem:$0x3FAF]  }
0x2d: {  	s3 =	simm.s32 $0x108;
	s8 =	sld [smem:$0x3FB0]  }
0x2e: {  	s3 =	simm.s32 @!p0 $0x1082;
	s9 =	sld [smem:$0x3FB1]  }
0x2f: {  	lr =	sadd.s32 s0, s3;
	s0 =	sld [smem:$0x3FA8]  }
0x30: {  	s3 =	sld [smem:$0x3FAB]  }
0x31: {  	[smem:$0x3FB4] =	sst s10  }
0x32: {  	s10 =	sld [smem:$0x3FB2];
	_ =	sdelay $0x3  }
0x33: {  	p0 =	seq.s32 s10, $0x1;
	s10 =	sld [smem:$0x3FB4];
	_ =	sdelay $0x3  }
0x34: {  	[smem:$0x3FB4] =	sst s10  }
0x35: {  	s10 =	sld [smem:$0x3FB3];
	_ =	sdelay $0x3  }
0x36: {  	p1 =	seq.s32 s10, $0x1;
	s10 =	sld [smem:$0x3FB4];
	_ =	sdelay $0x3  }
0x37: {  	[smem:$0x3FB4] =	sst s10  }
0x38: {  	s10 =	sld [smem:$0x3FB5]  }
0x39: {  	_ = 	snop;
	(pc) =	sbr.ind lr, $3  }
0x3a: {  	_ = 	snop  }
0x3b: {  	_ = 	snop  }
0x3c: {  	p2 =	seq.s32 s10, $0x1;
	s10 =	sld [smem:$0x3FB4]  }
0x3d: {  	_ =	shalt  }
0x3e: {  	_ =	shalt  }
0x3f: {  	_ =	shalt  }
0x40: {  	_ =	shalt  }
0x41: {  	_ =	shalt  }
0x42: {  	_ =	shalt  }
0x43: {  	_ =	shalt  }
0x44: {  	_ =	shalt  }
0x45: {  	_ =	shalt  }
0x46: {  	_ =	shalt  }
0x47: {  	_ =	shalt  }
0x48: {  	_ =	shalt  }
0x49: {  	_ =	shalt  }
0x4a: {  	_ =	shalt  }
0x4b: {  	_ =	shalt  }
0x4c: {  	_ =	shalt  }
0x4d: {  	_ =	shalt  }
0x4e: {  	_ =	shalt  }
0x4f: {  	_ =	shalt  }
0x50: {  	_ =	shalt  }
0x51: {  	_ =	shalt  }
0x52: {  	_ =	shalt  }
0x53: {  	_ =	shalt  }
0x54: {  	_ =	shalt  }
0x55: {  	_ =	shalt  }
0x56: {  	_ =	shalt  }
0x57: {  	_ =	shalt  }
0x58: {  	_ =	shalt  }
0x59: {  	_ =	shalt  }
0x5a: {  	_ =	shalt  }
0x5b: {  	_ =	shalt  }
0x5c: {  	_ =	shalt  }
0x5d: {  	_ =	shalt  }
0x5e: {  	_ =	shalt  }
0x5f: {  	_ =	shalt  }
0x60: {  	_ =	shalt  }
0x61: {  	_ =	shalt  }
0x62: {  	_ =	shalt  }
0x63: {  	_ =	shalt  }
0x64: {  	_ =	shalt  }
0x65: {  	_ =	shalt  }
0x66: {  	_ =	shalt  }
0x67: {  	_ =	shalt  }
0x68: {  	_ =	shalt  }
0x69: {  	_ =	shalt  }
0x6a: {  	_ =	shalt  }
0x6b: {  	_ =	shalt  }
0x6c: {  	_ =	shalt  }
0x6d: {  	_ =	shalt  }
0x6e: {  	_ =	shalt  }
0x6f: {  	_ =	shalt  }
0x70: {  	_ =	shalt  }
0x71: {  	_ =	shalt  }
0x72: {  	_ =	shalt  }
0x73: {  	_ =	shalt  }
0x74: {  	_ =	shalt  }
0x75: {  	_ =	shalt  }
0x76: {  	_ =	shalt  }
0x77: {  	_ =	shalt  }
0x78: {  	_ =	shalt  }
0x79: {  	_ =	shalt  }
0x7a: {  	_ =	shalt  }
0x7b: {  	_ =	shalt  }
0x7c: {  	_ =	shalt  }
0x7d: {  	_ =	shalt  }
0x7e: {  	_ =	shalt  }
0x7f: {  	_ =	shalt  }
0x80: {  	_ =	shalt  }
0x81: {  	_ =	shalt  }
0x82: {  	_ =	shalt  }
0x83: {  	_ =	shalt  }
0x84: {  	_ =	shalt  }
0x85: {  	_ =	shalt  }
0x86: {  	_ =	shalt  }
0x87: {  	_ =	shalt  }
.Lfunc_end0:
.L_simem_size_0:
called_computation.3_lowered:
.L_overlay_start_0:
0x88: {  	s2 =	sld [smem:$0x3FD9]  }
0x89: {  	s3 =	sld [smem:$0x3FFE];
	_ =	sdelay $0x1  }
0x8a: {  	s1 =	srdreg.scid  }
0x8b: {  	s0 =	sand.u32 $0x1, s1  }
0x8c: {  	s17 =	sshll.u32 s0, $0xA;
	s2 =	sadd.s32 s3, s2  }
0x8d: {  	s2 =	sadd.s32 s2, s17  }
0x8e: {  	[smem:$0x3FC0] =	sst s2  }
0x8f: {  	_ = 	snop  }
0x90: {  	s2 =	sld [smem:$0x3FD0];
	(tm) =	ssettm $0x1  }
0x91: {  	s18 =	sld [smem:$0x3FFB];
	_ =	sdelay $0x3  }
0x92: {  	_ =	strace s18  }
0x93: {  	s3 =	sld [smem:$0x3FFC];
	_ =	sdelay $0x3  }
0x94: {  	_ =	strace s3  }
0x95: {  	s3 =	sld [smem:$0x3FFD];
	_ =	sdelay $0x3  }
0x96: {  	_ =	strace s3  }
0x97: {  	_ =	strace $0x8FFFFFFF  }
0x98: {  	s19 =	sld [smem:$0x3FDB];
	_ =	sdelay $0x1  }
0x99: {  	s4 =	simm.s32 $_scs_section_size  }
0x9a: {  	s5 =	simm.s32 $_size__tile_overlayer_lowered;
	s6 =	simm.s32 $_tile_overlayer_lowered  }
0x9b: {  	s22 =	simm.s32 $0x1BFF;
	s21 =	sshll.u32 s6, $0x1;
	s3 =	sadd.s32 s4, s19  }
0x9c: {  	s7 =	simm.s32 $0x0;
	s20 =	sshll.u32 s5, $0x1;
	s5 =	sadd.s32 s21, s3  }
0x9d: {  	[timem:s7], [sflag:s22] =	dma.local [hbm:s5], s20  }
0x9e: {  	_ =	swait.ge [sflag:s22], s20  }
0x9f: {  	s4 =	ssub.s32 $0x0, s20;
	[sflag:s22] =	ssyncset.done $0x0  }
0xa0: {  	[sflag:s22] =	ssyncadd.s32 s4;
	_ =	sdelay $0x1  }
0xa1: {  	s23 =	simm.s32 $0x1B8B  }
0xa2: {  	_ =	swait.ge [sflag:s23], $0x1  }
0xa3: {  	[sflag:s23] =	ssyncset.done $0x0  }
0xa4: {  	s25 =	simm.s32 $0x1B8E;
	s24 =	sld [smem:$0x3FFE];
	[sflag:s23] =	ssyncadd.s32 $0xFFFFFFFF  }
0xa5: {  	s26 =	simm.s32 $execute0_lowered;
	[smem:$0x3FD2] =	sst s25  }
0xa6: {  	s5 =	sshll.u32 s26, $0x1;
	_ =	strace $0x8000004F;
	[dreg:$0x1] =	wrdreg $0xFFFFFFFF  }
0xa7: {  	s28 =	simm.s32 $_size_execute0_lowered;
	s3 =	sadd.s32 s3, s5;
	[dreg:$0x0] =	wrdreg $0x0  }
0xa8: {  	s5 =	sshll.u32 s28, $0x1;
	[dreg:$0x2] =	wrdreg s3  }
0xa9: {  	[dreg:$0x3] =	wrdreg s5  }
0xaa: {  	[dreg:$0x4] =	wrdreg $0xC0  }
0xab: {  	_ =	task [dreg:s7], $0x5FFFF  }
0xac: {  	[dreg:$0x1] =	wrdreg $0xFFFFFFFF  }
0xad: {  	[dreg:$0x0] =	wrdreg $0x60  }
0xae: {  	[dreg:$0x2] =	wrdreg s24  }
0xaf: {  	[dreg:$0x3] =	wrdreg s2  }
0xb0: {  	[dreg:$0x4] =	wrdreg $0xBF800  }
0xb1: {  	[dreg:$0x5] =	wrdreg $0x9  }
0xb2: {  	_ =	task.clear_ibuf [dreg:s7], $0x6FFFF;
	_ =	strace $0x9000004F  }
0xb3: {  	s29 =	simm.s32 $0x9;
	_ =	strace $0x80000051  }
0xb4: {  	_ =	swait.ge [sflag:s29], $0x1  }
0xb5: {  	[sflag:s29] =	ssyncadd.s32 $0xFFFFFFFF  }
0xb6: {  	_ =	strace $0x90000051  }
0xb7: {  	_ =	sfence  }
0xb8: {  	s30 =	sld [smem:$0x0];
	_ =	sdelay $0x2  }
0xb9: {  	s31 =	sshll.u32 s1, $0xD;
	s1 =	sshrl.u32 s1, $0x2  }
0xba: {  	s3 =	sand.u32 $0x4000, s31;
	s1 =	sadd.s32 s1, s30  }
0xbb: {  	s0 =	sor.u32 s3, s0;
	s1 =	sshll.u32 s1, $0x11  }
0xbc: {  	s0 =	sor.u32 s1, s0  }
0xbd: {  	s0 =	sadd.s32 $0x8F2B, s0  }
0xbe: {  	[sflag:s0] =	ssyncadd.remote.s32 $0x1  }
0xbf: {  	_ =	sfence.sel $0xFFFF  }
0xc0: {  	[dreg:$0x0] =	wrdreg $0xFFFFFFFF;
	(pc) =	sbr.abs _section_cstart, $3  }
0xc1: {  	[dreg:$0x1] =	wrdreg $0xFFFFFFFF  }
0xc2: {  	_ =	task.clear_ibuf [dreg:s7], $0x2FFFF;
	_ =	strace $0x9FFFFFFF  }
0xc3: {  	(tm) =	ssettm $0x7FFFFFFF  }
tec
execute0_lowered:
.L_overlay_start_1:
0x0: {  	(tag) =	ssettag $0x1  }
0x1: {  	s6 =	rddreg [dreg:$0x0]  }
0x2: {  	s0 =	srdreg.scid;
	s8 =	rddreg [dreg:$0x1]  }
0x3: {  	s29 =	stileid.u32;
	s2 =	rddreg [dreg:$0x2];
	s16 =	simm.s32 $0x80  }
0x4: {  	s17 =	simm.s32 $0x400;
	s18 =	simm.s32 $0x2780;
	s19 =	simm.s32 $0x1  }
0x5: {  	s20 =	simm.s32 $0x2;
	s21 =	simm.s32 $0x60;
	s22 =	simm.s32 $0x8F80  }
0x6: {  	s23 =	simm.s32 $0x5F80;
	s24 =	simm.s32 $0x3;
	s26 =	simm.s32 $0x5B80  }
0x7: {  	s28 =	simm.s32 $0x0;
	s5 =	sand.u32 $0x1, s0;
	s11 =	smul.u32 $0x14000, s29  }
0x8: {  	s3 =	sshll.u32 s29, $0x7;
	s31 =	smul.u32 $0x50000, s29;
	s1 =	sshll.u32 s5, $0x4  }
0x9: {  	s25 =	sshll.u32 s29, $0x6;
	s9 =	sand.u32 $0x380, s3;
	s7 =	sor.u32 s29, s1  }
0xa: {  	s3 =	simm.s32 $0x0;
	s30 =	smul.u32 $0x140000, s5;
	s1 =	sshrl.u32 s7, $0x3  }
0xb: {  	s5 =	ssub.s32 $0x2, s5;
	[smem:$0x7FF] =	sst s3;
	s4 =	smul.u32 $0x13C00, s1  }
0xc: {  	s25 =	sor.u32 $0x1C03, s25;
	s12 =	sshrl.u32 s5, $0x1;
	_ =	strace $0x80000050  }
0xd: {  	s7 =	smul.u32 $0x700, s7;
	s12 =	ssub.s32 s5, s12;
	s4 =	sor.u32 s9, s4  }
0xe: {  	s9 =	sadd.s32 s11, s30;
	s11 =	sshrl.u32 s31, $0x2;
	s10 =	sshrl.u32 s4, $0x3  }
0xf: {  	s4 =	sadd.s32 $0x17A00, s6;
	s9 =	sshrl.u32 s9, $0x3;
	s10 =	sadd.s32 s10, s6  }
0x10: {  	s9 =	sadd.s32 s9, s6;
	s6 =	sadd.s32 s8, s7;
	s7 =	sadd.s32 s11, s2  }
0x11: {  	s5 =	sadd.s32 $0xDC00, s10;
	s8 =	sadd.s32 $0x12000, s7;
	s9 =	sadd.s32 $0x3FA00, s9  }
0x12: {  	s10 =	smax.u32 s12, $0x1;
	s11 =	sadd.s32 $0x3000, s7;
	s12 =	sadd.s32 $0x6000, s7  }
0x13: {  	v0 =	vimm.f32 $0.0e+00;
	s13 =	sadd.s32 $0x9000, s7;
	s14 =	sadd.s32 $0xC000, s7;
	s15 =	sadd.s32 $0xF000, s7  }
.LBB2_1:
0x14: {  	[tilespmem:s3], [sflag:$0x1] =	stream.strided.gather [hbm4b:s5+s16], $0x2780, s17, s16, $0x38;
	[tilespmem:$0x1FF80] =	vst v63  }
0x15: {  	s29 =	simm.s32 $0x0;
	s30 =	simm.s32 $0x200  }
0x16: {  	[tilespmem:s18], [sflag:$0x2] =	stream.linear.gather [hbm4b:s6+s3], $0x3480, $0x38;
	[tilespmem:$0x1FF80] =	vst v63  }
.LBB2_2:
0x17: {  	p0 =	sne.s32 s30, $0xBE00;
	[tilespmem:s29+$0x5FF0] =	vst v0  }
0x18: {  	[tilespmem:s29+$0x5F80] =	vst v0  }
0x19: {  	[tilespmem:s29+$0x5F90] =	vst v0  }
.Ltmp0:
0x1a: {  	[tilespmem:s29+$0x5FA0] =	vst v0;
	(pc) =	sbr.rel @p0 .LBB2_2-.Ltmp0, $4  }
0x1b: {  	[tilespmem:s29+$0x5FB0] =	vst v0  }
0x1c: {  	[tilespmem:s29+$0x5FC0] =	vst v0  }
0x1d: {  	[tilespmem:s29+$0x5FD0] =	vst v0  }
0x1e: {  	[tilespmem:s29+$0x5FE0] =	vst v0;
	s29 =	sshra.s32 s30, $0x2;
	s30 =	sadd.s32 $0x200, s30  }
0x1f: {  	[tilespmem:s29+$0x5FF0] =	vst v0  }
0x20: {  	[tilespmem:s29+$0x5F80] =	vst v0  }
0x21: {  	[tilespmem:s29+$0x5F90] =	vst v0  }
0x22: {  	[tilespmem:s29+$0x5FA0] =	vst v0  }
0x23: {  	[tilespmem:s29+$0x5FB0] =	vst v0  }
0x24: {  	[tilespmem:s29+$0x5FC0] =	vst v0  }
0x25: {  	[tilespmem:s29+$0x5FD0] =	vst v0  }
0x26: {  	[tilespmem:s29+$0x5FE0] =	vst v0  }
0x27: {  	_ =	swait.ge [sflag:s19], $0x2780  }
0x28: {  	[sflag:s19] =	ssyncset.done $0x0  }
0x29: {  	[sflag:s19] =	ssyncadd.s32 $0xFFFFD880  }
0x2a: {  	_ =	swait.ge [sflag:s20], $0x3480  }
0x2b: {  	[sflag:s20] =	ssyncset.done $0x0  }
0x2c: {  	s29 =	simm.s32 $0x0;
	[sflag:s20] =	ssyncadd.s32 $0xFFFFCB80  }
0x2d: {  	[tilespmem:s22], [sflag:$0x2] =	stream.indirect.gather [hbm4b:s4+s21], $0x80, s29, s21, $0xb8;
	[tilespmem:$0x1FF80] =	vst v63  }
0x2e: {  	_ = 	snop  }
0x2f: {  	[spmem:s7] =	stream.linear.scatter [tilespmem:s23], [sflag:$0x3], $0x3000, $0x38;
	[tilespmem:$0x1FF80] =	vst v63  }
0x30: {  	_ =	swait.ge [sflag:s24], $0x3000  }
0x31: {  	[sflag:s24] =	ssyncset.done $0x0  }
0x32: {  	[sflag:s24] =	ssyncadd.s32 $0xFFFFD000  }
0x33: {  	[spmem:s11] =	stream.linear.scatter [tilespmem:s23], [sflag:$0x3], $0x3000, $0x38;
	[tilespmem:$0x1FF80] =	vst v63  }
0x34: {  	_ =	swait.ge [sflag:s24], $0x3000  }
0x35: {  	[sflag:s24] =	ssyncset.done $0x0  }
0x36: {  	[sflag:s24] =	ssyncadd.s32 $0xFFFFD000  }
0x37: {  	[spmem:s12] =	stream.linear.scatter [tilespmem:s23], [sflag:$0x3], $0x3000, $0x38;
	[tilespmem:$0x1FF80] =	vst v63  }
0x38: {  	_ =	swait.ge [sflag:s24], $0x3000  }
0x39: {  	[sflag:s24] =	ssyncset.done $0x0  }
0x3a: {  	[sflag:s24] =	ssyncadd.s32 $0xFFFFD000  }
0x3b: {  	[spmem:s13] =	stream.linear.scatter [tilespmem:s23], [sflag:$0x3], $0x3000, $0x38;
	[tilespmem:$0x1FF80] =	vst v63  }
0x3c: {  	_ =	swait.ge [sflag:s24], $0x3000  }
0x3d: {  	[sflag:s24] =	ssyncset.done $0x0  }
0x3e: {  	[sflag:s24] =	ssyncadd.s32 $0xFFFFD000  }
0x3f: {  	[spmem:s14] =	stream.linear.scatter [tilespmem:s23], [sflag:$0x3], $0x3000, $0x38;
	[tilespmem:$0x1FF80] =	vst v63  }
0x40: {  	_ =	swait.ge [sflag:s24], $0x3000  }
0x41: {  	[sflag:s24] =	ssyncset.done $0x0  }
0x42: {  	[sflag:s24] =	ssyncadd.s32 $0xFFFFD000  }
0x43: {  	[spmem:s15] =	stream.linear.scatter [tilespmem:s23], [sflag:$0x3], $0x3000, $0x38;
	[tilespmem:$0x1FF80] =	vst v63  }
0x44: {  	_ =	swait.ge [sflag:s24], $0x3000  }
0x45: {  	[sflag:s24] =	ssyncset.done $0x0  }
0x46: {  	[sflag:s24] =	ssyncadd.s32 $0xFFFFD000  }
0x47: {  	[spmem:s8] =	stream.linear.scatter [tilespmem:s23], [sflag:$0x3], $0x2000, $0x38;
	[tilespmem:$0x1FF80] =	vst v63  }
0x48: {  	_ =	swait.ge [sflag:s24], $0x2000  }
0x49: {  	[sflag:s24] =	ssyncset.done $0x0  }
0x4a: {  	[sflag:s24] =	ssyncadd.s32 $0xFFFFE000  }
0x4b: {  	s29 =	simm.s32 $0x60;
	[bflag:$0x0] =	sbarrier.arrive $0xFFFF  }
0x4c: {  	[tilespmem:s23], [sflag:$0x1] =	stream.indirect.gather [hbm4b:s4+s21], $0x80, s29, s21, $0xb8;
	[tilespmem:$0x1FF80] =	vst v63  }
0x4d: {  	_ =	swait.ge [sflag:s20], $0x3000  }
0x4e: {  	[sflag:s20] =	ssyncset.done $0x0  }
0x4f: {  	s29 =	simm.s32 $0x2780;
	[sflag:s20] =	ssyncadd.s32 $0xFFFFD000  }
0x50: {  	[spmem:s2] =	stream.indirect.scatter.add.f32 [tilespmem:s22], [sflag:$0x3], $0x80, s29, s21, $0xb8;
	[tilespmem:$0x1FF80] =	vst v63  }
0x51: {  	_ =	swait.ge [sflag:s24], $0x3000  }
0x52: {  	[sflag:s24] =	ssyncset.done $0x0  }
0x53: {  	s29 =	simm.s32 $0xC0;
	[sflag:s24] =	ssyncadd.s32 $0xFFFFD000  }
0x54: {  	[tilespmem:s22], [sflag:$0x2] =	stream.indirect.gather [hbm4b:s4+s21], $0x80, s29, s21, $0xb8;
	[tilespmem:$0x1FF80] =	vst v63  }
0x55: {  	_ =	swait.ge [sflag:s19], $0x3000  }
0x56: {  	[sflag:s19] =	ssyncset.done $0x0  }
0x57: {  	s29 =	simm.s32 $0x2800;
	[sflag:s19] =	ssyncadd.s32 $0xFFFFD000  }
0x58: {  	[spmem:s2] =	stream.indirect.scatter.add.f32 [tilespmem:s23], [sflag:$0x3], $0x80, s29, s21, $0xb8;
	[tilespmem:$0x1FF80] =	vst v63  }
0x59: {  	s30 =	simm.s32 $0x400;
	_ =	swait.ge [sflag:s24], $0x3000  }
0x5a: {  	s31 =	simm.s32 $0x800;
	s29 =	simm.s32 $0x180;
	[sflag:s24] =	ssyncset.done $0x0  }
.LBB2_4:
0x5b: {  	p0 =	sne.s32 s31, $0xCC00;
	s1 =	sadd.s32 $0xFFFFFFA0, s29;
	[sflag:s24] =	ssyncadd.s32 $0xFFFFD000  }
0x5c: {  	[tilespmem:s23], [sflag:$0x1] =	stream.indirect.gather [hbm4b:s4+s21], $0x80, s1, s21, $0xb8;
	[tilespmem:$0x1FF80] =	vst v63  }
0x5d: {  	s1 =	smov.u32 s31;
	s31 =	sadd.s32 $0x400, s31;
	_ =	swait.ge [sflag:s20], $0x3000  }
0x5e: {  	s0 =	sshra.s32 s30, $0x2;
	s30 =	smov.u32 s1;
	[sflag:s20] =	ssyncset.done $0x0  }
0x5f: {  	s1 =	sadd.s32 $0x2780, s0;
	[sflag:s20] =	ssyncadd.s32 $0xFFFFD000  }
0x60: {  	[spmem:s2] =	stream.indirect.scatter.add.f32 [tilespmem:s22], [sflag:$0x3], $0x80, s1, s21, $0xb8;
	[tilespmem:$0x1FF80] =	vst v63  }
0x61: {  	_ =	swait.ge [sflag:s24], $0x3000  }
0x62: {  	[sflag:s24] =	ssyncset.done $0x0  }
0x63: {  	[sflag:s24] =	ssyncadd.s32 $0xFFFFD000  }
0x64: {  	[tilespmem:s22], [sflag:$0x2] =	stream.indirect.gather [hbm4b:s4+s21], $0x80, s29, s21, $0xb8;
	[tilespmem:$0x1FF80] =	vst v63  }
0x65: {  	_ =	swait.ge [sflag:s19], $0x3000  }
.Ltmp1:
0x66: {  	[sflag:s19] =	ssyncset.done $0x0;
	(pc) =	sbr.rel @p0 .LBB2_4-.Ltmp1, $4  }
0x67: {  	s0 =	sadd.s32 $0x2800, s0;
	[sflag:s19] =	ssyncadd.s32 $0xFFFFD000  }
0x68: {  	[spmem:s2] =	stream.indirect.scatter.add.f32 [tilespmem:s23], [sflag:$0x3], $0x80, s0, s21, $0xb8;
	[tilespmem:$0x1FF80] =	vst v63  }
0x69: {  	_ =	swait.ge [sflag:s24], $0x3000  }
0x6a: {  	s29 =	sadd.s32 $0xC0, s29;
	[sflag:s24] =	ssyncset.done $0x0  }
0x6b: {  	s0 =	sadd.s32 $0xFFFFFFA0, s29;
	[sflag:s24] =	ssyncadd.s32 $0xFFFFD000  }
0x6c: {  	[tilespmem:s23], [sflag:$0x1] =	stream.indirect.gather [hbm4b:s4+s21], $0x80, s0, s21, $0xb8;
	[tilespmem:$0x1FF80] =	vst v63  }
0x6d: {  	_ =	swait.ge [sflag:s20], $0x3000  }
0x6e: {  	s30 =	sshra.s32 s30, $0x2;
	[sflag:s20] =	ssyncset.done $0x0  }
0x6f: {  	s1 =	sadd.s32 $0x2780, s30;
	[sflag:s20] =	ssyncadd.s32 $0xFFFFD000  }
0x70: {  	[spmem:s2] =	stream.indirect.scatter.add.f32 [tilespmem:s22], [sflag:$0x3], $0x80, s1, s21, $0xb8;
	[tilespmem:$0x1FF80] =	vst v63  }
0x71: {  	_ =	swait.ge [sflag:s24], $0x3000  }
0x72: {  	[sflag:s24] =	ssyncset.done $0x0  }
0x73: {  	[sflag:s24] =	ssyncadd.s32 $0xFFFFD000  }
0x74: {  	[tilespmem:s22], [sflag:$0x2] =	stream.indirect.gather [hbm4b:s4+s21], $0x80, s29, s21, $0xb8;
	[tilespmem:$0x1FF80] =	vst v63  }
0x75: {  	_ =	swait.ge [sflag:s19], $0x3000  }
0x76: {  	[sflag:s19] =	ssyncset.done $0x0  }
0x77: {  	s0 =	sadd.s32 $0x2800, s30;
	[sflag:s19] =	ssyncadd.s32 $0xFFFFD000  }
0x78: {  	[spmem:s2] =	stream.indirect.scatter.add.f32 [tilespmem:s23], [sflag:$0x3], $0x80, s0, s21, $0xb8;
	[tilespmem:$0x1FF80] =	vst v63  }
0x79: {  	_ =	swait.ge [sflag:s24], $0x3000  }
0x7a: {  	[sflag:s24] =	ssyncset.done $0x0  }
0x7b: {  	[sflag:s24] =	ssyncadd.s32 $0xFFFFD000  }
0x7c: {  	_ =	swait.ge [sflag:s20], $0x3000  }
0x7d: {  	[sflag:s20] =	ssyncset.done $0x0  }
0x7e: {  	[sflag:s20] =	ssyncadd.s32 $0xFFFFD000  }
0x7f: {  	[spmem:s2] =	stream.indirect.scatter.add.f32 [tilespmem:s22], [sflag:$0x3], $0x80, s26, s21, $0xb8;
	[tilespmem:$0x1FF80] =	vst v63  }
0x80: {  	_ =	swait.ge [sflag:s24], $0x3000  }
0x81: {  	s28 =	sadd.s32 $0x1, s28;
	[sflag:s24] =	ssyncset.done $0x0  }
0x82: {  	p0 =	sne.s32 s28, s10;
	[sflag:s24] =	ssyncadd.s32 $0xFFFFD000  }
.Ltmp2:
0x83: {  	s31 =	sshrl.u32 s7, $0x3;
	[bflag:$0x0] =	sbarrier.arrive $0xFFFF;
	(pc) =	sbr.rel @p0 .LBB2_1-.Ltmp2, $4  }
0x84: {  	[hbm:s9], [sflag:s25] =	dma.local [spmem:s31], $0x2800  }
0x85: {  	_ =	swait.ge [sflag:s24], $0x2800  }
0x86: {  	[sflag:s24] =	ssyncset.done $0x0  }
0x87: {  	[sflag:s24] =	ssyncadd.s32 $0xFFFFD800  }
0x88: {  	_ =	sfence.sel $0x180000  }
0x89: {  	[bflag:$0x0] =	sbarrier.arrive $0xFFFF  }
0x8a: {  	_ =	strace $0x90000050  }
0x8b: {  	s0 =	stileid.u32;
	[bflag:$0x2] =	sbarrier.arrive $0xFFFF  }
0x8c: {  	p0 =	sne.s32 s0, $0x0;
	s0 =	rddreg [dreg:$0x3]  }
0x8d: {  	s0 =	sadd.s32 @!p0 $0x100000, s0  }
0x8e: {  	[sflag:s0] =	ssyncadd.tile.s32 @!p0 $0x1;
	_ =	shalt  }
.Lfunc_end2:
_tile_overlayer_lowered:
.L_overlay_start_2:
0x8f: {  	(tag) =	ssettag $0x2  }
0x90: {  	s0 =	rddreg [dreg:$0x0];
	s2 =	stileid.u32  }
0x91: {  	s1 =	rddreg [dreg:$0x1];
	p0 =	sne.s32 s2, $0x0  }
0x92: {  	s3 =	rddreg [dreg:$0x2];
	[bflag:$0x3] =	sbarrier.arrive $0xFFFF;
	s2 =	simm.s32 @!p0 $0x1C03  }
0x93: {  	[timem:s3], [sflag:s2] =	dma.local @!p0 [hbm:s0], s1  }
0x94: {  	s0 =	simm.s32 @!p0 $0x3  }
0x95: {  	_ =	swait.ge @!p0 [sflag:s0], s1  }
0x96: {  	s1 =	ssub.s32 @!p0 $0x0, s1;
	[sflag:s0] =	ssyncset.done @!p0 $0x0  }
0x97: {  	[sflag:s0] =	ssyncadd.s32 @!p0 s1  }
0x98: {  	[bflag:$0x3] =	sbarrier.arrive $0xFFFF  }
0x99: {  	_ =	shalt  }

</sc_bundles>
